<compile_context>
chip_gen: v7x
topology: tpu7x:2x2x1
jax: 0.10.2.dev20260603
libtpu: 0.0.44.dev20260713+nightly
codegen_flags: <defaults>
</compile_context>

<pallas_src>
import functools

import jax
import jax.numpy as jnp
from jax import lax
from jax.experimental import pallas as pl
from jax.experimental.pallas import tpu as pltpu
from jax.experimental.pallas import tpu_sc as plsc

NDIM = 128
HID = 64
L = 3
N = 10000
E = 320000
ATTS = 16
NP_ = 10240

NC = 2
NS = 16
NW = NC * NS
PER_TILE = E // NW
CHUNK = 80
NCHUNKS = PER_TILE // CHUNK
ROWS_PT = NP_ // NS
DW = 16



def _sc_body(compute_deg, *refs):
    if compute_deg:
        (src_hbm, dst_hbm, hf_hbm, hb_hbm, z64_hbm, zdw_hbm, ones_hbm,
         sf_out, sb_out, din_out, dout_out,
         srcb, dstb, rowsf, rowsb, srcb2, dstb2, rowsf2, rowsb2,
         onesv, accf, accb, accdi, accdo,
         semf, semb, semf2, semb2) = refs
    else:
        (src_hbm, dst_hbm, hf_hbm, hb_hbm, z64_hbm,
         sf_out, sb_out,
         srcb, dstb, rowsf, rowsb, srcb2, dstb2, rowsf2, rowsb2,
         accf, accb,
         semf, semb, semf2, semb2) = refs

    cid = lax.axis_index("c")
    sid = lax.axis_index("s")
    wid = sid * NC + cid
    rbase = sid * ROWS_PT

    pltpu.sync_copy(z64_hbm, accf.at[pl.ds(rbase, ROWS_PT)])
    pltpu.sync_copy(z64_hbm, accb.at[pl.ds(rbase, ROWS_PT)])
    if compute_deg:
        pltpu.sync_copy(zdw_hbm, accdi.at[pl.ds(rbase, ROWS_PT)])
        pltpu.sync_copy(zdw_hbm, accdo.at[pl.ds(rbase, ROWS_PT)])
        pltpu.sync_copy(ones_hbm, onesv)
    plsc.subcore_barrier()

    ebase = wid * PER_TILE

    bufA = (srcb, dstb, rowsf, rowsb, semf, semb)
    bufB = (srcb2, dstb2, rowsf2, rowsb2, semf2, semb2)

    def _start(k, sb_, db_, rf_, rb_, smf, smb):
        off = pl.multiple_of(ebase + k * CHUNK, 8)
        pltpu.sync_copy(src_hbm.at[pl.ds(off, CHUNK)], sb_)
        pltpu.sync_copy(dst_hbm.at[pl.ds(off, CHUNK)], db_)
        pltpu.async_copy(hf_hbm.at[sb_], rf_, smf)
        pltpu.async_copy(hb_hbm.at[db_], rb_, smb)

    def _finish(sb_, db_, rf_, rb_, smf, smb):
        pltpu.make_async_copy(hf_hbm.at[sb_], rf_, smf).wait()
        pltpu.sync_copy(rf_, accf.at[db_], add=True)
        pltpu.make_async_copy(hb_hbm.at[db_], rb_, smb).wait()
        pltpu.sync_copy(rb_, accb.at[sb_], add=True)
        if compute_deg:
            pltpu.sync_copy(onesv, accdi.at[db_], add=True)
            pltpu.sync_copy(onesv, accdo.at[sb_], add=True)

    _start(0, *bufA)

    @pl.loop(0, (NCHUNKS - 1) // 2)
    def _pair(j):
        _start(2 * j + 1, *bufB)
        _finish(*bufA)
        _start(2 * j + 2, *bufA)
        _finish(*bufB)

    _finish(*bufA)

    plsc.subcore_barrier()

    obase = cid * NP_ + rbase
    pltpu.sync_copy(accf.at[pl.ds(rbase, ROWS_PT)],
                    sf_out.at[pl.ds(obase, ROWS_PT)])
    pltpu.sync_copy(accb.at[pl.ds(rbase, ROWS_PT)],
                    sb_out.at[pl.ds(obase, ROWS_PT)])
    if compute_deg:
        pltpu.sync_copy(accdi.at[pl.ds(rbase, ROWS_PT)],
                        din_out.at[pl.ds(obase, ROWS_PT)])
        pltpu.sync_copy(accdo.at[pl.ds(rbase, ROWS_PT)],
                        dout_out.at[pl.ds(obase, ROWS_PT)])


def _make_sc_layer(compute_deg):
    outs = [jax.ShapeDtypeStruct((NC * NP_, HID), jnp.float32),
            jax.ShapeDtypeStruct((NC * NP_, HID), jnp.float32)]
    scratch = [
        pltpu.VMEM((CHUNK,), jnp.int32),
        pltpu.VMEM((CHUNK,), jnp.int32),
        pltpu.VMEM((CHUNK, HID), jnp.float32),
        pltpu.VMEM((CHUNK, HID), jnp.float32),
        pltpu.VMEM((CHUNK,), jnp.int32),
        pltpu.VMEM((CHUNK,), jnp.int32),
        pltpu.VMEM((CHUNK, HID), jnp.float32),
        pltpu.VMEM((CHUNK, HID), jnp.float32),
    ]
    if compute_deg:
        outs += [jax.ShapeDtypeStruct((NC * NP_, DW), jnp.float32),
                 jax.ShapeDtypeStruct((NC * NP_, DW), jnp.float32)]
        scratch.append(pltpu.VMEM((CHUNK, DW), jnp.float32))
    scratch += [
        pltpu.VMEM_SHARED((NP_, HID), jnp.float32),
        pltpu.VMEM_SHARED((NP_, HID), jnp.float32),
    ]
    if compute_deg:
        scratch += [pltpu.VMEM_SHARED((NP_, DW), jnp.float32),
                    pltpu.VMEM_SHARED((NP_, DW), jnp.float32)]
    scratch += [pltpu.SemaphoreType.DMA, pltpu.SemaphoreType.DMA,
                pltpu.SemaphoreType.DMA, pltpu.SemaphoreType.DMA]
    mesh = plsc.VectorSubcoreMesh(core_axis_name="c", subcore_axis_name="s",
                                  num_cores=NC, num_subcores=NS)
    return functools.partial(
        pl.kernel,
        out_type=tuple(outs),
        mesh=mesh,
        scratch_types=scratch,
        compiler_params=pltpu.CompilerParams(use_tc_tiling_on_sc=False),
    )(functools.partial(_sc_body, compute_deg))


@functools.lru_cache(maxsize=None)
def _sc_layers():
    return _make_sc_layer(True), _make_sc_layer(False)


def _rnd(x):
    return x.astype(jnp.bfloat16).astype(jnp.float32)


def _h0_body(atts_ref, emb_ref, out_ref, outr_ref):
    a = atts_ref[...]
    iota = lax.broadcasted_iota(jnp.int32, (a.shape[0], ATTS), 1)
    oh = (a == iota).astype(jnp.float32)
    h0 = jnp.dot(oh, emb_ref[...],
                 precision=lax.Precision.HIGHEST,
                 preferred_element_type=jnp.float32)
    out_ref[...] = h0
    outr_ref[...] = _rnd(h0)


def _gru_update(s0, s1, d0, d1, h, wm, bm, wih, whh, bih, bhh):
    S = s0[...] + s1[...]
    deg = d0[...][:, 0:1] + d1[...][:, 0:1]
    h_ = h[...]
    hr = _rnd(h_)
    wm_ = _rnd(wm[...])
    dn = (((1,), (1,)), ((), ()))
    hp = lax.Precision.HIGHEST
    t = lax.dot_general(hr, wm_[:, HID:], dn, precision=hp,
                        preferred_element_type=jnp.float32) + bm[...]
    aggr = lax.dot_general(S, wm_[:, :HID], dn, precision=hp,
                           preferred_element_type=jnp.float32) + deg * t
    gi = lax.dot_general(_rnd(aggr), _rnd(wih[...]), dn, precision=hp,
                         preferred_element_type=jnp.float32) + bih[...]
    gh = lax.dot_general(hr, _rnd(whh[...]), dn, precision=hp,
                         preferred_element_type=jnp.float32) + bhh[...]
    r = jax.nn.sigmoid(gi[:, :HID] + gh[:, :HID])
    z = jax.nn.sigmoid(gi[:, HID:2 * HID] + gh[:, HID:2 * HID])
    n = jnp.tanh(gi[:, 2 * HID:] + r * gh[:, 2 * HID:])
    return (1.0 - z) * n + z * h_


def _dense_body(sf0, sf1, sb0, sb1, di0, di1, do0, do1, hf, hb,
                wmf, bmf, wihf, whhf, bihf, bhhf,
                wmb, bmb, wihb, whhb, bihb, bhhb,
                hfo, hbo, hfro, hbro):
    hf_new = _gru_update(sf0, sf1, di0, di1, hf,
                         wmf, bmf, wihf, whhf, bihf, bhhf)
    hb_new = _gru_update(sb0, sb1, do0, do1, hb,
                         wmb, bmb, wihb, whhb, bihb, bhhb)
    hfo[...] = hf_new
    hbo[...] = hb_new
    hfro[...] = _rnd(hf_new)
    hbro[...] = _rnd(hb_new)


BN = 1280


def _dense_call(sf, sb, din, dout, hf, hb, wf, wb):
    nblk = NP_ // BN
    part0 = pl.BlockSpec((BN, HID), lambda i: (i, 0))
    part1 = pl.BlockSpec((BN, HID), lambda i: (i + nblk, 0))
    dpart0 = pl.BlockSpec((BN, DW), lambda i: (i, 0))
    dpart1 = pl.BlockSpec((BN, DW), lambda i: (i + nblk, 0))
    hspec = pl.BlockSpec((BN, HID), lambda i: (i, 0))

    def wspec(x):
        return pl.BlockSpec(x.shape, lambda i: tuple(0 for _ in x.shape))

    wmf, bmf, wihf, whhf, bihf, bhhf = wf
    wmb, bmb, wihb, whhb, bihb, bhhb = wb
    weights = (wmf, bmf, wihf, whhf, bihf, bhhf,
               wmb, bmb, wihb, whhb, bihb, bhhb)
    return pl.pallas_call(
        _dense_body,
        grid=(nblk,),
        in_specs=[part0, part1, part0, part1, dpart0, dpart1, dpart0, dpart1,
                  hspec, hspec] + [wspec(w) for w in weights],
        out_specs=[hspec, hspec, hspec, hspec],
        out_shape=[jax.ShapeDtypeStruct((NP_, HID), jnp.float32),
                   jax.ShapeDtypeStruct((NP_, HID), jnp.float32),
                   jax.ShapeDtypeStruct((NP_, HID), jnp.float32),
                   jax.ShapeDtypeStruct((NP_, HID), jnp.float32)],
    )(sf, sf, sb, sb, din, din, dout, dout, hf, hb, *weights)


def kernel(edge_index, node_atts, emb, msg_w_f, msg_b_f, gru_wih_f,
           gru_whh_f, gru_bih_f, gru_bhh_f, msg_w_b, msg_b_b, gru_wih_b,
           gru_whh_b, gru_bih_b, gru_bhh_b):
    src = edge_index[0]
    dst = edge_index[1]

    z64 = jnp.zeros((ROWS_PT, HID), jnp.float32)
    zdw = jnp.zeros((ROWS_PT, DW), jnp.float32)
    ones = jnp.ones((CHUNK, DW), jnp.float32)

    h0, h0r = pl.pallas_call(
        _h0_body,
        grid=(NP_ // BN,),
        in_specs=[pl.BlockSpec((BN, 1), lambda i: (i, 0)),
                  pl.BlockSpec((ATTS, HID), lambda i: (0, 0))],
        out_specs=[pl.BlockSpec((BN, HID), lambda i: (i, 0)),
                   pl.BlockSpec((BN, HID), lambda i: (i, 0))],
        out_shape=[jax.ShapeDtypeStruct((NP_, HID), jnp.float32),
                   jax.ShapeDtypeStruct((NP_, HID), jnp.float32)],
    )(jnp.pad(node_atts, (0, NP_ - N)).reshape(NP_, 1), emb)

    def weights_of(l, wm, bm, wih, whh, bih, bhh):
        return (wm[l], bm[l].reshape(1, NDIM), wih[l], whh[l],
                bih[l].reshape(1, 3 * HID), bhh[l].reshape(1, 3 * HID))

    sc_layer0, sc_layer = _sc_layers()
    hf = hb = h0
    hfr = hbr = h0r
    din = dout = None
    for l in range(L):
        if l == 0:
            sf, sb, din, dout = sc_layer0(src, dst, hfr, hbr, z64, zdw, ones)
        else:
            sf, sb = sc_layer(src, dst, hfr, hbr, z64)
        wf = weights_of(l, msg_w_f, msg_b_f, gru_wih_f, gru_whh_f,
                        gru_bih_f, gru_bhh_f)
        wb = weights_of(l, msg_w_b, msg_b_b, gru_wih_b, gru_whh_b,
                        gru_bih_b, gru_bhh_b)
        hf, hb, hfr, hbr = _dense_call(sf, sb, din, dout, hf, hb, wf, wb)

    return jnp.concatenate([hf[:N], hb[:N]], axis=1)

# --- scband reference (transcript-rebuilt; emitter-appended) ---
"""Pipeline reference for scband-node-emb-25563645346104 (READ-ONLY COPY).

The authoritative reference and input builder live on the scoring server;
editing this copy changes nothing except your own understanding.
"""

import jax, jax.numpy as jnp
import numpy as np

NDIM = 128
HID = 64
L = 3
N = 10000
E = 320000
ATTS = 16


def setup_inputs(seed: int = 0):
    key = jax.random.key(seed)
    ks = jax.random.split(key, 16)
    s_lin = 1.0 / np.sqrt(NDIM)
    s_hid = 1.0 / np.sqrt(HID)
    inp = {}
    inp['edge_index'] = jax.random.randint(ks[0], (2, E), 0, N, dtype=jnp.int32)
    inp['node_atts'] = jax.random.randint(ks[1], (N,), 0, ATTS, dtype=jnp.int32)
    inp['emb'] = jax.random.normal(ks[2], (ATTS, HID), dtype=jnp.float32) * 0.1
    inp['msg_w_f'] = jax.random.normal(ks[3], (L, NDIM, NDIM), dtype=jnp.float32) * s_lin
    inp['msg_b_f'] = jax.random.normal(ks[4], (L, NDIM), dtype=jnp.float32) * s_lin
    inp['gru_wih_f'] = jax.random.normal(ks[5], (L, 3 * HID, NDIM), dtype=jnp.float32) * s_hid
    inp['gru_whh_f'] = jax.random.normal(ks[6], (L, 3 * HID, HID), dtype=jnp.float32) * s_hid
    inp['gru_bih_f'] = jax.random.normal(ks[7], (L, 3 * HID), dtype=jnp.float32) * s_hid
    inp['gru_bhh_f'] = jax.random.normal(ks[8], (L, 3 * HID), dtype=jnp.float32) * s_hid
    inp['msg_w_b'] = jax.random.normal(ks[9], (L, NDIM, NDIM), dtype=jnp.float32) * s_lin
    inp['msg_b_b'] = jax.random.normal(ks[10], (L, NDIM), dtype=jnp.float32) * s_lin
    inp['gru_wih_b'] = jax.random.normal(ks[11], (L, 3 * HID, NDIM), dtype=jnp.float32) * s_hid
    inp['gru_whh_b'] = jax.random.normal(ks[12], (L, 3 * HID, HID), dtype=jnp.float32) * s_hid
    inp['gru_bih_b'] = jax.random.normal(ks[13], (L, 3 * HID), dtype=jnp.float32) * s_hid
    inp['gru_bhh_b'] = jax.random.normal(ks[14], (L, 3 * HID), dtype=jnp.float32) * s_hid
    return inp


def _gru_cell(x, h, Wih, Whh, bih, bhh):
    gi = x @ Wih.T + bih
    gh = h @ Whh.T + bhh
    i_r, i_z, i_n = jnp.split(gi, 3, axis=1)
    h_r, h_z, h_n = jnp.split(gh, 3, axis=1)
    r = jax.nn.sigmoid(i_r + h_r)
    z = jax.nn.sigmoid(i_z + h_z)
    n = jnp.tanh(i_n + r * h_n)
    return (1.0 - z) * n + z * h


def _gnn_layer(h, src, dst, Wm, bm, Wih, Whh, bih, bhh):
    # message: cat([h_j, h_i]) with j=src, i=dst, then Linear
    m = jnp.concatenate([h[src], h[dst]], axis=1)
    a = m @ Wm.T + bm
    # aggr='add' at target nodes i=dst
    aggr = jax.ops.segment_sum(a, dst, num_segments=h.shape[0])
    # update: GRUCell(aggr, h)
    return _gru_cell(aggr, h, Wih, Whh, bih, bhh)


def reference(edge_index, node_atts, emb, msg_w_f, msg_b_f, gru_wih_f, gru_whh_f, gru_bih_f, gru_bhh_f, msg_w_b, msg_b_b, gru_wih_b, gru_whh_b, gru_bih_b, gru_bhh_b):
    h0 = emb[node_atts]
    src = edge_index[0]
    dst = edge_index[1]
    h_fwd = h0
    for l in range(L):
        h_fwd = _gnn_layer(h_fwd, src, dst, msg_w_f[l], msg_b_f[l], gru_wih_f[l], gru_whh_f[l], gru_bih_f[l], gru_bhh_f[l])
    # backward direction: edge_index = edge_index[[1, 0]]
    h_bwd = h0
    for l in range(L):
        h_bwd = _gnn_layer(h_bwd, dst, src, msg_w_b[l], msg_b_b[l], gru_wih_b[l], gru_whh_b[l], gru_bih_b[l], gru_bhh_b[l])
    return jnp.concatenate([h_fwd, h_bwd], axis=1)

if __name__ == "__main__":
    import jax
    _d = setup_inputs()
    print(jax.jit(kernel)(*tuple(_d.values())))

</pallas_src>

<mosaic_0001>
#map = affine_map<(d0, d1) -> (0)>
#map1 = affine_map<(d0, d1) -> (0, 0)>
module attributes {stable_mosaic.version = 14 : i64} {
  func.func @_sc_body(%arg0: i32, %arg1: i32, %arg2: memref<320000xi32, #tpu.memory_space<hbm>>, %arg3: memref<320000xi32, #tpu.memory_space<hbm>>, %arg4: memref<10240x64xf32, #tpu.memory_space<hbm>>, %arg5: memref<10240x64xf32, #tpu.memory_space<hbm>>, %arg6: memref<640x64xf32, #tpu.memory_space<hbm>>, %arg7: memref<640x16xf32, #tpu.memory_space<hbm>>, %arg8: memref<80x16xf32, #tpu.memory_space<hbm>>, %arg9: memref<20480x64xf32, #tpu.memory_space<hbm>>, %arg10: memref<20480x64xf32, #tpu.memory_space<hbm>>, %arg11: memref<20480x16xf32, #tpu.memory_space<hbm>>, %arg12: memref<20480x16xf32, #tpu.memory_space<hbm>>, %arg13: memref<80xi32, #tpu.memory_space<vmem>>, %arg14: memref<80xi32, #tpu.memory_space<vmem>>, %arg15: memref<80x64xf32, #tpu.memory_space<vmem>>, %arg16: memref<80x64xf32, #tpu.memory_space<vmem>>, %arg17: memref<80xi32, #tpu.memory_space<vmem>>, %arg18: memref<80xi32, #tpu.memory_space<vmem>>, %arg19: memref<80x64xf32, #tpu.memory_space<vmem>>, %arg20: memref<80x64xf32, #tpu.memory_space<vmem>>, %arg21: memref<80x16xf32, #tpu.memory_space<vmem>>, %arg22: memref<10240x64xf32, #tpu.memory_space<vmem_shared>>, %arg23: memref<10240x64xf32, #tpu.memory_space<vmem_shared>>, %arg24: memref<10240x16xf32, #tpu.memory_space<vmem_shared>>, %arg25: memref<10240x16xf32, #tpu.memory_space<vmem_shared>>, %arg26: memref<!tpu.dma_semaphore, #tpu.memory_space<semaphore_mem>>, %arg27: memref<!tpu.dma_semaphore, #tpu.memory_space<semaphore_mem>>, %arg28: memref<!tpu.dma_semaphore, #tpu.memory_space<semaphore_mem>>, %arg29: memref<!tpu.dma_semaphore, #tpu.memory_space<semaphore_mem>>) attributes {dimension_semantics = [#tpu.dimension_semantics<core_parallel>, #tpu.dimension_semantics<subcore_parallel>], iteration_bounds = array<i64: 2, 16>, scalar_prefetch = 0 : i64, scratch_operands = 17 : i64, tpu.core_type = #tpu.core_type<sc_vector_subcore>, window_params = [{transform_indices = #map}, {transform_indices = #map}, {transform_indices = #map1}, {transform_indices = #map1}, {transform_indices = #map1}, {transform_indices = #map1}, {transform_indices = #map1}, {transform_indices = #map1}, {transform_indices = #map1}, {transform_indices = #map1}, {transform_indices = #map1}]} {
    %mul3A = arith.constant 2 : i32
    %mul3A_0 = arith.muli %arg1, %mul3A : i32
    %add3A = arith.addi %mul3A_0, %arg0 : i32
    %mul3A_1 = arith.constant 640 : i32
    %mul3A_2 = arith.muli %arg1, %mul3A_1 : i32
    "tpu.region"() ({
      %run_scoped3A = tpu.sem_alloc : memref<!tpu.dma_semaphore, #tpu.memory_space<semaphore_mem>>
      %dma_start3A_25 = arith.constant 0 : i32
      %dma_start3A_26 = tpu.memref_slice %arg22[%mul3A_2, %dma_start3A_25] : memref<10240x64xf32, #tpu.memory_space<vmem_shared>> -> memref<640x64xf32, #tpu.memory_space<vmem_shared>>
      tpu.enqueue_dma source(%arg6 : memref<640x64xf32, #tpu.memory_space<hbm>>) target(%dma_start3A_26 : memref<640x64xf32, #tpu.memory_space<vmem_shared>>) target_semaphore(%run_scoped3A : memref<!tpu.dma_semaphore, #tpu.memory_space<semaphore_mem>>)
      %dma_wait3A_27 = arith.constant 0 : i32
      %dma_wait3A_28 = tpu.memref_slice %arg22[%mul3A_2, %dma_wait3A_27] : memref<10240x64xf32, #tpu.memory_space<vmem_shared>> -> memref<640x64xf32, #tpu.memory_space<vmem_shared>>
      tpu.wait_dma2 semaphore(%run_scoped3A : memref<!tpu.dma_semaphore, #tpu.memory_space<semaphore_mem>>) src(%arg6 : memref<640x64xf32, #tpu.memory_space<hbm>>) dst(%dma_wait3A_28 : memref<640x64xf32, #tpu.memory_space<vmem_shared>>)
      tpu.yield
    }) : () -> ()
    "tpu.region"() ({
      %run_scoped3A = tpu.sem_alloc : memref<!tpu.dma_semaphore, #tpu.memory_space<semaphore_mem>>
      %dma_start3A_25 = arith.constant 0 : i32
      %dma_start3A_26 = tpu.memref_slice %arg23[%mul3A_2, %dma_start3A_25] : memref<10240x64xf32, #tpu.memory_space<vmem_shared>> -> memref<640x64xf32, #tpu.memory_space<vmem_shared>>
      tpu.enqueue_dma source(%arg6 : memref<640x64xf32, #tpu.memory_space<hbm>>) target(%dma_start3A_26 : memref<640x64xf32, #tpu.memory_space<vmem_shared>>) target_semaphore(%run_scoped3A : memref<!tpu.dma_semaphore, #tpu.memory_space<semaphore_mem>>)
      %dma_wait3A_27 = arith.constant 0 : i32
      %dma_wait3A_28 = tpu.memref_slice %arg23[%mul3A_2, %dma_wait3A_27] : memref<10240x64xf32, #tpu.memory_space<vmem_shared>> -> memref<640x64xf32, #tpu.memory_space<vmem_shared>>
      tpu.wait_dma2 semaphore(%run_scoped3A : memref<!tpu.dma_semaphore, #tpu.memory_space<semaphore_mem>>) src(%arg6 : memref<640x64xf32, #tpu.memory_space<hbm>>) dst(%dma_wait3A_28 : memref<640x64xf32, #tpu.memory_space<vmem_shared>>)
      tpu.yield
    }) : () -> ()
    "tpu.region"() ({
      %run_scoped3A = tpu.sem_alloc : memref<!tpu.dma_semaphore, #tpu.memory_space<semaphore_mem>>
      %dma_start3A_25 = arith.constant 0 : i32
      %dma_start3A_26 = tpu.memref_slice %arg24[%mul3A_2, %dma_start3A_25] : memref<10240x16xf32, #tpu.memory_space<vmem_shared>> -> memref<640x16xf32, #tpu.memory_space<vmem_shared>>
      tpu.enqueue_dma source(%arg7 : memref<640x16xf32, #tpu.memory_space<hbm>>) target(%dma_start3A_26 : memref<640x16xf32, #tpu.memory_space<vmem_shared>>) target_semaphore(%run_scoped3A : memref<!tpu.dma_semaphore, #tpu.memory_space<semaphore_mem>>)
      %dma_wait3A_27 = arith.constant 0 : i32
      %dma_wait3A_28 = tpu.memref_slice %arg24[%mul3A_2, %dma_wait3A_27] : memref<10240x16xf32, #tpu.memory_space<vmem_shared>> -> memref<640x16xf32, #tpu.memory_space<vmem_shared>>
      tpu.wait_dma2 semaphore(%run_scoped3A : memref<!tpu.dma_semaphore, #tpu.memory_space<semaphore_mem>>) src(%arg7 : memref<640x16xf32, #tpu.memory_space<hbm>>) dst(%dma_wait3A_28 : memref<640x16xf32, #tpu.memory_space<vmem_shared>>)
      tpu.yield
    }) : () -> ()
    "tpu.region"() ({
      %run_scoped3A = tpu.sem_alloc : memref<!tpu.dma_semaphore, #tpu.memory_space<semaphore_mem>>
      %dma_start3A_25 = arith.constant 0 : i32
      %dma_start3A_26 = tpu.memref_slice %arg25[%mul3A_2, %dma_start3A_25] : memref<10240x16xf32, #tpu.memory_space<vmem_shared>> -> memref<640x16xf32, #tpu.memory_space<vmem_shared>>
      tpu.enqueue_dma source(%arg7 : memref<640x16xf32, #tpu.memory_space<hbm>>) target(%dma_start3A_26 : memref<640x16xf32, #tpu.memory_space<vmem_shared>>) target_semaphore(%run_scoped3A : memref<!tpu.dma_semaphore, #tpu.memory_space<semaphore_mem>>)
      %dma_wait3A_27 = arith.constant 0 : i32
      %dma_wait3A_28 = tpu.memref_slice %arg25[%mul3A_2, %dma_wait3A_27] : memref<10240x16xf32, #tpu.memory_space<vmem_shared>> -> memref<640x16xf32, #tpu.memory_space<vmem_shared>>
      tpu.wait_dma2 semaphore(%run_scoped3A : memref<!tpu.dma_semaphore, #tpu.memory_space<semaphore_mem>>) src(%arg7 : memref<640x16xf32, #tpu.memory_space<hbm>>) dst(%dma_wait3A_28 : memref<640x16xf32, #tpu.memory_space<vmem_shared>>)
      tpu.yield
    }) : () -> ()
    "tpu.region"() ({
      %run_scoped3A = tpu.sem_alloc : memref<!tpu.dma_semaphore, #tpu.memory_space<semaphore_mem>>
      tpu.enqueue_dma source(%arg8 : memref<80x16xf32, #tpu.memory_space<hbm>>) target(%arg21 : memref<80x16xf32, #tpu.memory_space<vmem>>) target_semaphore(%run_scoped3A : memref<!tpu.dma_semaphore, #tpu.memory_space<semaphore_mem>>)
      tpu.wait_dma2 semaphore(%run_scoped3A : memref<!tpu.dma_semaphore, #tpu.memory_space<semaphore_mem>>) src(%arg8 : memref<80x16xf32, #tpu.memory_space<hbm>>) dst(%arg21 : memref<80x16xf32, #tpu.memory_space<vmem>>)
      tpu.yield
    }) : () -> ()
    %barrier3A = arith.constant 0 : index
    tpu.barrier barrier_id(%barrier3A)
    %mul3A_3 = arith.constant 10000 : i32
    %mul3A_4 = arith.muli %add3A, %mul3A_3 : i32
    %add3A_5 = arith.constant 0 : i32
    %add3A_6 = arith.addi %mul3A_4, %add3A_5 : i32
    %multiple_of3A = tpu.assume_multiple %add3A_6, 8 : i32
    "tpu.region"() ({
      %run_scoped3A = tpu.sem_alloc : memref<!tpu.dma_semaphore, #tpu.memory_space<semaphore_mem>>
      %dma_start3A_25 = tpu.memref_slice %arg2[%multiple_of3A] : memref<320000xi32, #tpu.memory_space<hbm>> -> memref<80xi32, #tpu.memory_space<hbm>>
      %dma_start3A_26 = tpu.memref_slice %arg2[%multiple_of3A] : memref<320000xi32, #tpu.memory_space<hbm>> -> memref<80xi32, #tpu.memory_space<hbm>>
      tpu.enqueue_dma source(%dma_start3A_26 : memref<80xi32, #tpu.memory_space<hbm>>) target(%arg13 : memref<80xi32, #tpu.memory_space<vmem>>) target_semaphore(%run_scoped3A : memref<!tpu.dma_semaphore, #tpu.memory_space<semaphore_mem>>)
      %dma_wait3A_27 = tpu.memref_slice %arg2[%multiple_of3A] : memref<320000xi32, #tpu.memory_space<hbm>> -> memref<80xi32, #tpu.memory_space<hbm>>
      %dma_wait3A_28 = tpu.memref_slice %arg2[%multiple_of3A] : memref<320000xi32, #tpu.memory_space<hbm>> -> memref<80xi32, #tpu.memory_space<hbm>>
      tpu.wait_dma2 semaphore(%run_scoped3A : memref<!tpu.dma_semaphore, #tpu.memory_space<semaphore_mem>>) src(%dma_wait3A_28 : memref<80xi32, #tpu.memory_space<hbm>>) dst(%arg13 : memref<80xi32, #tpu.memory_space<vmem>>)
      tpu.yield
    }) : () -> ()
    "tpu.region"() ({
      %run_scoped3A = tpu.sem_alloc : memref<!tpu.dma_semaphore, #tpu.memory_space<semaphore_mem>>
      %dma_start3A_25 = tpu.memref_slice %arg3[%multiple_of3A] : memref<320000xi32, #tpu.memory_space<hbm>> -> memref<80xi32, #tpu.memory_space<hbm>>
      %dma_start3A_26 = tpu.memref_slice %arg3[%multiple_of3A] : memref<320000xi32, #tpu.memory_space<hbm>> -> memref<80xi32, #tpu.memory_space<hbm>>
      tpu.enqueue_dma source(%dma_start3A_26 : memref<80xi32, #tpu.memory_space<hbm>>) target(%arg14 : memref<80xi32, #tpu.memory_space<vmem>>) target_semaphore(%run_scoped3A : memref<!tpu.dma_semaphore, #tpu.memory_space<semaphore_mem>>)
      %dma_wait3A_27 = tpu.memref_slice %arg3[%multiple_of3A] : memref<320000xi32, #tpu.memory_space<hbm>> -> memref<80xi32, #tpu.memory_space<hbm>>
      %dma_wait3A_28 = tpu.memref_slice %arg3[%multiple_of3A] : memref<320000xi32, #tpu.memory_space<hbm>> -> memref<80xi32, #tpu.memory_space<hbm>>
      tpu.wait_dma2 semaphore(%run_scoped3A : memref<!tpu.dma_semaphore, #tpu.memory_space<semaphore_mem>>) src(%dma_wait3A_28 : memref<80xi32, #tpu.memory_space<hbm>>) dst(%arg14 : memref<80xi32, #tpu.memory_space<vmem>>)
      tpu.yield
    }) : () -> ()
    %dma_start3A = arith.constant 0 : i32
    %dma_start3A_7 = arith.constant 0 : i32
    %dma_start3A_8 = tpu.memref_slice %arg4[%dma_start3A, %dma_start3A_7] : memref<10240x64xf32, #tpu.memory_space<hbm>> -> memref<10240x64xf32, #tpu.memory_space<hbm>>
    tpu.enqueue_indirect_dma source(%dma_start3A_8 : memref<10240x64xf32, #tpu.memory_space<hbm>>) target(%arg15 : memref<80x64xf32, #tpu.memory_space<vmem>>) offsets(%arg13 : memref<80xi32, #tpu.memory_space<vmem>>) semaphore(%arg26 : memref<!tpu.dma_semaphore, #tpu.memory_space<semaphore_mem>>)
    %dma_start3A_9 = arith.constant 0 : i32
    %dma_start3A_10 = arith.constant 0 : i32
    %dma_start3A_11 = tpu.memref_slice %arg5[%dma_start3A_9, %dma_start3A_10] : memref<10240x64xf32, #tpu.memory_space<hbm>> -> memref<10240x64xf32, #tpu.memory_space<hbm>>
    tpu.enqueue_indirect_dma source(%dma_start3A_11 : memref<10240x64xf32, #tpu.memory_space<hbm>>) target(%arg16 : memref<80x64xf32, #tpu.memory_space<vmem>>) offsets(%arg14 : memref<80xi32, #tpu.memory_space<vmem>>) semaphore(%arg27 : memref<!tpu.dma_semaphore, #tpu.memory_space<semaphore_mem>>)
    %scan3A = arith.constant 0 : i32
    %scan3A_12 = arith.constant 62 : i32
    %scan3A_13 = arith.addi %scan3A, %scan3A_12 : i32
    %scan3A_14 = arith.constant 1 : i32
    scf.for %scan3A_25 = %scan3A to %scan3A_13 step %scan3A_14  : i32 {
      %mul3A_26 = arith.constant 1 : i32
      %mul3A_27 = arith.muli %scan3A_25, %mul3A_26 : i32
      %add3A_28 = arith.constant 0 : i32
      %add3A_29 = arith.addi %add3A_28, %mul3A_27 : i32
      %mul3A_30 = arith.constant 2 : i32
      %mul3A_31 = arith.muli %mul3A_30, %add3A_29 : i32
      %add3A_32 = arith.constant 1 : i32
      %add3A_33 = arith.addi %mul3A_31, %add3A_32 : i32
      %mul3A_34 = arith.constant 80 : i32
      %mul3A_35 = arith.muli %add3A_33, %mul3A_34 : i32
      %add3A_36 = arith.addi %mul3A_4, %mul3A_35 : i32
      %multiple_of3A_37 = tpu.assume_multiple %add3A_36, 8 : i32
      "tpu.region"() ({
        %run_scoped3A = tpu.sem_alloc : memref<!tpu.dma_semaphore, #tpu.memory_space<semaphore_mem>>
        %dma_start3A_70 = tpu.memref_slice %arg2[%multiple_of3A_37] : memref<320000xi32, #tpu.memory_space<hbm>> -> memref<80xi32, #tpu.memory_space<hbm>>
        %dma_start3A_71 = tpu.memref_slice %arg2[%multiple_of3A_37] : memref<320000xi32, #tpu.memory_space<hbm>> -> memref<80xi32, #tpu.memory_space<hbm>>
        tpu.enqueue_dma source(%dma_start3A_71 : memref<80xi32, #tpu.memory_space<hbm>>) target(%arg17 : memref<80xi32, #tpu.memory_space<vmem>>) target_semaphore(%run_scoped3A : memref<!tpu.dma_semaphore, #tpu.memory_space<semaphore_mem>>)
        %dma_wait3A_72 = tpu.memref_slice %arg2[%multiple_of3A_37] : memref<320000xi32, #tpu.memory_space<hbm>> -> memref<80xi32, #tpu.memory_space<hbm>>
        %dma_wait3A_73 = tpu.memref_slice %arg2[%multiple_of3A_37] : memref<320000xi32, #tpu.memory_space<hbm>> -> memref<80xi32, #tpu.memory_space<hbm>>
        tpu.wait_dma2 semaphore(%run_scoped3A : memref<!tpu.dma_semaphore, #tpu.memory_space<semaphore_mem>>) src(%dma_wait3A_73 : memref<80xi32, #tpu.memory_space<hbm>>) dst(%arg17 : memref<80xi32, #tpu.memory_space<vmem>>)
        tpu.yield
      }) : () -> ()
      "tpu.region"() ({
        %run_scoped3A = tpu.sem_alloc : memref<!tpu.dma_semaphore, #tpu.memory_space<semaphore_mem>>
        %dma_start3A_70 = tpu.memref_slice %arg3[%multiple_of3A_37] : memref<320000xi32, #tpu.memory_space<hbm>> -> memref<80xi32, #tpu.memory_space<hbm>>
        %dma_start3A_71 = tpu.memref_slice %arg3[%multiple_of3A_37] : memref<320000xi32, #tpu.memory_space<hbm>> -> memref<80xi32, #tpu.memory_space<hbm>>
        tpu.enqueue_dma source(%dma_start3A_71 : memref<80xi32, #tpu.memory_space<hbm>>) target(%arg18 : memref<80xi32, #tpu.memory_space<vmem>>) target_semaphore(%run_scoped3A : memref<!tpu.dma_semaphore, #tpu.memory_space<semaphore_mem>>)
        %dma_wait3A_72 = tpu.memref_slice %arg3[%multiple_of3A_37] : memref<320000xi32, #tpu.memory_space<hbm>> -> memref<80xi32, #tpu.memory_space<hbm>>
        %dma_wait3A_73 = tpu.memref_slice %arg3[%multiple_of3A_37] : memref<320000xi32, #tpu.memory_space<hbm>> -> memref<80xi32, #tpu.memory_space<hbm>>
        tpu.wait_dma2 semaphore(%run_scoped3A : memref<!tpu.dma_semaphore, #tpu.memory_space<semaphore_mem>>) src(%dma_wait3A_73 : memref<80xi32, #tpu.memory_space<hbm>>) dst(%arg18 : memref<80xi32, #tpu.memory_space<vmem>>)
        tpu.yield
      }) : () -> ()
      %dma_start3A_38 = arith.constant 0 : i32
      %dma_start3A_39 = arith.constant 0 : i32
      %dma_start3A_40 = tpu.memref_slice %arg4[%dma_start3A_38, %dma_start3A_39] : memref<10240x64xf32, #tpu.memory_space<hbm>> -> memref<10240x64xf32, #tpu.memory_space<hbm>>
      tpu.enqueue_indirect_dma source(%dma_start3A_40 : memref<10240x64xf32, #tpu.memory_space<hbm>>) target(%arg19 : memref<80x64xf32, #tpu.memory_space<vmem>>) offsets(%arg17 : memref<80xi32, #tpu.memory_space<vmem>>) semaphore(%arg28 : memref<!tpu.dma_semaphore, #tpu.memory_space<semaphore_mem>>)
      %dma_start3A_41 = arith.constant 0 : i32
      %dma_start3A_42 = arith.constant 0 : i32
      %dma_start3A_43 = tpu.memref_slice %arg5[%dma_start3A_41, %dma_start3A_42] : memref<10240x64xf32, #tpu.memory_space<hbm>> -> memref<10240x64xf32, #tpu.memory_space<hbm>>
      tpu.enqueue_indirect_dma source(%dma_start3A_43 : memref<10240x64xf32, #tpu.memory_space<hbm>>) target(%arg20 : memref<80x64xf32, #tpu.memory_space<vmem>>) offsets(%arg18 : memref<80xi32, #tpu.memory_space<vmem>>) semaphore(%arg29 : memref<!tpu.dma_semaphore, #tpu.memory_space<semaphore_mem>>)
      %dma_wait3A_44 = arith.constant 0 : i32
      %dma_wait3A_45 = arith.constant 0 : i32
      %dma_wait3A_46 = tpu.memref_slice %arg4[%dma_wait3A_44, %dma_wait3A_45] : memref<10240x64xf32, #tpu.memory_space<hbm>> -> memref<10240x64xf32, #tpu.memory_space<hbm>>
      tpu.wait_indirect_dma semaphore(%arg26 : memref<!tpu.dma_semaphore, #tpu.memory_space<semaphore_mem>>) src(%dma_wait3A_46 : memref<10240x64xf32, #tpu.memory_space<hbm>>) dst(%arg15 : memref<80x64xf32, #tpu.memory_space<vmem>>)
      "tpu.region"() ({
        %run_scoped3A = tpu.sem_alloc : memref<!tpu.dma_semaphore, #tpu.memory_space<semaphore_mem>>
        %dma_start3A_70 = arith.constant 0 : i32
        %dma_start3A_71 = arith.constant 0 : i32
        %dma_start3A_72 = tpu.memref_slice %arg22[%dma_start3A_70, %dma_start3A_71] : memref<10240x64xf32, #tpu.memory_space<vmem_shared>> -> memref<10240x64xf32, #tpu.memory_space<vmem_shared>>
        tpu.enqueue_indirect_dma source(%arg15 : memref<80x64xf32, #tpu.memory_space<vmem>>) target(%dma_start3A_72 : memref<10240x64xf32, #tpu.memory_space<vmem_shared>>) offsets(%arg14 : memref<80xi32, #tpu.memory_space<vmem>>) semaphore(%run_scoped3A : memref<!tpu.dma_semaphore, #tpu.memory_space<semaphore_mem>>) {add = true}
        %dma_wait3A_73 = arith.constant 0 : i32
        %dma_wait3A_74 = arith.constant 0 : i32
        %dma_wait3A_75 = tpu.memref_slice %arg22[%dma_wait3A_73, %dma_wait3A_74] : memref<10240x64xf32, #tpu.memory_space<vmem_shared>> -> memref<10240x64xf32, #tpu.memory_space<vmem_shared>>
        tpu.wait_indirect_dma semaphore(%run_scoped3A : memref<!tpu.dma_semaphore, #tpu.memory_space<semaphore_mem>>) src(%arg15 : memref<80x64xf32, #tpu.memory_space<vmem>>) dst(%dma_wait3A_75 : memref<10240x64xf32, #tpu.memory_space<vmem_shared>>)
        tpu.yield
      }) : () -> ()
      %dma_wait3A_47 = arith.constant 0 : i32
      %dma_wait3A_48 = arith.constant 0 : i32
      %dma_wait3A_49 = tpu.memref_slice %arg5[%dma_wait3A_47, %dma_wait3A_48] : memref<10240x64xf32, #tpu.memory_space<hbm>> -> memref<10240x64xf32, #tpu.memory_space<hbm>>
      tpu.wait_indirect_dma semaphore(%arg27 : memref<!tpu.dma_semaphore, #tpu.memory_space<semaphore_mem>>) src(%dma_wait3A_49 : memref<10240x64xf32, #tpu.memory_space<hbm>>) dst(%arg16 : memref<80x64xf32, #tpu.memory_space<vmem>>)
      "tpu.region"() ({
        %run_scoped3A = tpu.sem_alloc : memref<!tpu.dma_semaphore, #tpu.memory_space<semaphore_mem>>
        %dma_start3A_70 = arith.constant 0 : i32
        %dma_start3A_71 = arith.constant 0 : i32
        %dma_start3A_72 = tpu.memref_slice %arg23[%dma_start3A_70, %dma_start3A_71] : memref<10240x64xf32, #tpu.memory_space<vmem_shared>> -> memref<10240x64xf32, #tpu.memory_space<vmem_shared>>
        tpu.enqueue_indirect_dma source(%arg16 : memref<80x64xf32, #tpu.memory_space<vmem>>) target(%dma_start3A_72 : memref<10240x64xf32, #tpu.memory_space<vmem_shared>>) offsets(%arg13 : memref<80xi32, #tpu.memory_space<vmem>>) semaphore(%run_scoped3A : memref<!tpu.dma_semaphore, #tpu.memory_space<semaphore_mem>>) {add = true}
        %dma_wait3A_73 = arith.constant 0 : i32
        %dma_wait3A_74 = arith.constant 0 : i32
        %dma_wait3A_75 = tpu.memref_slice %arg23[%dma_wait3A_73, %dma_wait3A_74] : memref<10240x64xf32, #tpu.memory_space<vmem_shared>> -> memref<10240x64xf32, #tpu.memory_space<vmem_shared>>
        tpu.wait_indirect_dma semaphore(%run_scoped3A : memref<!tpu.dma_semaphore, #tpu.memory_space<semaphore_mem>>) src(%arg16 : memref<80x64xf32, #tpu.memory_space<vmem>>) dst(%dma_wait3A_75 : memref<10240x64xf32, #tpu.memory_space<vmem_shared>>)
        tpu.yield
      }) : () -> ()
      "tpu.region"() ({
        %run_scoped3A = tpu.sem_alloc : memref<!tpu.dma_semaphore, #tpu.memory_space<semaphore_mem>>
        %dma_start3A_70 = arith.constant 0 : i32
        %dma_start3A_71 = arith.constant 0 : i32
        %dma_start3A_72 = tpu.memref_slice %arg24[%dma_start3A_70, %dma_start3A_71] : memref<10240x16xf32, #tpu.memory_space<vmem_shared>> -> memref<10240x16xf32, #tpu.memory_space<vmem_shared>>
        tpu.enqueue_indirect_dma source(%arg21 : memref<80x16xf32, #tpu.memory_space<vmem>>) target(%dma_start3A_72 : memref<10240x16xf32, #tpu.memory_space<vmem_shared>>) offsets(%arg14 : memref<80xi32, #tpu.memory_space<vmem>>) semaphore(%run_scoped3A : memref<!tpu.dma_semaphore, #tpu.memory_space<semaphore_mem>>) {add = true}
        %dma_wait3A_73 = arith.constant 0 : i32
        %dma_wait3A_74 = arith.constant 0 : i32
        %dma_wait3A_75 = tpu.memref_slice %arg24[%dma_wait3A_73, %dma_wait3A_74] : memref<10240x16xf32, #tpu.memory_space<vmem_shared>> -> memref<10240x16xf32, #tpu.memory_space<vmem_shared>>
        tpu.wait_indirect_dma semaphore(%run_scoped3A : memref<!tpu.dma_semaphore, #tpu.memory_space<semaphore_mem>>) src(%arg21 : memref<80x16xf32, #tpu.memory_space<vmem>>) dst(%dma_wait3A_75 : memref<10240x16xf32, #tpu.memory_space<vmem_shared>>)
        tpu.yield
      }) : () -> ()
      "tpu.region"() ({
        %run_scoped3A = tpu.sem_alloc : memref<!tpu.dma_semaphore, #tpu.memory_space<semaphore_mem>>
        %dma_start3A_70 = arith.constant 0 : i32
        %dma_start3A_71 = arith.constant 0 : i32
        %dma_start3A_72 = tpu.memref_slice %arg25[%dma_start3A_70, %dma_start3A_71] : memref<10240x16xf32, #tpu.memory_space<vmem_shared>> -> memref<10240x16xf32, #tpu.memory_space<vmem_shared>>
        tpu.enqueue_indirect_dma source(%arg21 : memref<80x16xf32, #tpu.memory_space<vmem>>) target(%dma_start3A_72 : memref<10240x16xf32, #tpu.memory_space<vmem_shared>>) offsets(%arg13 : memref<80xi32, #tpu.memory_space<vmem>>) semaphore(%run_scoped3A : memref<!tpu.dma_semaphore, #tpu.memory_space<semaphore_mem>>) {add = true}
        %dma_wait3A_73 = arith.constant 0 : i32
        %dma_wait3A_74 = arith.constant 0 : i32
        %dma_wait3A_75 = tpu.memref_slice %arg25[%dma_wait3A_73, %dma_wait3A_74] : memref<10240x16xf32, #tpu.memory_space<vmem_shared>> -> memref<10240x16xf32, #tpu.memory_space<vmem_shared>>
        tpu.wait_indirect_dma semaphore(%run_scoped3A : memref<!tpu.dma_semaphore, #tpu.memory_space<semaphore_mem>>) src(%arg21 : memref<80x16xf32, #tpu.memory_space<vmem>>) dst(%dma_wait3A_75 : memref<10240x16xf32, #tpu.memory_space<vmem_shared>>)
        tpu.yield
      }) : () -> ()
      %mul3A_50 = arith.constant 2 : i32
      %mul3A_51 = arith.muli %mul3A_50, %add3A_29 : i32
      %add3A_52 = arith.constant 2 : i32
      %add3A_53 = arith.addi %mul3A_51, %add3A_52 : i32
      %mul3A_54 = arith.constant 80 : i32
      %mul3A_55 = arith.muli %add3A_53, %mul3A_54 : i32
      %add3A_56 = arith.addi %mul3A_4, %mul3A_55 : i32
      %multiple_of3A_57 = tpu.assume_multiple %add3A_56, 8 : i32
      "tpu.region"() ({
        %run_scoped3A = tpu.sem_alloc : memref<!tpu.dma_semaphore, #tpu.memory_space<semaphore_mem>>
        %dma_start3A_70 = tpu.memref_slice %arg2[%multiple_of3A_57] : memref<320000xi32, #tpu.memory_space<hbm>> -> memref<80xi32, #tpu.memory_space<hbm>>
        %dma_start3A_71 = tpu.memref_slice %arg2[%multiple_of3A_57] : memref<320000xi32, #tpu.memory_space<hbm>> -> memref<80xi32, #tpu.memory_space<hbm>>
        tpu.enqueue_dma source(%dma_start3A_71 : memref<80xi32, #tpu.memory_space<hbm>>) target(%arg13 : memref<80xi32, #tpu.memory_space<vmem>>) target_semaphore(%run_scoped3A : memref<!tpu.dma_semaphore, #tpu.memory_space<semaphore_mem>>)
        %dma_wait3A_72 = tpu.memref_slice %arg2[%multiple_of3A_57] : memref<320000xi32, #tpu.memory_space<hbm>> -> memref<80xi32, #tpu.memory_space<hbm>>
        %dma_wait3A_73 = tpu.memref_slice %arg2[%multiple_of3A_57] : memref<320000xi32, #tpu.memory_space<hbm>> -> memref<80xi32, #tpu.memory_space<hbm>>
        tpu.wait_dma2 semaphore(%run_scoped3A : memref<!tpu.dma_semaphore, #tpu.memory_space<semaphore_mem>>) src(%dma_wait3A_73 : memref<80xi32, #tpu.memory_space<hbm>>) dst(%arg13 : memref<80xi32, #tpu.memory_space<vmem>>)
        tpu.yield
      }) : () -> ()
      "tpu.region"() ({
        %run_scoped3A = tpu.sem_alloc : memref<!tpu.dma_semaphore, #tpu.memory_space<semaphore_mem>>
        %dma_start3A_70 = tpu.memref_slice %arg3[%multiple_of3A_57] : memref<320000xi32, #tpu.memory_space<hbm>> -> memref<80xi32, #tpu.memory_space<hbm>>
        %dma_start3A_71 = tpu.memref_slice %arg3[%multiple_of3A_57] : memref<320000xi32, #tpu.memory_space<hbm>> -> memref<80xi32, #tpu.memory_space<hbm>>
        tpu.enqueue_dma source(%dma_start3A_71 : memref<80xi32, #tpu.memory_space<hbm>>) target(%arg14 : memref<80xi32, #tpu.memory_space<vmem>>) target_semaphore(%run_scoped3A : memref<!tpu.dma_semaphore, #tpu.memory_space<semaphore_mem>>)
        %dma_wait3A_72 = tpu.memref_slice %arg3[%multiple_of3A_57] : memref<320000xi32, #tpu.memory_space<hbm>> -> memref<80xi32, #tpu.memory_space<hbm>>
        %dma_wait3A_73 = tpu.memref_slice %arg3[%multiple_of3A_57] : memref<320000xi32, #tpu.memory_space<hbm>> -> memref<80xi32, #tpu.memory_space<hbm>>
        tpu.wait_dma2 semaphore(%run_scoped3A : memref<!tpu.dma_semaphore, #tpu.memory_space<semaphore_mem>>) src(%dma_wait3A_73 : memref<80xi32, #tpu.memory_space<hbm>>) dst(%arg14 : memref<80xi32, #tpu.memory_space<vmem>>)
        tpu.yield
      }) : () -> ()
      %dma_start3A_58 = arith.constant 0 : i32
      %dma_start3A_59 = arith.constant 0 : i32
      %dma_start3A_60 = tpu.memref_slice %arg4[%dma_start3A_58, %dma_start3A_59] : memref<10240x64xf32, #tpu.memory_space<hbm>> -> memref<10240x64xf32, #tpu.memory_space<hbm>>
      tpu.enqueue_indirect_dma source(%dma_start3A_60 : memref<10240x64xf32, #tpu.memory_space<hbm>>) target(%arg15 : memref<80x64xf32, #tpu.memory_space<vmem>>) offsets(%arg13 : memref<80xi32, #tpu.memory_space<vmem>>) semaphore(%arg26 : memref<!tpu.dma_semaphore, #tpu.memory_space<semaphore_mem>>)
      %dma_start3A_61 = arith.constant 0 : i32
      %dma_start3A_62 = arith.constant 0 : i32
      %dma_start3A_63 = tpu.memref_slice %arg5[%dma_start3A_61, %dma_start3A_62] : memref<10240x64xf32, #tpu.memory_space<hbm>> -> memref<10240x64xf32, #tpu.memory_space<hbm>>
      tpu.enqueue_indirect_dma source(%dma_start3A_63 : memref<10240x64xf32, #tpu.memory_space<hbm>>) target(%arg16 : memref<80x64xf32, #tpu.memory_space<vmem>>) offsets(%arg14 : memref<80xi32, #tpu.memory_space<vmem>>) semaphore(%arg27 : memref<!tpu.dma_semaphore, #tpu.memory_space<semaphore_mem>>)
      %dma_wait3A_64 = arith.constant 0 : i32
      %dma_wait3A_65 = arith.constant 0 : i32
      %dma_wait3A_66 = tpu.memref_slice %arg4[%dma_wait3A_64, %dma_wait3A_65] : memref<10240x64xf32, #tpu.memory_space<hbm>> -> memref<10240x64xf32, #tpu.memory_space<hbm>>
      tpu.wait_indirect_dma semaphore(%arg28 : memref<!tpu.dma_semaphore, #tpu.memory_space<semaphore_mem>>) src(%dma_wait3A_66 : memref<10240x64xf32, #tpu.memory_space<hbm>>) dst(%arg19 : memref<80x64xf32, #tpu.memory_space<vmem>>)
      "tpu.region"() ({
        %run_scoped3A = tpu.sem_alloc : memref<!tpu.dma_semaphore, #tpu.memory_space<semaphore_mem>>
        %dma_start3A_70 = arith.constant 0 : i32
        %dma_start3A_71 = arith.constant 0 : i32
        %dma_start3A_72 = tpu.memref_slice %arg22[%dma_start3A_70, %dma_start3A_71] : memref<10240x64xf32, #tpu.memory_space<vmem_shared>> -> memref<10240x64xf32, #tpu.memory_space<vmem_shared>>
        tpu.enqueue_indirect_dma source(%arg19 : memref<80x64xf32, #tpu.memory_space<vmem>>) target(%dma_start3A_72 : memref<10240x64xf32, #tpu.memory_space<vmem_shared>>) offsets(%arg18 : memref<80xi32, #tpu.memory_space<vmem>>) semaphore(%run_scoped3A : memref<!tpu.dma_semaphore, #tpu.memory_space<semaphore_mem>>) {add = true}
        %dma_wait3A_73 = arith.constant 0 : i32
        %dma_wait3A_74 = arith.constant 0 : i32
        %dma_wait3A_75 = tpu.memref_slice %arg22[%dma_wait3A_73, %dma_wait3A_74] : memref<10240x64xf32, #tpu.memory_space<vmem_shared>> -> memref<10240x64xf32, #tpu.memory_space<vmem_shared>>
        tpu.wait_indirect_dma semaphore(%run_scoped3A : memref<!tpu.dma_semaphore, #tpu.memory_space<semaphore_mem>>) src(%arg19 : memref<80x64xf32, #tpu.memory_space<vmem>>) dst(%dma_wait3A_75 : memref<10240x64xf32, #tpu.memory_space<vmem_shared>>)
        tpu.yield
      }) : () -> ()
      %dma_wait3A_67 = arith.constant 0 : i32
      %dma_wait3A_68 = arith.constant 0 : i32
      %dma_wait3A_69 = tpu.memref_slice %arg5[%dma_wait3A_67, %dma_wait3A_68] : memref<10240x64xf32, #tpu.memory_space<hbm>> -> memref<10240x64xf32, #tpu.memory_space<hbm>>
      tpu.wait_indirect_dma semaphore(%arg29 : memref<!tpu.dma_semaphore, #tpu.memory_space<semaphore_mem>>) src(%dma_wait3A_69 : memref<10240x64xf32, #tpu.memory_space<hbm>>) dst(%arg20 : memref<80x64xf32, #tpu.memory_space<vmem>>)
      "tpu.region"() ({
        %run_scoped3A = tpu.sem_alloc : memref<!tpu.dma_semaphore, #tpu.memory_space<semaphore_mem>>
        %dma_start3A_70 = arith.constant 0 : i32
        %dma_start3A_71 = arith.constant 0 : i32
        %dma_start3A_72 = tpu.memref_slice %arg23[%dma_start3A_70, %dma_start3A_71] : memref<10240x64xf32, #tpu.memory_space<vmem_shared>> -> memref<10240x64xf32, #tpu.memory_space<vmem_shared>>
        tpu.enqueue_indirect_dma source(%arg20 : memref<80x64xf32, #tpu.memory_space<vmem>>) target(%dma_start3A_72 : memref<10240x64xf32, #tpu.memory_space<vmem_shared>>) offsets(%arg17 : memref<80xi32, #tpu.memory_space<vmem>>) semaphore(%run_scoped3A : memref<!tpu.dma_semaphore, #tpu.memory_space<semaphore_mem>>) {add = true}
        %dma_wait3A_73 = arith.constant 0 : i32
        %dma_wait3A_74 = arith.constant 0 : i32
        %dma_wait3A_75 = tpu.memref_slice %arg23[%dma_wait3A_73, %dma_wait3A_74] : memref<10240x64xf32, #tpu.memory_space<vmem_shared>> -> memref<10240x64xf32, #tpu.memory_space<vmem_shared>>
        tpu.wait_indirect_dma semaphore(%run_scoped3A : memref<!tpu.dma_semaphore, #tpu.memory_space<semaphore_mem>>) src(%arg20 : memref<80x64xf32, #tpu.memory_space<vmem>>) dst(%dma_wait3A_75 : memref<10240x64xf32, #tpu.memory_space<vmem_shared>>)
        tpu.yield
      }) : () -> ()
      "tpu.region"() ({
        %run_scoped3A = tpu.sem_alloc : memref<!tpu.dma_semaphore, #tpu.memory_space<semaphore_mem>>
        %dma_start3A_70 = arith.constant 0 : i32
        %dma_start3A_71 = arith.constant 0 : i32
        %dma_start3A_72 = tpu.memref_slice %arg24[%dma_start3A_70, %dma_start3A_71] : memref<10240x16xf32, #tpu.memory_space<vmem_shared>> -> memref<10240x16xf32, #tpu.memory_space<vmem_shared>>
        tpu.enqueue_indirect_dma source(%arg21 : memref<80x16xf32, #tpu.memory_space<vmem>>) target(%dma_start3A_72 : memref<10240x16xf32, #tpu.memory_space<vmem_shared>>) offsets(%arg18 : memref<80xi32, #tpu.memory_space<vmem>>) semaphore(%run_scoped3A : memref<!tpu.dma_semaphore, #tpu.memory_space<semaphore_mem>>) {add = true}
        %dma_wait3A_73 = arith.constant 0 : i32
        %dma_wait3A_74 = arith.constant 0 : i32
        %dma_wait3A_75 = tpu.memref_slice %arg24[%dma_wait3A_73, %dma_wait3A_74] : memref<10240x16xf32, #tpu.memory_space<vmem_shared>> -> memref<10240x16xf32, #tpu.memory_space<vmem_shared>>
        tpu.wait_indirect_dma semaphore(%run_scoped3A : memref<!tpu.dma_semaphore, #tpu.memory_space<semaphore_mem>>) src(%arg21 : memref<80x16xf32, #tpu.memory_space<vmem>>) dst(%dma_wait3A_75 : memref<10240x16xf32, #tpu.memory_space<vmem_shared>>)
        tpu.yield
      }) : () -> ()
      "tpu.region"() ({
        %run_scoped3A = tpu.sem_alloc : memref<!tpu.dma_semaphore, #tpu.memory_space<semaphore_mem>>
        %dma_start3A_70 = arith.constant 0 : i32
        %dma_start3A_71 = arith.constant 0 : i32
        %dma_start3A_72 = tpu.memref_slice %arg25[%dma_start3A_70, %dma_start3A_71] : memref<10240x16xf32, #tpu.memory_space<vmem_shared>> -> memref<10240x16xf32, #tpu.memory_space<vmem_shared>>
        tpu.enqueue_indirect_dma source(%arg21 : memref<80x16xf32, #tpu.memory_space<vmem>>) target(%dma_start3A_72 : memref<10240x16xf32, #tpu.memory_space<vmem_shared>>) offsets(%arg17 : memref<80xi32, #tpu.memory_space<vmem>>) semaphore(%run_scoped3A : memref<!tpu.dma_semaphore, #tpu.memory_space<semaphore_mem>>) {add = true}
        %dma_wait3A_73 = arith.constant 0 : i32
        %dma_wait3A_74 = arith.constant 0 : i32
        %dma_wait3A_75 = tpu.memref_slice %arg25[%dma_wait3A_73, %dma_wait3A_74] : memref<10240x16xf32, #tpu.memory_space<vmem_shared>> -> memref<10240x16xf32, #tpu.memory_space<vmem_shared>>
        tpu.wait_indirect_dma semaphore(%run_scoped3A : memref<!tpu.dma_semaphore, #tpu.memory_space<semaphore_mem>>) src(%arg21 : memref<80x16xf32, #tpu.memory_space<vmem>>) dst(%dma_wait3A_75 : memref<10240x16xf32, #tpu.memory_space<vmem_shared>>)
        tpu.yield
      }) : () -> ()
    }
    %scan3A_15 = arith.constant 62 : i32
    %dma_wait3A = arith.constant 0 : i32
    %dma_wait3A_16 = arith.constant 0 : i32
    %dma_wait3A_17 = tpu.memref_slice %arg4[%dma_wait3A, %dma_wait3A_16] : memref<10240x64xf32, #tpu.memory_space<hbm>> -> memref<10240x64xf32, #tpu.memory_space<hbm>>
    tpu.wait_indirect_dma semaphore(%arg26 : memref<!tpu.dma_semaphore, #tpu.memory_space<semaphore_mem>>) src(%dma_wait3A_17 : memref<10240x64xf32, #tpu.memory_space<hbm>>) dst(%arg15 : memref<80x64xf32, #tpu.memory_space<vmem>>)
    "tpu.region"() ({
      %run_scoped3A = tpu.sem_alloc : memref<!tpu.dma_semaphore, #tpu.memory_space<semaphore_mem>>
      %dma_start3A_25 = arith.constant 0 : i32
      %dma_start3A_26 = arith.constant 0 : i32
      %dma_start3A_27 = tpu.memref_slice %arg22[%dma_start3A_25, %dma_start3A_26] : memref<10240x64xf32, #tpu.memory_space<vmem_shared>> -> memref<10240x64xf32, #tpu.memory_space<vmem_shared>>
      tpu.enqueue_indirect_dma source(%arg15 : memref<80x64xf32, #tpu.memory_space<vmem>>) target(%dma_start3A_27 : memref<10240x64xf32, #tpu.memory_space<vmem_shared>>) offsets(%arg14 : memref<80xi32, #tpu.memory_space<vmem>>) semaphore(%run_scoped3A : memref<!tpu.dma_semaphore, #tpu.memory_space<semaphore_mem>>) {add = true}
      %dma_wait3A_28 = arith.constant 0 : i32
      %dma_wait3A_29 = arith.constant 0 : i32
      %dma_wait3A_30 = tpu.memref_slice %arg22[%dma_wait3A_28, %dma_wait3A_29] : memref<10240x64xf32, #tpu.memory_space<vmem_shared>> -> memref<10240x64xf32, #tpu.memory_space<vmem_shared>>
      tpu.wait_indirect_dma semaphore(%run_scoped3A : memref<!tpu.dma_semaphore, #tpu.memory_space<semaphore_mem>>) src(%arg15 : memref<80x64xf32, #tpu.memory_space<vmem>>) dst(%dma_wait3A_30 : memref<10240x64xf32, #tpu.memory_space<vmem_shared>>)
      tpu.yield
    }) : () -> ()
    %dma_wait3A_18 = arith.constant 0 : i32
    %dma_wait3A_19 = arith.constant 0 : i32
    %dma_wait3A_20 = tpu.memref_slice %arg5[%dma_wait3A_18, %dma_wait3A_19] : memref<10240x64xf32, #tpu.memory_space<hbm>> -> memref<10240x64xf32, #tpu.memory_space<hbm>>
    tpu.wait_indirect_dma semaphore(%arg27 : memref<!tpu.dma_semaphore, #tpu.memory_space<semaphore_mem>>) src(%dma_wait3A_20 : memref<10240x64xf32, #tpu.memory_space<hbm>>) dst(%arg16 : memref<80x64xf32, #tpu.memory_space<vmem>>)
    "tpu.region"() ({
      %run_scoped3A = tpu.sem_alloc : memref<!tpu.dma_semaphore, #tpu.memory_space<semaphore_mem>>
      %dma_start3A_25 = arith.constant 0 : i32
      %dma_start3A_26 = arith.constant 0 : i32
      %dma_start3A_27 = tpu.memref_slice %arg23[%dma_start3A_25, %dma_start3A_26] : memref<10240x64xf32, #tpu.memory_space<vmem_shared>> -> memref<10240x64xf32, #tpu.memory_space<vmem_shared>>
      tpu.enqueue_indirect_dma source(%arg16 : memref<80x64xf32, #tpu.memory_space<vmem>>) target(%dma_start3A_27 : memref<10240x64xf32, #tpu.memory_space<vmem_shared>>) offsets(%arg13 : memref<80xi32, #tpu.memory_space<vmem>>) semaphore(%run_scoped3A : memref<!tpu.dma_semaphore, #tpu.memory_space<semaphore_mem>>) {add = true}
      %dma_wait3A_28 = arith.constant 0 : i32
      %dma_wait3A_29 = arith.constant 0 : i32
      %dma_wait3A_30 = tpu.memref_slice %arg23[%dma_wait3A_28, %dma_wait3A_29] : memref<10240x64xf32, #tpu.memory_space<vmem_shared>> -> memref<10240x64xf32, #tpu.memory_space<vmem_shared>>
      tpu.wait_indirect_dma semaphore(%run_scoped3A : memref<!tpu.dma_semaphore, #tpu.memory_space<semaphore_mem>>) src(%arg16 : memref<80x64xf32, #tpu.memory_space<vmem>>) dst(%dma_wait3A_30 : memref<10240x64xf32, #tpu.memory_space<vmem_shared>>)
      tpu.yield
    }) : () -> ()
    "tpu.region"() ({
      %run_scoped3A = tpu.sem_alloc : memref<!tpu.dma_semaphore, #tpu.memory_space<semaphore_mem>>
      %dma_start3A_25 = arith.constant 0 : i32
      %dma_start3A_26 = arith.constant 0 : i32
      %dma_start3A_27 = tpu.memref_slice %arg24[%dma_start3A_25, %dma_start3A_26] : memref<10240x16xf32, #tpu.memory_space<vmem_shared>> -> memref<10240x16xf32, #tpu.memory_space<vmem_shared>>
      tpu.enqueue_indirect_dma source(%arg21 : memref<80x16xf32, #tpu.memory_space<vmem>>) target(%dma_start3A_27 : memref<10240x16xf32, #tpu.memory_space<vmem_shared>>) offsets(%arg14 : memref<80xi32, #tpu.memory_space<vmem>>) semaphore(%run_scoped3A : memref<!tpu.dma_semaphore, #tpu.memory_space<semaphore_mem>>) {add = true}
      %dma_wait3A_28 = arith.constant 0 : i32
      %dma_wait3A_29 = arith.constant 0 : i32
      %dma_wait3A_30 = tpu.memref_slice %arg24[%dma_wait3A_28, %dma_wait3A_29] : memref<10240x16xf32, #tpu.memory_space<vmem_shared>> -> memref<10240x16xf32, #tpu.memory_space<vmem_shared>>
      tpu.wait_indirect_dma semaphore(%run_scoped3A : memref<!tpu.dma_semaphore, #tpu.memory_space<semaphore_mem>>) src(%arg21 : memref<80x16xf32, #tpu.memory_space<vmem>>) dst(%dma_wait3A_30 : memref<10240x16xf32, #tpu.memory_space<vmem_shared>>)
      tpu.yield
    }) : () -> ()
    "tpu.region"() ({
      %run_scoped3A = tpu.sem_alloc : memref<!tpu.dma_semaphore, #tpu.memory_space<semaphore_mem>>
      %dma_start3A_25 = arith.constant 0 : i32
      %dma_start3A_26 = arith.constant 0 : i32
      %dma_start3A_27 = tpu.memref_slice %arg25[%dma_start3A_25, %dma_start3A_26] : memref<10240x16xf32, #tpu.memory_space<vmem_shared>> -> memref<10240x16xf32, #tpu.memory_space<vmem_shared>>
      tpu.enqueue_indirect_dma source(%arg21 : memref<80x16xf32, #tpu.memory_space<vmem>>) target(%dma_start3A_27 : memref<10240x16xf32, #tpu.memory_space<vmem_shared>>) offsets(%arg13 : memref<80xi32, #tpu.memory_space<vmem>>) semaphore(%run_scoped3A : memref<!tpu.dma_semaphore, #tpu.memory_space<semaphore_mem>>) {add = true}
      %dma_wait3A_28 = arith.constant 0 : i32
      %dma_wait3A_29 = arith.constant 0 : i32
      %dma_wait3A_30 = tpu.memref_slice %arg25[%dma_wait3A_28, %dma_wait3A_29] : memref<10240x16xf32, #tpu.memory_space<vmem_shared>> -> memref<10240x16xf32, #tpu.memory_space<vmem_shared>>
      tpu.wait_indirect_dma semaphore(%run_scoped3A : memref<!tpu.dma_semaphore, #tpu.memory_space<semaphore_mem>>) src(%arg21 : memref<80x16xf32, #tpu.memory_space<vmem>>) dst(%dma_wait3A_30 : memref<10240x16xf32, #tpu.memory_space<vmem_shared>>)
      tpu.yield
    }) : () -> ()
    %barrier3A_21 = arith.constant 0 : index
    tpu.barrier barrier_id(%barrier3A_21)
    %mul3A_22 = arith.constant 10240 : i32
    %mul3A_23 = arith.muli %arg0, %mul3A_22 : i32
    %add3A_24 = arith.addi %mul3A_23, %mul3A_2 : i32
    "tpu.region"() ({
      %run_scoped3A = tpu.sem_alloc : memref<!tpu.dma_semaphore, #tpu.memory_space<semaphore_mem>>
      %dma_start3A_25 = arith.constant 0 : i32
      %dma_start3A_26 = tpu.memref_slice %arg9[%add3A_24, %dma_start3A_25] : memref<20480x64xf32, #tpu.memory_space<hbm>> -> memref<640x64xf32, #tpu.memory_space<hbm>>
      %dma_start3A_27 = arith.constant 0 : i32
      %dma_start3A_28 = tpu.memref_slice %arg22[%mul3A_2, %dma_start3A_27] : memref<10240x64xf32, #tpu.memory_space<vmem_shared>> -> memref<640x64xf32, #tpu.memory_space<vmem_shared>>
      tpu.enqueue_dma source(%dma_start3A_28 : memref<640x64xf32, #tpu.memory_space<vmem_shared>>) target(%dma_start3A_26 : memref<640x64xf32, #tpu.memory_space<hbm>>) target_semaphore(%run_scoped3A : memref<!tpu.dma_semaphore, #tpu.memory_space<semaphore_mem>>)
      %dma_wait3A_29 = arith.constant 0 : i32
      %dma_wait3A_30 = tpu.memref_slice %arg9[%add3A_24, %dma_wait3A_29] : memref<20480x64xf32, #tpu.memory_space<hbm>> -> memref<640x64xf32, #tpu.memory_space<hbm>>
      %dma_wait3A_31 = arith.constant 0 : i32
      %dma_wait3A_32 = tpu.memref_slice %arg22[%mul3A_2, %dma_wait3A_31] : memref<10240x64xf32, #tpu.memory_space<vmem_shared>> -> memref<640x64xf32, #tpu.memory_space<vmem_shared>>
      tpu.wait_dma2 semaphore(%run_scoped3A : memref<!tpu.dma_semaphore, #tpu.memory_space<semaphore_mem>>) src(%dma_wait3A_32 : memref<640x64xf32, #tpu.memory_space<vmem_shared>>) dst(%dma_wait3A_30 : memref<640x64xf32, #tpu.memory_space<hbm>>)
      tpu.yield
    }) : () -> ()
    "tpu.region"() ({
      %run_scoped3A = tpu.sem_alloc : memref<!tpu.dma_semaphore, #tpu.memory_space<semaphore_mem>>
      %dma_start3A_25 = arith.constant 0 : i32
      %dma_start3A_26 = tpu.memref_slice %arg10[%add3A_24, %dma_start3A_25] : memref<20480x64xf32, #tpu.memory_space<hbm>> -> memref<640x64xf32, #tpu.memory_space<hbm>>
      %dma_start3A_27 = arith.constant 0 : i32
      %dma_start3A_28 = tpu.memref_slice %arg23[%mul3A_2, %dma_start3A_27] : memref<10240x64xf32, #tpu.memory_space<vmem_shared>> -> memref<640x64xf32, #tpu.memory_space<vmem_shared>>
      tpu.enqueue_dma source(%dma_start3A_28 : memref<640x64xf32, #tpu.memory_space<vmem_shared>>) target(%dma_start3A_26 : memref<640x64xf32, #tpu.memory_space<hbm>>) target_semaphore(%run_scoped3A : memref<!tpu.dma_semaphore, #tpu.memory_space<semaphore_mem>>)
      %dma_wait3A_29 = arith.constant 0 : i32
      %dma_wait3A_30 = tpu.memref_slice %arg10[%add3A_24, %dma_wait3A_29] : memref<20480x64xf32, #tpu.memory_space<hbm>> -> memref<640x64xf32, #tpu.memory_space<hbm>>
      %dma_wait3A_31 = arith.constant 0 : i32
      %dma_wait3A_32 = tpu.memref_slice %arg23[%mul3A_2, %dma_wait3A_31] : memref<10240x64xf32, #tpu.memory_space<vmem_shared>> -> memref<640x64xf32, #tpu.memory_space<vmem_shared>>
      tpu.wait_dma2 semaphore(%run_scoped3A : memref<!tpu.dma_semaphore, #tpu.memory_space<semaphore_mem>>) src(%dma_wait3A_32 : memref<640x64xf32, #tpu.memory_space<vmem_shared>>) dst(%dma_wait3A_30 : memref<640x64xf32, #tpu.memory_space<hbm>>)
      tpu.yield
    }) : () -> ()
    "tpu.region"() ({
      %run_scoped3A = tpu.sem_alloc : memref<!tpu.dma_semaphore, #tpu.memory_space<semaphore_mem>>
      %dma_start3A_25 = arith.constant 0 : i32
      %dma_start3A_26 = tpu.memref_slice %arg11[%add3A_24, %dma_start3A_25] : memref<20480x16xf32, #tpu.memory_space<hbm>> -> memref<640x16xf32, #tpu.memory_space<hbm>>
      %dma_start3A_27 = arith.constant 0 : i32
      %dma_start3A_28 = tpu.memref_slice %arg24[%mul3A_2, %dma_start3A_27] : memref<10240x16xf32, #tpu.memory_space<vmem_shared>> -> memref<640x16xf32, #tpu.memory_space<vmem_shared>>
      tpu.enqueue_dma source(%dma_start3A_28 : memref<640x16xf32, #tpu.memory_space<vmem_shared>>) target(%dma_start3A_26 : memref<640x16xf32, #tpu.memory_space<hbm>>) target_semaphore(%run_scoped3A : memref<!tpu.dma_semaphore, #tpu.memory_space<semaphore_mem>>)
      %dma_wait3A_29 = arith.constant 0 : i32
      %dma_wait3A_30 = tpu.memref_slice %arg11[%add3A_24, %dma_wait3A_29] : memref<20480x16xf32, #tpu.memory_space<hbm>> -> memref<640x16xf32, #tpu.memory_space<hbm>>
      %dma_wait3A_31 = arith.constant 0 : i32
      %dma_wait3A_32 = tpu.memref_slice %arg24[%mul3A_2, %dma_wait3A_31] : memref<10240x16xf32, #tpu.memory_space<vmem_shared>> -> memref<640x16xf32, #tpu.memory_space<vmem_shared>>
      tpu.wait_dma2 semaphore(%run_scoped3A : memref<!tpu.dma_semaphore, #tpu.memory_space<semaphore_mem>>) src(%dma_wait3A_32 : memref<640x16xf32, #tpu.memory_space<vmem_shared>>) dst(%dma_wait3A_30 : memref<640x16xf32, #tpu.memory_space<hbm>>)
      tpu.yield
    }) : () -> ()
    "tpu.region"() ({
      %run_scoped3A = tpu.sem_alloc : memref<!tpu.dma_semaphore, #tpu.memory_space<semaphore_mem>>
      %dma_start3A_25 = arith.constant 0 : i32
      %dma_start3A_26 = tpu.memref_slice %arg12[%add3A_24, %dma_start3A_25] : memref<20480x16xf32, #tpu.memory_space<hbm>> -> memref<640x16xf32, #tpu.memory_space<hbm>>
      %dma_start3A_27 = arith.constant 0 : i32
      %dma_start3A_28 = tpu.memref_slice %arg25[%mul3A_2, %dma_start3A_27] : memref<10240x16xf32, #tpu.memory_space<vmem_shared>> -> memref<640x16xf32, #tpu.memory_space<vmem_shared>>
      tpu.enqueue_dma source(%dma_start3A_28 : memref<640x16xf32, #tpu.memory_space<vmem_shared>>) target(%dma_start3A_26 : memref<640x16xf32, #tpu.memory_space<hbm>>) target_semaphore(%run_scoped3A : memref<!tpu.dma_semaphore, #tpu.memory_space<semaphore_mem>>)
      %dma_wait3A_29 = arith.constant 0 : i32
      %dma_wait3A_30 = tpu.memref_slice %arg12[%add3A_24, %dma_wait3A_29] : memref<20480x16xf32, #tpu.memory_space<hbm>> -> memref<640x16xf32, #tpu.memory_space<hbm>>
      %dma_wait3A_31 = arith.constant 0 : i32
      %dma_wait3A_32 = tpu.memref_slice %arg25[%mul3A_2, %dma_wait3A_31] : memref<10240x16xf32, #tpu.memory_space<vmem_shared>> -> memref<640x16xf32, #tpu.memory_space<vmem_shared>>
      tpu.wait_dma2 semaphore(%run_scoped3A : memref<!tpu.dma_semaphore, #tpu.memory_space<semaphore_mem>>) src(%dma_wait3A_32 : memref<640x16xf32, #tpu.memory_space<vmem_shared>>) dst(%dma_wait3A_30 : memref<640x16xf32, #tpu.memory_space<hbm>>)
      tpu.yield
    }) : () -> ()
    return
  }
}

#map = affine_map<(d0, d1) -> (0)>
#map1 = affine_map<(d0, d1) -> (0, 0)>
module attributes {stable_mosaic.version = 14 : i64} {
  func.func @_sc_body(%arg0: i32, %arg1: i32, %arg2: memref<320000xi32, #tpu.memory_space<hbm>>, %arg3: memref<320000xi32, #tpu.memory_space<hbm>>, %arg4: memref<10240x64xf32, #tpu.memory_space<hbm>>, %arg5: memref<10240x64xf32, #tpu.memory_space<hbm>>, %arg6: memref<640x64xf32, #tpu.memory_space<hbm>>, %arg7: memref<20480x64xf32, #tpu.memory_space<hbm>>, %arg8: memref<20480x64xf32, #tpu.memory_space<hbm>>, %arg9: memref<80xi32, #tpu.memory_space<vmem>>, %arg10: memref<80xi32, #tpu.memory_space<vmem>>, %arg11: memref<80x64xf32, #tpu.memory_space<vmem>>, %arg12: memref<80x64xf32, #tpu.memory_space<vmem>>, %arg13: memref<80xi32, #tpu.memory_space<vmem>>, %arg14: memref<80xi32, #tpu.memory_space<vmem>>, %arg15: memref<80x64xf32, #tpu.memory_space<vmem>>, %arg16: memref<80x64xf32, #tpu.memory_space<vmem>>, %arg17: memref<10240x64xf32, #tpu.memory_space<vmem_shared>>, %arg18: memref<10240x64xf32, #tpu.memory_space<vmem_shared>>, %arg19: memref<!tpu.dma_semaphore, #tpu.memory_space<semaphore_mem>>, %arg20: memref<!tpu.dma_semaphore, #tpu.memory_space<semaphore_mem>>, %arg21: memref<!tpu.dma_semaphore, #tpu.memory_space<semaphore_mem>>, %arg22: memref<!tpu.dma_semaphore, #tpu.memory_space<semaphore_mem>>) attributes {dimension_semantics = [#tpu.dimension_semantics<core_parallel>, #tpu.dimension_semantics<subcore_parallel>], iteration_bounds = array<i64: 2, 16>, scalar_prefetch = 0 : i64, scratch_operands = 14 : i64, tpu.core_type = #tpu.core_type<sc_vector_subcore>, window_params = [{transform_indices = #map}, {transform_indices = #map}, {transform_indices = #map1}, {transform_indices = #map1}, {transform_indices = #map1}, {transform_indices = #map1}, {transform_indices = #map1}]} {
    %mul3A = arith.constant 2 : i32
    %mul3A_0 = arith.muli %arg1, %mul3A : i32
    %add3A = arith.addi %mul3A_0, %arg0 : i32
    %mul3A_1 = arith.constant 640 : i32
    %mul3A_2 = arith.muli %arg1, %mul3A_1 : i32
    "tpu.region"() ({
      %run_scoped3A = tpu.sem_alloc : memref<!tpu.dma_semaphore, #tpu.memory_space<semaphore_mem>>
      %dma_start3A_25 = arith.constant 0 : i32
      %dma_start3A_26 = tpu.memref_slice %arg17[%mul3A_2, %dma_start3A_25] : memref<10240x64xf32, #tpu.memory_space<vmem_shared>> -> memref<640x64xf32, #tpu.memory_space<vmem_shared>>
      tpu.enqueue_dma source(%arg6 : memref<640x64xf32, #tpu.memory_space<hbm>>) target(%dma_start3A_26 : memref<640x64xf32, #tpu.memory_space<vmem_shared>>) target_semaphore(%run_scoped3A : memref<!tpu.dma_semaphore, #tpu.memory_space<semaphore_mem>>)
      %dma_wait3A_27 = arith.constant 0 : i32
      %dma_wait3A_28 = tpu.memref_slice %arg17[%mul3A_2, %dma_wait3A_27] : memref<10240x64xf32, #tpu.memory_space<vmem_shared>> -> memref<640x64xf32, #tpu.memory_space<vmem_shared>>
      tpu.wait_dma2 semaphore(%run_scoped3A : memref<!tpu.dma_semaphore, #tpu.memory_space<semaphore_mem>>) src(%arg6 : memref<640x64xf32, #tpu.memory_space<hbm>>) dst(%dma_wait3A_28 : memref<640x64xf32, #tpu.memory_space<vmem_shared>>)
      tpu.yield
    }) : () -> ()
    "tpu.region"() ({
      %run_scoped3A = tpu.sem_alloc : memref<!tpu.dma_semaphore, #tpu.memory_space<semaphore_mem>>
      %dma_start3A_25 = arith.constant 0 : i32
      %dma_start3A_26 = tpu.memref_slice %arg18[%mul3A_2, %dma_start3A_25] : memref<10240x64xf32, #tpu.memory_space<vmem_shared>> -> memref<640x64xf32, #tpu.memory_space<vmem_shared>>
      tpu.enqueue_dma source(%arg6 : memref<640x64xf32, #tpu.memory_space<hbm>>) target(%dma_start3A_26 : memref<640x64xf32, #tpu.memory_space<vmem_shared>>) target_semaphore(%run_scoped3A : memref<!tpu.dma_semaphore, #tpu.memory_space<semaphore_mem>>)
      %dma_wait3A_27 = arith.constant 0 : i32
      %dma_wait3A_28 = tpu.memref_slice %arg18[%mul3A_2, %dma_wait3A_27] : memref<10240x64xf32, #tpu.memory_space<vmem_shared>> -> memref<640x64xf32, #tpu.memory_space<vmem_shared>>
      tpu.wait_dma2 semaphore(%run_scoped3A : memref<!tpu.dma_semaphore, #tpu.memory_space<semaphore_mem>>) src(%arg6 : memref<640x64xf32, #tpu.memory_space<hbm>>) dst(%dma_wait3A_28 : memref<640x64xf32, #tpu.memory_space<vmem_shared>>)
      tpu.yield
    }) : () -> ()
    %barrier3A = arith.constant 0 : index
    tpu.barrier barrier_id(%barrier3A)
    %mul3A_3 = arith.constant 10000 : i32
    %mul3A_4 = arith.muli %add3A, %mul3A_3 : i32
    %add3A_5 = arith.constant 0 : i32
    %add3A_6 = arith.addi %mul3A_4, %add3A_5 : i32
    %multiple_of3A = tpu.assume_multiple %add3A_6, 8 : i32
    "tpu.region"() ({
      %run_scoped3A = tpu.sem_alloc : memref<!tpu.dma_semaphore, #tpu.memory_space<semaphore_mem>>
      %dma_start3A_25 = tpu.memref_slice %arg2[%multiple_of3A] : memref<320000xi32, #tpu.memory_space<hbm>> -> memref<80xi32, #tpu.memory_space<hbm>>
      %dma_start3A_26 = tpu.memref_slice %arg2[%multiple_of3A] : memref<320000xi32, #tpu.memory_space<hbm>> -> memref<80xi32, #tpu.memory_space<hbm>>
      tpu.enqueue_dma source(%dma_start3A_26 : memref<80xi32, #tpu.memory_space<hbm>>) target(%arg9 : memref<80xi32, #tpu.memory_space<vmem>>) target_semaphore(%run_scoped3A : memref<!tpu.dma_semaphore, #tpu.memory_space<semaphore_mem>>)
      %dma_wait3A_27 = tpu.memref_slice %arg2[%multiple_of3A] : memref<320000xi32, #tpu.memory_space<hbm>> -> memref<80xi32, #tpu.memory_space<hbm>>
      %dma_wait3A_28 = tpu.memref_slice %arg2[%multiple_of3A] : memref<320000xi32, #tpu.memory_space<hbm>> -> memref<80xi32, #tpu.memory_space<hbm>>
      tpu.wait_dma2 semaphore(%run_scoped3A : memref<!tpu.dma_semaphore, #tpu.memory_space<semaphore_mem>>) src(%dma_wait3A_28 : memref<80xi32, #tpu.memory_space<hbm>>) dst(%arg9 : memref<80xi32, #tpu.memory_space<vmem>>)
      tpu.yield
    }) : () -> ()
    "tpu.region"() ({
      %run_scoped3A = tpu.sem_alloc : memref<!tpu.dma_semaphore, #tpu.memory_space<semaphore_mem>>
      %dma_start3A_25 = tpu.memref_slice %arg3[%multiple_of3A] : memref<320000xi32, #tpu.memory_space<hbm>> -> memref<80xi32, #tpu.memory_space<hbm>>
      %dma_start3A_26 = tpu.memref_slice %arg3[%multiple_of3A] : memref<320000xi32, #tpu.memory_space<hbm>> -> memref<80xi32, #tpu.memory_space<hbm>>
      tpu.enqueue_dma source(%dma_start3A_26 : memref<80xi32, #tpu.memory_space<hbm>>) target(%arg10 : memref<80xi32, #tpu.memory_space<vmem>>) target_semaphore(%run_scoped3A : memref<!tpu.dma_semaphore, #tpu.memory_space<semaphore_mem>>)
      %dma_wait3A_27 = tpu.memref_slice %arg3[%multiple_of3A] : memref<320000xi32, #tpu.memory_space<hbm>> -> memref<80xi32, #tpu.memory_space<hbm>>
      %dma_wait3A_28 = tpu.memref_slice %arg3[%multiple_of3A] : memref<320000xi32, #tpu.memory_space<hbm>> -> memref<80xi32, #tpu.memory_space<hbm>>
      tpu.wait_dma2 semaphore(%run_scoped3A : memref<!tpu.dma_semaphore, #tpu.memory_space<semaphore_mem>>) src(%dma_wait3A_28 : memref<80xi32, #tpu.memory_space<hbm>>) dst(%arg10 : memref<80xi32, #tpu.memory_space<vmem>>)
      tpu.yield
    }) : () -> ()
    %dma_start3A = arith.constant 0 : i32
    %dma_start3A_7 = arith.constant 0 : i32
    %dma_start3A_8 = tpu.memref_slice %arg4[%dma_start3A, %dma_start3A_7] : memref<10240x64xf32, #tpu.memory_space<hbm>> -> memref<10240x64xf32, #tpu.memory_space<hbm>>
    tpu.enqueue_indirect_dma source(%dma_start3A_8 : memref<10240x64xf32, #tpu.memory_space<hbm>>) target(%arg11 : memref<80x64xf32, #tpu.memory_space<vmem>>) offsets(%arg9 : memref<80xi32, #tpu.memory_space<vmem>>) semaphore(%arg19 : memref<!tpu.dma_semaphore, #tpu.memory_space<semaphore_mem>>)
    %dma_start3A_9 = arith.constant 0 : i32
    %dma_start3A_10 = arith.constant 0 : i32
    %dma_start3A_11 = tpu.memref_slice %arg5[%dma_start3A_9, %dma_start3A_10] : memref<10240x64xf32, #tpu.memory_space<hbm>> -> memref<10240x64xf32, #tpu.memory_space<hbm>>
    tpu.enqueue_indirect_dma source(%dma_start3A_11 : memref<10240x64xf32, #tpu.memory_space<hbm>>) target(%arg12 : memref<80x64xf32, #tpu.memory_space<vmem>>) offsets(%arg10 : memref<80xi32, #tpu.memory_space<vmem>>) semaphore(%arg20 : memref<!tpu.dma_semaphore, #tpu.memory_space<semaphore_mem>>)
    %scan3A = arith.constant 0 : i32
    %scan3A_12 = arith.constant 62 : i32
    %scan3A_13 = arith.addi %scan3A, %scan3A_12 : i32
    %scan3A_14 = arith.constant 1 : i32
    scf.for %scan3A_25 = %scan3A to %scan3A_13 step %scan3A_14  : i32 {
      %mul3A_26 = arith.constant 1 : i32
      %mul3A_27 = arith.muli %scan3A_25, %mul3A_26 : i32
      %add3A_28 = arith.constant 0 : i32
      %add3A_29 = arith.addi %add3A_28, %mul3A_27 : i32
      %mul3A_30 = arith.constant 2 : i32
      %mul3A_31 = arith.muli %mul3A_30, %add3A_29 : i32
      %add3A_32 = arith.constant 1 : i32
      %add3A_33 = arith.addi %mul3A_31, %add3A_32 : i32
      %mul3A_34 = arith.constant 80 : i32
      %mul3A_35 = arith.muli %add3A_33, %mul3A_34 : i32
      %add3A_36 = arith.addi %mul3A_4, %mul3A_35 : i32
      %multiple_of3A_37 = tpu.assume_multiple %add3A_36, 8 : i32
      "tpu.region"() ({
        %run_scoped3A = tpu.sem_alloc : memref<!tpu.dma_semaphore, #tpu.memory_space<semaphore_mem>>
        %dma_start3A_70 = tpu.memref_slice %arg2[%multiple_of3A_37] : memref<320000xi32, #tpu.memory_space<hbm>> -> memref<80xi32, #tpu.memory_space<hbm>>
        %dma_start3A_71 = tpu.memref_slice %arg2[%multiple_of3A_37] : memref<320000xi32, #tpu.memory_space<hbm>> -> memref<80xi32, #tpu.memory_space<hbm>>
        tpu.enqueue_dma source(%dma_start3A_71 : memref<80xi32, #tpu.memory_space<hbm>>) target(%arg13 : memref<80xi32, #tpu.memory_space<vmem>>) target_semaphore(%run_scoped3A : memref<!tpu.dma_semaphore, #tpu.memory_space<semaphore_mem>>)
        %dma_wait3A_72 = tpu.memref_slice %arg2[%multiple_of3A_37] : memref<320000xi32, #tpu.memory_space<hbm>> -> memref<80xi32, #tpu.memory_space<hbm>>
        %dma_wait3A_73 = tpu.memref_slice %arg2[%multiple_of3A_37] : memref<320000xi32, #tpu.memory_space<hbm>> -> memref<80xi32, #tpu.memory_space<hbm>>
        tpu.wait_dma2 semaphore(%run_scoped3A : memref<!tpu.dma_semaphore, #tpu.memory_space<semaphore_mem>>) src(%dma_wait3A_73 : memref<80xi32, #tpu.memory_space<hbm>>) dst(%arg13 : memref<80xi32, #tpu.memory_space<vmem>>)
        tpu.yield
      }) : () -> ()
      "tpu.region"() ({
        %run_scoped3A = tpu.sem_alloc : memref<!tpu.dma_semaphore, #tpu.memory_space<semaphore_mem>>
        %dma_start3A_70 = tpu.memref_slice %arg3[%multiple_of3A_37] : memref<320000xi32, #tpu.memory_space<hbm>> -> memref<80xi32, #tpu.memory_space<hbm>>
        %dma_start3A_71 = tpu.memref_slice %arg3[%multiple_of3A_37] : memref<320000xi32, #tpu.memory_space<hbm>> -> memref<80xi32, #tpu.memory_space<hbm>>
        tpu.enqueue_dma source(%dma_start3A_71 : memref<80xi32, #tpu.memory_space<hbm>>) target(%arg14 : memref<80xi32, #tpu.memory_space<vmem>>) target_semaphore(%run_scoped3A : memref<!tpu.dma_semaphore, #tpu.memory_space<semaphore_mem>>)
        %dma_wait3A_72 = tpu.memref_slice %arg3[%multiple_of3A_37] : memref<320000xi32, #tpu.memory_space<hbm>> -> memref<80xi32, #tpu.memory_space<hbm>>
        %dma_wait3A_73 = tpu.memref_slice %arg3[%multiple_of3A_37] : memref<320000xi32, #tpu.memory_space<hbm>> -> memref<80xi32, #tpu.memory_space<hbm>>
        tpu.wait_dma2 semaphore(%run_scoped3A : memref<!tpu.dma_semaphore, #tpu.memory_space<semaphore_mem>>) src(%dma_wait3A_73 : memref<80xi32, #tpu.memory_space<hbm>>) dst(%arg14 : memref<80xi32, #tpu.memory_space<vmem>>)
        tpu.yield
      }) : () -> ()
      %dma_start3A_38 = arith.constant 0 : i32
      %dma_start3A_39 = arith.constant 0 : i32
      %dma_start3A_40 = tpu.memref_slice %arg4[%dma_start3A_38, %dma_start3A_39] : memref<10240x64xf32, #tpu.memory_space<hbm>> -> memref<10240x64xf32, #tpu.memory_space<hbm>>
      tpu.enqueue_indirect_dma source(%dma_start3A_40 : memref<10240x64xf32, #tpu.memory_space<hbm>>) target(%arg15 : memref<80x64xf32, #tpu.memory_space<vmem>>) offsets(%arg13 : memref<80xi32, #tpu.memory_space<vmem>>) semaphore(%arg21 : memref<!tpu.dma_semaphore, #tpu.memory_space<semaphore_mem>>)
      %dma_start3A_41 = arith.constant 0 : i32
      %dma_start3A_42 = arith.constant 0 : i32
      %dma_start3A_43 = tpu.memref_slice %arg5[%dma_start3A_41, %dma_start3A_42] : memref<10240x64xf32, #tpu.memory_space<hbm>> -> memref<10240x64xf32, #tpu.memory_space<hbm>>
      tpu.enqueue_indirect_dma source(%dma_start3A_43 : memref<10240x64xf32, #tpu.memory_space<hbm>>) target(%arg16 : memref<80x64xf32, #tpu.memory_space<vmem>>) offsets(%arg14 : memref<80xi32, #tpu.memory_space<vmem>>) semaphore(%arg22 : memref<!tpu.dma_semaphore, #tpu.memory_space<semaphore_mem>>)
      %dma_wait3A_44 = arith.constant 0 : i32
      %dma_wait3A_45 = arith.constant 0 : i32
      %dma_wait3A_46 = tpu.memref_slice %arg4[%dma_wait3A_44, %dma_wait3A_45] : memref<10240x64xf32, #tpu.memory_space<hbm>> -> memref<10240x64xf32, #tpu.memory_space<hbm>>
      tpu.wait_indirect_dma semaphore(%arg19 : memref<!tpu.dma_semaphore, #tpu.memory_space<semaphore_mem>>) src(%dma_wait3A_46 : memref<10240x64xf32, #tpu.memory_space<hbm>>) dst(%arg11 : memref<80x64xf32, #tpu.memory_space<vmem>>)
      "tpu.region"() ({
        %run_scoped3A = tpu.sem_alloc : memref<!tpu.dma_semaphore, #tpu.memory_space<semaphore_mem>>
        %dma_start3A_70 = arith.constant 0 : i32
        %dma_start3A_71 = arith.constant 0 : i32
        %dma_start3A_72 = tpu.memref_slice %arg17[%dma_start3A_70, %dma_start3A_71] : memref<10240x64xf32, #tpu.memory_space<vmem_shared>> -> memref<10240x64xf32, #tpu.memory_space<vmem_shared>>
        tpu.enqueue_indirect_dma source(%arg11 : memref<80x64xf32, #tpu.memory_space<vmem>>) target(%dma_start3A_72 : memref<10240x64xf32, #tpu.memory_space<vmem_shared>>) offsets(%arg10 : memref<80xi32, #tpu.memory_space<vmem>>) semaphore(%run_scoped3A : memref<!tpu.dma_semaphore, #tpu.memory_space<semaphore_mem>>) {add = true}
        %dma_wait3A_73 = arith.constant 0 : i32
        %dma_wait3A_74 = arith.constant 0 : i32
        %dma_wait3A_75 = tpu.memref_slice %arg17[%dma_wait3A_73, %dma_wait3A_74] : memref<10240x64xf32, #tpu.memory_space<vmem_shared>> -> memref<10240x64xf32, #tpu.memory_space<vmem_shared>>
        tpu.wait_indirect_dma semaphore(%run_scoped3A : memref<!tpu.dma_semaphore, #tpu.memory_space<semaphore_mem>>) src(%arg11 : memref<80x64xf32, #tpu.memory_space<vmem>>) dst(%dma_wait3A_75 : memref<10240x64xf32, #tpu.memory_space<vmem_shared>>)
        tpu.yield
      }) : () -> ()
      %dma_wait3A_47 = arith.constant 0 : i32
      %dma_wait3A_48 = arith.constant 0 : i32
      %dma_wait3A_49 = tpu.memref_slice %arg5[%dma_wait3A_47, %dma_wait3A_48] : memref<10240x64xf32, #tpu.memory_space<hbm>> -> memref<10240x64xf32, #tpu.memory_space<hbm>>
      tpu.wait_indirect_dma semaphore(%arg20 : memref<!tpu.dma_semaphore, #tpu.memory_space<semaphore_mem>>) src(%dma_wait3A_49 : memref<10240x64xf32, #tpu.memory_space<hbm>>) dst(%arg12 : memref<80x64xf32, #tpu.memory_space<vmem>>)
      "tpu.region"() ({
        %run_scoped3A = tpu.sem_alloc : memref<!tpu.dma_semaphore, #tpu.memory_space<semaphore_mem>>
        %dma_start3A_70 = arith.constant 0 : i32
        %dma_start3A_71 = arith.constant 0 : i32
        %dma_start3A_72 = tpu.memref_slice %arg18[%dma_start3A_70, %dma_start3A_71] : memref<10240x64xf32, #tpu.memory_space<vmem_shared>> -> memref<10240x64xf32, #tpu.memory_space<vmem_shared>>
        tpu.enqueue_indirect_dma source(%arg12 : memref<80x64xf32, #tpu.memory_space<vmem>>) target(%dma_start3A_72 : memref<10240x64xf32, #tpu.memory_space<vmem_shared>>) offsets(%arg9 : memref<80xi32, #tpu.memory_space<vmem>>) semaphore(%run_scoped3A : memref<!tpu.dma_semaphore, #tpu.memory_space<semaphore_mem>>) {add = true}
        %dma_wait3A_73 = arith.constant 0 : i32
        %dma_wait3A_74 = arith.constant 0 : i32
        %dma_wait3A_75 = tpu.memref_slice %arg18[%dma_wait3A_73, %dma_wait3A_74] : memref<10240x64xf32, #tpu.memory_space<vmem_shared>> -> memref<10240x64xf32, #tpu.memory_space<vmem_shared>>
        tpu.wait_indirect_dma semaphore(%run_scoped3A : memref<!tpu.dma_semaphore, #tpu.memory_space<semaphore_mem>>) src(%arg12 : memref<80x64xf32, #tpu.memory_space<vmem>>) dst(%dma_wait3A_75 : memref<10240x64xf32, #tpu.memory_space<vmem_shared>>)
        tpu.yield
      }) : () -> ()
      %mul3A_50 = arith.constant 2 : i32
      %mul3A_51 = arith.muli %mul3A_50, %add3A_29 : i32
      %add3A_52 = arith.constant 2 : i32
      %add3A_53 = arith.addi %mul3A_51, %add3A_52 : i32
      %mul3A_54 = arith.constant 80 : i32
      %mul3A_55 = arith.muli %add3A_53, %mul3A_54 : i32
      %add3A_56 = arith.addi %mul3A_4, %mul3A_55 : i32
      %multiple_of3A_57 = tpu.assume_multiple %add3A_56, 8 : i32
      "tpu.region"() ({
        %run_scoped3A = tpu.sem_alloc : memref<!tpu.dma_semaphore, #tpu.memory_space<semaphore_mem>>
        %dma_start3A_70 = tpu.memref_slice %arg2[%multiple_of3A_57] : memref<320000xi32, #tpu.memory_space<hbm>> -> memref<80xi32, #tpu.memory_space<hbm>>
        %dma_start3A_71 = tpu.memref_slice %arg2[%multiple_of3A_57] : memref<320000xi32, #tpu.memory_space<hbm>> -> memref<80xi32, #tpu.memory_space<hbm>>
        tpu.enqueue_dma source(%dma_start3A_71 : memref<80xi32, #tpu.memory_space<hbm>>) target(%arg9 : memref<80xi32, #tpu.memory_space<vmem>>) target_semaphore(%run_scoped3A : memref<!tpu.dma_semaphore, #tpu.memory_space<semaphore_mem>>)
        %dma_wait3A_72 = tpu.memref_slice %arg2[%multiple_of3A_57] : memref<320000xi32, #tpu.memory_space<hbm>> -> memref<80xi32, #tpu.memory_space<hbm>>
        %dma_wait3A_73 = tpu.memref_slice %arg2[%multiple_of3A_57] : memref<320000xi32, #tpu.memory_space<hbm>> -> memref<80xi32, #tpu.memory_space<hbm>>
        tpu.wait_dma2 semaphore(%run_scoped3A : memref<!tpu.dma_semaphore, #tpu.memory_space<semaphore_mem>>) src(%dma_wait3A_73 : memref<80xi32, #tpu.memory_space<hbm>>) dst(%arg9 : memref<80xi32, #tpu.memory_space<vmem>>)
        tpu.yield
      }) : () -> ()
      "tpu.region"() ({
        %run_scoped3A = tpu.sem_alloc : memref<!tpu.dma_semaphore, #tpu.memory_space<semaphore_mem>>
        %dma_start3A_70 = tpu.memref_slice %arg3[%multiple_of3A_57] : memref<320000xi32, #tpu.memory_space<hbm>> -> memref<80xi32, #tpu.memory_space<hbm>>
        %dma_start3A_71 = tpu.memref_slice %arg3[%multiple_of3A_57] : memref<320000xi32, #tpu.memory_space<hbm>> -> memref<80xi32, #tpu.memory_space<hbm>>
        tpu.enqueue_dma source(%dma_start3A_71 : memref<80xi32, #tpu.memory_space<hbm>>) target(%arg10 : memref<80xi32, #tpu.memory_space<vmem>>) target_semaphore(%run_scoped3A : memref<!tpu.dma_semaphore, #tpu.memory_space<semaphore_mem>>)
        %dma_wait3A_72 = tpu.memref_slice %arg3[%multiple_of3A_57] : memref<320000xi32, #tpu.memory_space<hbm>> -> memref<80xi32, #tpu.memory_space<hbm>>
        %dma_wait3A_73 = tpu.memref_slice %arg3[%multiple_of3A_57] : memref<320000xi32, #tpu.memory_space<hbm>> -> memref<80xi32, #tpu.memory_space<hbm>>
        tpu.wait_dma2 semaphore(%run_scoped3A : memref<!tpu.dma_semaphore, #tpu.memory_space<semaphore_mem>>) src(%dma_wait3A_73 : memref<80xi32, #tpu.memory_space<hbm>>) dst(%arg10 : memref<80xi32, #tpu.memory_space<vmem>>)
        tpu.yield
      }) : () -> ()
      %dma_start3A_58 = arith.constant 0 : i32
      %dma_start3A_59 = arith.constant 0 : i32
      %dma_start3A_60 = tpu.memref_slice %arg4[%dma_start3A_58, %dma_start3A_59] : memref<10240x64xf32, #tpu.memory_space<hbm>> -> memref<10240x64xf32, #tpu.memory_space<hbm>>
      tpu.enqueue_indirect_dma source(%dma_start3A_60 : memref<10240x64xf32, #tpu.memory_space<hbm>>) target(%arg11 : memref<80x64xf32, #tpu.memory_space<vmem>>) offsets(%arg9 : memref<80xi32, #tpu.memory_space<vmem>>) semaphore(%arg19 : memref<!tpu.dma_semaphore, #tpu.memory_space<semaphore_mem>>)
      %dma_start3A_61 = arith.constant 0 : i32
      %dma_start3A_62 = arith.constant 0 : i32
      %dma_start3A_63 = tpu.memref_slice %arg5[%dma_start3A_61, %dma_start3A_62] : memref<10240x64xf32, #tpu.memory_space<hbm>> -> memref<10240x64xf32, #tpu.memory_space<hbm>>
      tpu.enqueue_indirect_dma source(%dma_start3A_63 : memref<10240x64xf32, #tpu.memory_space<hbm>>) target(%arg12 : memref<80x64xf32, #tpu.memory_space<vmem>>) offsets(%arg10 : memref<80xi32, #tpu.memory_space<vmem>>) semaphore(%arg20 : memref<!tpu.dma_semaphore, #tpu.memory_space<semaphore_mem>>)
      %dma_wait3A_64 = arith.constant 0 : i32
      %dma_wait3A_65 = arith.constant 0 : i32
      %dma_wait3A_66 = tpu.memref_slice %arg4[%dma_wait3A_64, %dma_wait3A_65] : memref<10240x64xf32, #tpu.memory_space<hbm>> -> memref<10240x64xf32, #tpu.memory_space<hbm>>
      tpu.wait_indirect_dma semaphore(%arg21 : memref<!tpu.dma_semaphore, #tpu.memory_space<semaphore_mem>>) src(%dma_wait3A_66 : memref<10240x64xf32, #tpu.memory_space<hbm>>) dst(%arg15 : memref<80x64xf32, #tpu.memory_space<vmem>>)
      "tpu.region"() ({
        %run_scoped3A = tpu.sem_alloc : memref<!tpu.dma_semaphore, #tpu.memory_space<semaphore_mem>>
        %dma_start3A_70 = arith.constant 0 : i32
        %dma_start3A_71 = arith.constant 0 : i32
        %dma_start3A_72 = tpu.memref_slice %arg17[%dma_start3A_70, %dma_start3A_71] : memref<10240x64xf32, #tpu.memory_space<vmem_shared>> -> memref<10240x64xf32, #tpu.memory_space<vmem_shared>>
        tpu.enqueue_indirect_dma source(%arg15 : memref<80x64xf32, #tpu.memory_space<vmem>>) target(%dma_start3A_72 : memref<10240x64xf32, #tpu.memory_space<vmem_shared>>) offsets(%arg14 : memref<80xi32, #tpu.memory_space<vmem>>) semaphore(%run_scoped3A : memref<!tpu.dma_semaphore, #tpu.memory_space<semaphore_mem>>) {add = true}
        %dma_wait3A_73 = arith.constant 0 : i32
        %dma_wait3A_74 = arith.constant 0 : i32
        %dma_wait3A_75 = tpu.memref_slice %arg17[%dma_wait3A_73, %dma_wait3A_74] : memref<10240x64xf32, #tpu.memory_space<vmem_shared>> -> memref<10240x64xf32, #tpu.memory_space<vmem_shared>>
        tpu.wait_indirect_dma semaphore(%run_scoped3A : memref<!tpu.dma_semaphore, #tpu.memory_space<semaphore_mem>>) src(%arg15 : memref<80x64xf32, #tpu.memory_space<vmem>>) dst(%dma_wait3A_75 : memref<10240x64xf32, #tpu.memory_space<vmem_shared>>)
        tpu.yield
      }) : () -> ()
      %dma_wait3A_67 = arith.constant 0 : i32
      %dma_wait3A_68 = arith.constant 0 : i32
      %dma_wait3A_69 = tpu.memref_slice %arg5[%dma_wait3A_67, %dma_wait3A_68] : memref<10240x64xf32, #tpu.memory_space<hbm>> -> memref<10240x64xf32, #tpu.memory_space<hbm>>
      tpu.wait_indirect_dma semaphore(%arg22 : memref<!tpu.dma_semaphore, #tpu.memory_space<semaphore_mem>>) src(%dma_wait3A_69 : memref<10240x64xf32, #tpu.memory_space<hbm>>) dst(%arg16 : memref<80x64xf32, #tpu.memory_space<vmem>>)
      "tpu.region"() ({
        %run_scoped3A = tpu.sem_alloc : memref<!tpu.dma_semaphore, #tpu.memory_space<semaphore_mem>>
        %dma_start3A_70 = arith.constant 0 : i32
        %dma_start3A_71 = arith.constant 0 : i32
        %dma_start3A_72 = tpu.memref_slice %arg18[%dma_start3A_70, %dma_start3A_71] : memref<10240x64xf32, #tpu.memory_space<vmem_shared>> -> memref<10240x64xf32, #tpu.memory_space<vmem_shared>>
        tpu.enqueue_indirect_dma source(%arg16 : memref<80x64xf32, #tpu.memory_space<vmem>>) target(%dma_start3A_72 : memref<10240x64xf32, #tpu.memory_space<vmem_shared>>) offsets(%arg13 : memref<80xi32, #tpu.memory_space<vmem>>) semaphore(%run_scoped3A : memref<!tpu.dma_semaphore, #tpu.memory_space<semaphore_mem>>) {add = true}
        %dma_wait3A_73 = arith.constant 0 : i32
        %dma_wait3A_74 = arith.constant 0 : i32
        %dma_wait3A_75 = tpu.memref_slice %arg18[%dma_wait3A_73, %dma_wait3A_74] : memref<10240x64xf32, #tpu.memory_space<vmem_shared>> -> memref<10240x64xf32, #tpu.memory_space<vmem_shared>>
        tpu.wait_indirect_dma semaphore(%run_scoped3A : memref<!tpu.dma_semaphore, #tpu.memory_space<semaphore_mem>>) src(%arg16 : memref<80x64xf32, #tpu.memory_space<vmem>>) dst(%dma_wait3A_75 : memref<10240x64xf32, #tpu.memory_space<vmem_shared>>)
        tpu.yield
      }) : () -> ()
    }
    %scan3A_15 = arith.constant 62 : i32
    %dma_wait3A = arith.constant 0 : i32
    %dma_wait3A_16 = arith.constant 0 : i32
    %dma_wait3A_17 = tpu.memref_slice %arg4[%dma_wait3A, %dma_wait3A_16] : memref<10240x64xf32, #tpu.memory_space<hbm>> -> memref<10240x64xf32, #tpu.memory_space<hbm>>
    tpu.wait_indirect_dma semaphore(%arg19 : memref<!tpu.dma_semaphore, #tpu.memory_space<semaphore_mem>>) src(%dma_wait3A_17 : memref<10240x64xf32, #tpu.memory_space<hbm>>) dst(%arg11 : memref<80x64xf32, #tpu.memory_space<vmem>>)
    "tpu.region"() ({
      %run_scoped3A = tpu.sem_alloc : memref<!tpu.dma_semaphore, #tpu.memory_space<semaphore_mem>>
      %dma_start3A_25 = arith.constant 0 : i32
      %dma_start3A_26 = arith.constant 0 : i32
      %dma_start3A_27 = tpu.memref_slice %arg17[%dma_start3A_25, %dma_start3A_26] : memref<10240x64xf32, #tpu.memory_space<vmem_shared>> -> memref<10240x64xf32, #tpu.memory_space<vmem_shared>>
      tpu.enqueue_indirect_dma source(%arg11 : memref<80x64xf32, #tpu.memory_space<vmem>>) target(%dma_start3A_27 : memref<10240x64xf32, #tpu.memory_space<vmem_shared>>) offsets(%arg10 : memref<80xi32, #tpu.memory_space<vmem>>) semaphore(%run_scoped3A : memref<!tpu.dma_semaphore, #tpu.memory_space<semaphore_mem>>) {add = true}
      %dma_wait3A_28 = arith.constant 0 : i32
      %dma_wait3A_29 = arith.constant 0 : i32
      %dma_wait3A_30 = tpu.memref_slice %arg17[%dma_wait3A_28, %dma_wait3A_29] : memref<10240x64xf32, #tpu.memory_space<vmem_shared>> -> memref<10240x64xf32, #tpu.memory_space<vmem_shared>>
      tpu.wait_indirect_dma semaphore(%run_scoped3A : memref<!tpu.dma_semaphore, #tpu.memory_space<semaphore_mem>>) src(%arg11 : memref<80x64xf32, #tpu.memory_space<vmem>>) dst(%dma_wait3A_30 : memref<10240x64xf32, #tpu.memory_space<vmem_shared>>)
      tpu.yield
    }) : () -> ()
    %dma_wait3A_18 = arith.constant 0 : i32
    %dma_wait3A_19 = arith.constant 0 : i32
    %dma_wait3A_20 = tpu.memref_slice %arg5[%dma_wait3A_18, %dma_wait3A_19] : memref<10240x64xf32, #tpu.memory_space<hbm>> -> memref<10240x64xf32, #tpu.memory_space<hbm>>
    tpu.wait_indirect_dma semaphore(%arg20 : memref<!tpu.dma_semaphore, #tpu.memory_space<semaphore_mem>>) src(%dma_wait3A_20 : memref<10240x64xf32, #tpu.memory_space<hbm>>) dst(%arg12 : memref<80x64xf32, #tpu.memory_space<vmem>>)
    "tpu.region"() ({
      %run_scoped3A = tpu.sem_alloc : memref<!tpu.dma_semaphore, #tpu.memory_space<semaphore_mem>>
      %dma_start3A_25 = arith.constant 0 : i32
      %dma_start3A_26 = arith.constant 0 : i32
      %dma_start3A_27 = tpu.memref_slice %arg18[%dma_start3A_25, %dma_start3A_26] : memref<10240x64xf32, #tpu.memory_space<vmem_shared>> -> memref<10240x64xf32, #tpu.memory_space<vmem_shared>>
      tpu.enqueue_indirect_dma source(%arg12 : memref<80x64xf32, #tpu.memory_space<vmem>>) target(%dma_start3A_27 : memref<10240x64xf32, #tpu.memory_space<vmem_shared>>) offsets(%arg9 : memref<80xi32, #tpu.memory_space<vmem>>) semaphore(%run_scoped3A : memref<!tpu.dma_semaphore, #tpu.memory_space<semaphore_mem>>) {add = true}
      %dma_wait3A_28 = arith.constant 0 : i32
      %dma_wait3A_29 = arith.constant 0 : i32
      %dma_wait3A_30 = tpu.memref_slice %arg18[%dma_wait3A_28, %dma_wait3A_29] : memref<10240x64xf32, #tpu.memory_space<vmem_shared>> -> memref<10240x64xf32, #tpu.memory_space<vmem_shared>>
      tpu.wait_indirect_dma semaphore(%run_scoped3A : memref<!tpu.dma_semaphore, #tpu.memory_space<semaphore_mem>>) src(%arg12 : memref<80x64xf32, #tpu.memory_space<vmem>>) dst(%dma_wait3A_30 : memref<10240x64xf32, #tpu.memory_space<vmem_shared>>)
      tpu.yield
    }) : () -> ()
    %barrier3A_21 = arith.constant 0 : index
    tpu.barrier barrier_id(%barrier3A_21)
    %mul3A_22 = arith.constant 10240 : i32
    %mul3A_23 = arith.muli %arg0, %mul3A_22 : i32
    %add3A_24 = arith.addi %mul3A_23, %mul3A_2 : i32
    "tpu.region"() ({
      %run_scoped3A = tpu.sem_alloc : memref<!tpu.dma_semaphore, #tpu.memory_space<semaphore_mem>>
      %dma_start3A_25 = arith.constant 0 : i32
      %dma_start3A_26 = tpu.memref_slice %arg7[%add3A_24, %dma_start3A_25] : memref<20480x64xf32, #tpu.memory_space<hbm>> -> memref<640x64xf32, #tpu.memory_space<hbm>>
      %dma_start3A_27 = arith.constant 0 : i32
      %dma_start3A_28 = tpu.memref_slice %arg17[%mul3A_2, %dma_start3A_27] : memref<10240x64xf32, #tpu.memory_space<vmem_shared>> -> memref<640x64xf32, #tpu.memory_space<vmem_shared>>
      tpu.enqueue_dma source(%dma_start3A_28 : memref<640x64xf32, #tpu.memory_space<vmem_shared>>) target(%dma_start3A_26 : memref<640x64xf32, #tpu.memory_space<hbm>>) target_semaphore(%run_scoped3A : memref<!tpu.dma_semaphore, #tpu.memory_space<semaphore_mem>>)
      %dma_wait3A_29 = arith.constant 0 : i32
      %dma_wait3A_30 = tpu.memref_slice %arg7[%add3A_24, %dma_wait3A_29] : memref<20480x64xf32, #tpu.memory_space<hbm>> -> memref<640x64xf32, #tpu.memory_space<hbm>>
      %dma_wait3A_31 = arith.constant 0 : i32
      %dma_wait3A_32 = tpu.memref_slice %arg17[%mul3A_2, %dma_wait3A_31] : memref<10240x64xf32, #tpu.memory_space<vmem_shared>> -> memref<640x64xf32, #tpu.memory_space<vmem_shared>>
      tpu.wait_dma2 semaphore(%run_scoped3A : memref<!tpu.dma_semaphore, #tpu.memory_space<semaphore_mem>>) src(%dma_wait3A_32 : memref<640x64xf32, #tpu.memory_space<vmem_shared>>) dst(%dma_wait3A_30 : memref<640x64xf32, #tpu.memory_space<hbm>>)
      tpu.yield
    }) : () -> ()
    "tpu.region"() ({
      %run_scoped3A = tpu.sem_alloc : memref<!tpu.dma_semaphore, #tpu.memory_space<semaphore_mem>>
      %dma_start3A_25 = arith.constant 0 : i32
      %dma_start3A_26 = tpu.memref_slice %arg8[%add3A_24, %dma_start3A_25] : memref<20480x64xf32, #tpu.memory_space<hbm>> -> memref<640x64xf32, #tpu.memory_space<hbm>>
      %dma_start3A_27 = arith.constant 0 : i32
      %dma_start3A_28 = tpu.memref_slice %arg18[%mul3A_2, %dma_start3A_27] : memref<10240x64xf32, #tpu.memory_space<vmem_shared>> -> memref<640x64xf32, #tpu.memory_space<vmem_shared>>
      tpu.enqueue_dma source(%dma_start3A_28 : memref<640x64xf32, #tpu.memory_space<vmem_shared>>) target(%dma_start3A_26 : memref<640x64xf32, #tpu.memory_space<hbm>>) target_semaphore(%run_scoped3A : memref<!tpu.dma_semaphore, #tpu.memory_space<semaphore_mem>>)
      %dma_wait3A_29 = arith.constant 0 : i32
      %dma_wait3A_30 = tpu.memref_slice %arg8[%add3A_24, %dma_wait3A_29] : memref<20480x64xf32, #tpu.memory_space<hbm>> -> memref<640x64xf32, #tpu.memory_space<hbm>>
      %dma_wait3A_31 = arith.constant 0 : i32
      %dma_wait3A_32 = tpu.memref_slice %arg18[%mul3A_2, %dma_wait3A_31] : memref<10240x64xf32, #tpu.memory_space<vmem_shared>> -> memref<640x64xf32, #tpu.memory_space<vmem_shared>>
      tpu.wait_dma2 semaphore(%run_scoped3A : memref<!tpu.dma_semaphore, #tpu.memory_space<semaphore_mem>>) src(%dma_wait3A_32 : memref<640x64xf32, #tpu.memory_space<vmem_shared>>) dst(%dma_wait3A_30 : memref<640x64xf32, #tpu.memory_space<hbm>>)
      tpu.yield
    }) : () -> ()
    return
  }
}

#map = affine_map<(d0, d1) -> (0)>
#map1 = affine_map<(d0, d1) -> (0, 0)>
module attributes {stable_mosaic.version = 14 : i64} {
  func.func @_sc_body(%arg0: i32, %arg1: i32, %arg2: memref<320000xi32, #tpu.memory_space<hbm>>, %arg3: memref<320000xi32, #tpu.memory_space<hbm>>, %arg4: memref<10240x64xf32, #tpu.memory_space<hbm>>, %arg5: memref<10240x64xf32, #tpu.memory_space<hbm>>, %arg6: memref<640x64xf32, #tpu.memory_space<hbm>>, %arg7: memref<20480x64xf32, #tpu.memory_space<hbm>>, %arg8: memref<20480x64xf32, #tpu.memory_space<hbm>>, %arg9: memref<80xi32, #tpu.memory_space<vmem>>, %arg10: memref<80xi32, #tpu.memory_space<vmem>>, %arg11: memref<80x64xf32, #tpu.memory_space<vmem>>, %arg12: memref<80x64xf32, #tpu.memory_space<vmem>>, %arg13: memref<80xi32, #tpu.memory_space<vmem>>, %arg14: memref<80xi32, #tpu.memory_space<vmem>>, %arg15: memref<80x64xf32, #tpu.memory_space<vmem>>, %arg16: memref<80x64xf32, #tpu.memory_space<vmem>>, %arg17: memref<10240x64xf32, #tpu.memory_space<vmem_shared>>, %arg18: memref<10240x64xf32, #tpu.memory_space<vmem_shared>>, %arg19: memref<!tpu.dma_semaphore, #tpu.memory_space<semaphore_mem>>, %arg20: memref<!tpu.dma_semaphore, #tpu.memory_space<semaphore_mem>>, %arg21: memref<!tpu.dma_semaphore, #tpu.memory_space<semaphore_mem>>, %arg22: memref<!tpu.dma_semaphore, #tpu.memory_space<semaphore_mem>>) attributes {dimension_semantics = [#tpu.dimension_semantics<core_parallel>, #tpu.dimension_semantics<subcore_parallel>], iteration_bounds = array<i64: 2, 16>, scalar_prefetch = 0 : i64, scratch_operands = 14 : i64, tpu.core_type = #tpu.core_type<sc_vector_subcore>, window_params = [{transform_indices = #map}, {transform_indices = #map}, {transform_indices = #map1}, {transform_indices = #map1}, {transform_indices = #map1}, {transform_indices = #map1}, {transform_indices = #map1}]} {
    %mul3A = arith.constant 2 : i32
    %mul3A_0 = arith.muli %arg1, %mul3A : i32
    %add3A = arith.addi %mul3A_0, %arg0 : i32
    %mul3A_1 = arith.constant 640 : i32
    %mul3A_2 = arith.muli %arg1, %mul3A_1 : i32
    "tpu.region"() ({
      %run_scoped3A = tpu.sem_alloc : memref<!tpu.dma_semaphore, #tpu.memory_space<semaphore_mem>>
      %dma_start3A_25 = arith.constant 0 : i32
      %dma_start3A_26 = tpu.memref_slice %arg17[%mul3A_2, %dma_start3A_25] : memref<10240x64xf32, #tpu.memory_space<vmem_shared>> -> memref<640x64xf32, #tpu.memory_space<vmem_shared>>
      tpu.enqueue_dma source(%arg6 : memref<640x64xf32, #tpu.memory_space<hbm>>) target(%dma_start3A_26 : memref<640x64xf32, #tpu.memory_space<vmem_shared>>) target_semaphore(%run_scoped3A : memref<!tpu.dma_semaphore, #tpu.memory_space<semaphore_mem>>)
      %dma_wait3A_27 = arith.constant 0 : i32
      %dma_wait3A_28 = tpu.memref_slice %arg17[%mul3A_2, %dma_wait3A_27] : memref<10240x64xf32, #tpu.memory_space<vmem_shared>> -> memref<640x64xf32, #tpu.memory_space<vmem_shared>>
      tpu.wait_dma2 semaphore(%run_scoped3A : memref<!tpu.dma_semaphore, #tpu.memory_space<semaphore_mem>>) src(%arg6 : memref<640x64xf32, #tpu.memory_space<hbm>>) dst(%dma_wait3A_28 : memref<640x64xf32, #tpu.memory_space<vmem_shared>>)
      tpu.yield
    }) : () -> ()
    "tpu.region"() ({
      %run_scoped3A = tpu.sem_alloc : memref<!tpu.dma_semaphore, #tpu.memory_space<semaphore_mem>>
      %dma_start3A_25 = arith.constant 0 : i32
      %dma_start3A_26 = tpu.memref_slice %arg18[%mul3A_2, %dma_start3A_25] : memref<10240x64xf32, #tpu.memory_space<vmem_shared>> -> memref<640x64xf32, #tpu.memory_space<vmem_shared>>
      tpu.enqueue_dma source(%arg6 : memref<640x64xf32, #tpu.memory_space<hbm>>) target(%dma_start3A_26 : memref<640x64xf32, #tpu.memory_space<vmem_shared>>) target_semaphore(%run_scoped3A : memref<!tpu.dma_semaphore, #tpu.memory_space<semaphore_mem>>)
      %dma_wait3A_27 = arith.constant 0 : i32
      %dma_wait3A_28 = tpu.memref_slice %arg18[%mul3A_2, %dma_wait3A_27] : memref<10240x64xf32, #tpu.memory_space<vmem_shared>> -> memref<640x64xf32, #tpu.memory_space<vmem_shared>>
      tpu.wait_dma2 semaphore(%run_scoped3A : memref<!tpu.dma_semaphore, #tpu.memory_space<semaphore_mem>>) src(%arg6 : memref<640x64xf32, #tpu.memory_space<hbm>>) dst(%dma_wait3A_28 : memref<640x64xf32, #tpu.memory_space<vmem_shared>>)
      tpu.yield
    }) : () -> ()
    %barrier3A = arith.constant 0 : index
    tpu.barrier barrier_id(%barrier3A)
    %mul3A_3 = arith.constant 10000 : i32
    %mul3A_4 = arith.muli %add3A, %mul3A_3 : i32
    %add3A_5 = arith.constant 0 : i32
    %add3A_6 = arith.addi %mul3A_4, %add3A_5 : i32
    %multiple_of3A = tpu.assume_multiple %add3A_6, 8 : i32
    "tpu.region"() ({
      %run_scoped3A = tpu.sem_alloc : memref<!tpu.dma_semaphore, #tpu.memory_space<semaphore_mem>>
      %dma_start3A_25 = tpu.memref_slice %arg2[%multiple_of3A] : memref<320000xi32, #tpu.memory_space<hbm>> -> memref<80xi32, #tpu.memory_space<hbm>>
      %dma_start3A_26 = tpu.memref_slice %arg2[%multiple_of3A] : memref<320000xi32, #tpu.memory_space<hbm>> -> memref<80xi32, #tpu.memory_space<hbm>>
      tpu.enqueue_dma source(%dma_start3A_26 : memref<80xi32, #tpu.memory_space<hbm>>) target(%arg9 : memref<80xi32, #tpu.memory_space<vmem>>) target_semaphore(%run_scoped3A : memref<!tpu.dma_semaphore, #tpu.memory_space<semaphore_mem>>)
      %dma_wait3A_27 = tpu.memref_slice %arg2[%multiple_of3A] : memref<320000xi32, #tpu.memory_space<hbm>> -> memref<80xi32, #tpu.memory_space<hbm>>
      %dma_wait3A_28 = tpu.memref_slice %arg2[%multiple_of3A] : memref<320000xi32, #tpu.memory_space<hbm>> -> memref<80xi32, #tpu.memory_space<hbm>>
      tpu.wait_dma2 semaphore(%run_scoped3A : memref<!tpu.dma_semaphore, #tpu.memory_space<semaphore_mem>>) src(%dma_wait3A_28 : memref<80xi32, #tpu.memory_space<hbm>>) dst(%arg9 : memref<80xi32, #tpu.memory_space<vmem>>)
      tpu.yield
    }) : () -> ()
    "tpu.region"() ({
      %run_scoped3A = tpu.sem_alloc : memref<!tpu.dma_semaphore, #tpu.memory_space<semaphore_mem>>
      %dma_start3A_25 = tpu.memref_slice %arg3[%multiple_of3A] : memref<320000xi32, #tpu.memory_space<hbm>> -> memref<80xi32, #tpu.memory_space<hbm>>
      %dma_start3A_26 = tpu.memref_slice %arg3[%multiple_of3A] : memref<320000xi32, #tpu.memory_space<hbm>> -> memref<80xi32, #tpu.memory_space<hbm>>
      tpu.enqueue_dma source(%dma_start3A_26 : memref<80xi32, #tpu.memory_space<hbm>>) target(%arg10 : memref<80xi32, #tpu.memory_space<vmem>>) target_semaphore(%run_scoped3A : memref<!tpu.dma_semaphore, #tpu.memory_space<semaphore_mem>>)
      %dma_wait3A_27 = tpu.memref_slice %arg3[%multiple_of3A] : memref<320000xi32, #tpu.memory_space<hbm>> -> memref<80xi32, #tpu.memory_space<hbm>>
      %dma_wait3A_28 = tpu.memref_slice %arg3[%multiple_of3A] : memref<320000xi32, #tpu.memory_space<hbm>> -> memref<80xi32, #tpu.memory_space<hbm>>
      tpu.wait_dma2 semaphore(%run_scoped3A : memref<!tpu.dma_semaphore, #tpu.memory_space<semaphore_mem>>) src(%dma_wait3A_28 : memref<80xi32, #tpu.memory_space<hbm>>) dst(%arg10 : memref<80xi32, #tpu.memory_space<vmem>>)
      tpu.yield
    }) : () -> ()
    %dma_start3A = arith.constant 0 : i32
    %dma_start3A_7 = arith.constant 0 : i32
    %dma_start3A_8 = tpu.memref_slice %arg4[%dma_start3A, %dma_start3A_7] : memref<10240x64xf32, #tpu.memory_space<hbm>> -> memref<10240x64xf32, #tpu.memory_space<hbm>>
    tpu.enqueue_indirect_dma source(%dma_start3A_8 : memref<10240x64xf32, #tpu.memory_space<hbm>>) target(%arg11 : memref<80x64xf32, #tpu.memory_space<vmem>>) offsets(%arg9 : memref<80xi32, #tpu.memory_space<vmem>>) semaphore(%arg19 : memref<!tpu.dma_semaphore, #tpu.memory_space<semaphore_mem>>)
    %dma_start3A_9 = arith.constant 0 : i32
    %dma_start3A_10 = arith.constant 0 : i32
    %dma_start3A_11 = tpu.memref_slice %arg5[%dma_start3A_9, %dma_start3A_10] : memref<10240x64xf32, #tpu.memory_space<hbm>> -> memref<10240x64xf32, #tpu.memory_space<hbm>>
    tpu.enqueue_indirect_dma source(%dma_start3A_11 : memref<10240x64xf32, #tpu.memory_space<hbm>>) target(%arg12 : memref<80x64xf32, #tpu.memory_space<vmem>>) offsets(%arg10 : memref<80xi32, #tpu.memory_space<vmem>>) semaphore(%arg20 : memref<!tpu.dma_semaphore, #tpu.memory_space<semaphore_mem>>)
    %scan3A = arith.constant 0 : i32
    %scan3A_12 = arith.constant 62 : i32
    %scan3A_13 = arith.addi %scan3A, %scan3A_12 : i32
    %scan3A_14 = arith.constant 1 : i32
    scf.for %scan3A_25 = %scan3A to %scan3A_13 step %scan3A_14  : i32 {
      %mul3A_26 = arith.constant 1 : i32
      %mul3A_27 = arith.muli %scan3A_25, %mul3A_26 : i32
      %add3A_28 = arith.constant 0 : i32
      %add3A_29 = arith.addi %add3A_28, %mul3A_27 : i32
      %mul3A_30 = arith.constant 2 : i32
      %mul3A_31 = arith.muli %mul3A_30, %add3A_29 : i32
      %add3A_32 = arith.constant 1 : i32
      %add3A_33 = arith.addi %mul3A_31, %add3A_32 : i32
      %mul3A_34 = arith.constant 80 : i32
      %mul3A_35 = arith.muli %add3A_33, %mul3A_34 : i32
      %add3A_36 = arith.addi %mul3A_4, %mul3A_35 : i32
      %multiple_of3A_37 = tpu.assume_multiple %add3A_36, 8 : i32
      "tpu.region"() ({
        %run_scoped3A = tpu.sem_alloc : memref<!tpu.dma_semaphore, #tpu.memory_space<semaphore_mem>>
        %dma_start3A_70 = tpu.memref_slice %arg2[%multiple_of3A_37] : memref<320000xi32, #tpu.memory_space<hbm>> -> memref<80xi32, #tpu.memory_space<hbm>>
        %dma_start3A_71 = tpu.memref_slice %arg2[%multiple_of3A_37] : memref<320000xi32, #tpu.memory_space<hbm>> -> memref<80xi32, #tpu.memory_space<hbm>>
        tpu.enqueue_dma source(%dma_start3A_71 : memref<80xi32, #tpu.memory_space<hbm>>) target(%arg13 : memref<80xi32, #tpu.memory_space<vmem>>) target_semaphore(%run_scoped3A : memref<!tpu.dma_semaphore, #tpu.memory_space<semaphore_mem>>)
        %dma_wait3A_72 = tpu.memref_slice %arg2[%multiple_of3A_37] : memref<320000xi32, #tpu.memory_space<hbm>> -> memref<80xi32, #tpu.memory_space<hbm>>
        %dma_wait3A_73 = tpu.memref_slice %arg2[%multiple_of3A_37] : memref<320000xi32, #tpu.memory_space<hbm>> -> memref<80xi32, #tpu.memory_space<hbm>>
        tpu.wait_dma2 semaphore(%run_scoped3A : memref<!tpu.dma_semaphore, #tpu.memory_space<semaphore_mem>>) src(%dma_wait3A_73 : memref<80xi32, #tpu.memory_space<hbm>>) dst(%arg13 : memref<80xi32, #tpu.memory_space<vmem>>)
        tpu.yield
      }) : () -> ()
      "tpu.region"() ({
        %run_scoped3A = tpu.sem_alloc : memref<!tpu.dma_semaphore, #tpu.memory_space<semaphore_mem>>
        %dma_start3A_70 = tpu.memref_slice %arg3[%multiple_of3A_37] : memref<320000xi32, #tpu.memory_space<hbm>> -> memref<80xi32, #tpu.memory_space<hbm>>
        %dma_start3A_71 = tpu.memref_slice %arg3[%multiple_of3A_37] : memref<320000xi32, #tpu.memory_space<hbm>> -> memref<80xi32, #tpu.memory_space<hbm>>
        tpu.enqueue_dma source(%dma_start3A_71 : memref<80xi32, #tpu.memory_space<hbm>>) target(%arg14 : memref<80xi32, #tpu.memory_space<vmem>>) target_semaphore(%run_scoped3A : memref<!tpu.dma_semaphore, #tpu.memory_space<semaphore_mem>>)
        %dma_wait3A_72 = tpu.memref_slice %arg3[%multiple_of3A_37] : memref<320000xi32, #tpu.memory_space<hbm>> -> memref<80xi32, #tpu.memory_space<hbm>>
        %dma_wait3A_73 = tpu.memref_slice %arg3[%multiple_of3A_37] : memref<320000xi32, #tpu.memory_space<hbm>> -> memref<80xi32, #tpu.memory_space<hbm>>
        tpu.wait_dma2 semaphore(%run_scoped3A : memref<!tpu.dma_semaphore, #tpu.memory_space<semaphore_mem>>) src(%dma_wait3A_73 : memref<80xi32, #tpu.memory_space<hbm>>) dst(%arg14 : memref<80xi32, #tpu.memory_space<vmem>>)
        tpu.yield
      }) : () -> ()
      %dma_start3A_38 = arith.constant 0 : i32
      %dma_start3A_39 = arith.constant 0 : i32
      %dma_start3A_40 = tpu.memref_slice %arg4[%dma_start3A_38, %dma_start3A_39] : memref<10240x64xf32, #tpu.memory_space<hbm>> -> memref<10240x64xf32, #tpu.memory_space<hbm>>
      tpu.enqueue_indirect_dma source(%dma_start3A_40 : memref<10240x64xf32, #tpu.memory_space<hbm>>) target(%arg15 : memref<80x64xf32, #tpu.memory_space<vmem>>) offsets(%arg13 : memref<80xi32, #tpu.memory_space<vmem>>) semaphore(%arg21 : memref<!tpu.dma_semaphore, #tpu.memory_space<semaphore_mem>>)
      %dma_start3A_41 = arith.constant 0 : i32
      %dma_start3A_42 = arith.constant 0 : i32
      %dma_start3A_43 = tpu.memref_slice %arg5[%dma_start3A_41, %dma_start3A_42] : memref<10240x64xf32, #tpu.memory_space<hbm>> -> memref<10240x64xf32, #tpu.memory_space<hbm>>
      tpu.enqueue_indirect_dma source(%dma_start3A_43 : memref<10240x64xf32, #tpu.memory_space<hbm>>) target(%arg16 : memref<80x64xf32, #tpu.memory_space<vmem>>) offsets(%arg14 : memref<80xi32, #tpu.memory_space<vmem>>) semaphore(%arg22 : memref<!tpu.dma_semaphore, #tpu.memory_space<semaphore_mem>>)
      %dma_wait3A_44 = arith.constant 0 : i32
      %dma_wait3A_45 = arith.constant 0 : i32
      %dma_wait3A_46 = tpu.memref_slice %arg4[%dma_wait3A_44, %dma_wait3A_45] : memref<10240x64xf32, #tpu.memory_space<hbm>> -> memref<10240x64xf32, #tpu.memory_space<hbm>>
      tpu.wait_indirect_dma semaphore(%arg19 : memref<!tpu.dma_semaphore, #tpu.memory_space<semaphore_mem>>) src(%dma_wait3A_46 : memref<10240x64xf32, #tpu.memory_space<hbm>>) dst(%arg11 : memref<80x64xf32, #tpu.memory_space<vmem>>)
      "tpu.region"() ({
        %run_scoped3A = tpu.sem_alloc : memref<!tpu.dma_semaphore, #tpu.memory_space<semaphore_mem>>
        %dma_start3A_70 = arith.constant 0 : i32
        %dma_start3A_71 = arith.constant 0 : i32
        %dma_start3A_72 = tpu.memref_slice %arg17[%dma_start3A_70, %dma_start3A_71] : memref<10240x64xf32, #tpu.memory_space<vmem_shared>> -> memref<10240x64xf32, #tpu.memory_space<vmem_shared>>
        tpu.enqueue_indirect_dma source(%arg11 : memref<80x64xf32, #tpu.memory_space<vmem>>) target(%dma_start3A_72 : memref<10240x64xf32, #tpu.memory_space<vmem_shared>>) offsets(%arg10 : memref<80xi32, #tpu.memory_space<vmem>>) semaphore(%run_scoped3A : memref<!tpu.dma_semaphore, #tpu.memory_space<semaphore_mem>>) {add = true}
        %dma_wait3A_73 = arith.constant 0 : i32
        %dma_wait3A_74 = arith.constant 0 : i32
        %dma_wait3A_75 = tpu.memref_slice %arg17[%dma_wait3A_73, %dma_wait3A_74] : memref<10240x64xf32, #tpu.memory_space<vmem_shared>> -> memref<10240x64xf32, #tpu.memory_space<vmem_shared>>
        tpu.wait_indirect_dma semaphore(%run_scoped3A : memref<!tpu.dma_semaphore, #tpu.memory_space<semaphore_mem>>) src(%arg11 : memref<80x64xf32, #tpu.memory_space<vmem>>) dst(%dma_wait3A_75 : memref<10240x64xf32, #tpu.memory_space<vmem_shared>>)
        tpu.yield
      }) : () -> ()
      %dma_wait3A_47 = arith.constant 0 : i32
      %dma_wait3A_48 = arith.constant 0 : i32
      %dma_wait3A_49 = tpu.memref_slice %arg5[%dma_wait3A_47, %dma_wait3A_48] : memref<10240x64xf32, #tpu.memory_space<hbm>> -> memref<10240x64xf32, #tpu.memory_space<hbm>>
      tpu.wait_indirect_dma semaphore(%arg20 : memref<!tpu.dma_semaphore, #tpu.memory_space<semaphore_mem>>) src(%dma_wait3A_49 : memref<10240x64xf32, #tpu.memory_space<hbm>>) dst(%arg12 : memref<80x64xf32, #tpu.memory_space<vmem>>)
      "tpu.region"() ({
        %run_scoped3A = tpu.sem_alloc : memref<!tpu.dma_semaphore, #tpu.memory_space<semaphore_mem>>
        %dma_start3A_70 = arith.constant 0 : i32
        %dma_start3A_71 = arith.constant 0 : i32
        %dma_start3A_72 = tpu.memref_slice %arg18[%dma_start3A_70, %dma_start3A_71] : memref<10240x64xf32, #tpu.memory_space<vmem_shared>> -> memref<10240x64xf32, #tpu.memory_space<vmem_shared>>
        tpu.enqueue_indirect_dma source(%arg12 : memref<80x64xf32, #tpu.memory_space<vmem>>) target(%dma_start3A_72 : memref<10240x64xf32, #tpu.memory_space<vmem_shared>>) offsets(%arg9 : memref<80xi32, #tpu.memory_space<vmem>>) semaphore(%run_scoped3A : memref<!tpu.dma_semaphore, #tpu.memory_space<semaphore_mem>>) {add = true}
        %dma_wait3A_73 = arith.constant 0 : i32
        %dma_wait3A_74 = arith.constant 0 : i32
        %dma_wait3A_75 = tpu.memref_slice %arg18[%dma_wait3A_73, %dma_wait3A_74] : memref<10240x64xf32, #tpu.memory_space<vmem_shared>> -> memref<10240x64xf32, #tpu.memory_space<vmem_shared>>
        tpu.wait_indirect_dma semaphore(%run_scoped3A : memref<!tpu.dma_semaphore, #tpu.memory_space<semaphore_mem>>) src(%arg12 : memref<80x64xf32, #tpu.memory_space<vmem>>) dst(%dma_wait3A_75 : memref<10240x64xf32, #tpu.memory_space<vmem_shared>>)
        tpu.yield
      }) : () -> ()
      %mul3A_50 = arith.constant 2 : i32
      %mul3A_51 = arith.muli %mul3A_50, %add3A_29 : i32
      %add3A_52 = arith.constant 2 : i32
      %add3A_53 = arith.addi %mul3A_51, %add3A_52 : i32
      %mul3A_54 = arith.constant 80 : i32
      %mul3A_55 = arith.muli %add3A_53, %mul3A_54 : i32
      %add3A_56 = arith.addi %mul3A_4, %mul3A_55 : i32
      %multiple_of3A_57 = tpu.assume_multiple %add3A_56, 8 : i32
      "tpu.region"() ({
        %run_scoped3A = tpu.sem_alloc : memref<!tpu.dma_semaphore, #tpu.memory_space<semaphore_mem>>
        %dma_start3A_70 = tpu.memref_slice %arg2[%multiple_of3A_57] : memref<320000xi32, #tpu.memory_space<hbm>> -> memref<80xi32, #tpu.memory_space<hbm>>
        %dma_start3A_71 = tpu.memref_slice %arg2[%multiple_of3A_57] : memref<320000xi32, #tpu.memory_space<hbm>> -> memref<80xi32, #tpu.memory_space<hbm>>
        tpu.enqueue_dma source(%dma_start3A_71 : memref<80xi32, #tpu.memory_space<hbm>>) target(%arg9 : memref<80xi32, #tpu.memory_space<vmem>>) target_semaphore(%run_scoped3A : memref<!tpu.dma_semaphore, #tpu.memory_space<semaphore_mem>>)
        %dma_wait3A_72 = tpu.memref_slice %arg2[%multiple_of3A_57] : memref<320000xi32, #tpu.memory_space<hbm>> -> memref<80xi32, #tpu.memory_space<hbm>>
        %dma_wait3A_73 = tpu.memref_slice %arg2[%multiple_of3A_57] : memref<320000xi32, #tpu.memory_space<hbm>> -> memref<80xi32, #tpu.memory_space<hbm>>
        tpu.wait_dma2 semaphore(%run_scoped3A : memref<!tpu.dma_semaphore, #tpu.memory_space<semaphore_mem>>) src(%dma_wait3A_73 : memref<80xi32, #tpu.memory_space<hbm>>) dst(%arg9 : memref<80xi32, #tpu.memory_space<vmem>>)
        tpu.yield
      }) : () -> ()
      "tpu.region"() ({
        %run_scoped3A = tpu.sem_alloc : memref<!tpu.dma_semaphore, #tpu.memory_space<semaphore_mem>>
        %dma_start3A_70 = tpu.memref_slice %arg3[%multiple_of3A_57] : memref<320000xi32, #tpu.memory_space<hbm>> -> memref<80xi32, #tpu.memory_space<hbm>>
        %dma_start3A_71 = tpu.memref_slice %arg3[%multiple_of3A_57] : memref<320000xi32, #tpu.memory_space<hbm>> -> memref<80xi32, #tpu.memory_space<hbm>>
        tpu.enqueue_dma source(%dma_start3A_71 : memref<80xi32, #tpu.memory_space<hbm>>) target(%arg10 : memref<80xi32, #tpu.memory_space<vmem>>) target_semaphore(%run_scoped3A : memref<!tpu.dma_semaphore, #tpu.memory_space<semaphore_mem>>)
        %dma_wait3A_72 = tpu.memref_slice %arg3[%multiple_of3A_57] : memref<320000xi32, #tpu.memory_space<hbm>> -> memref<80xi32, #tpu.memory_space<hbm>>
        %dma_wait3A_73 = tpu.memref_slice %arg3[%multiple_of3A_57] : memref<320000xi32, #tpu.memory_space<hbm>> -> memref<80xi32, #tpu.memory_space<hbm>>
        tpu.wait_dma2 semaphore(%run_scoped3A : memref<!tpu.dma_semaphore, #tpu.memory_space<semaphore_mem>>) src(%dma_wait3A_73 : memref<80xi32, #tpu.memory_space<hbm>>) dst(%arg10 : memref<80xi32, #tpu.memory_space<vmem>>)
        tpu.yield
      }) : () -> ()
      %dma_start3A_58 = arith.constant 0 : i32
      %dma_start3A_59 = arith.constant 0 : i32
      %dma_start3A_60 = tpu.memref_slice %arg4[%dma_start3A_58, %dma_start3A_59] : memref<10240x64xf32, #tpu.memory_space<hbm>> -> memref<10240x64xf32, #tpu.memory_space<hbm>>
      tpu.enqueue_indirect_dma source(%dma_start3A_60 : memref<10240x64xf32, #tpu.memory_space<hbm>>) target(%arg11 : memref<80x64xf32, #tpu.memory_space<vmem>>) offsets(%arg9 : memref<80xi32, #tpu.memory_space<vmem>>) semaphore(%arg19 : memref<!tpu.dma_semaphore, #tpu.memory_space<semaphore_mem>>)
      %dma_start3A_61 = arith.constant 0 : i32
      %dma_start3A_62 = arith.constant 0 : i32
      %dma_start3A_63 = tpu.memref_slice %arg5[%dma_start3A_61, %dma_start3A_62] : memref<10240x64xf32, #tpu.memory_space<hbm>> -> memref<10240x64xf32, #tpu.memory_space<hbm>>
      tpu.enqueue_indirect_dma source(%dma_start3A_63 : memref<10240x64xf32, #tpu.memory_space<hbm>>) target(%arg12 : memref<80x64xf32, #tpu.memory_space<vmem>>) offsets(%arg10 : memref<80xi32, #tpu.memory_space<vmem>>) semaphore(%arg20 : memref<!tpu.dma_semaphore, #tpu.memory_space<semaphore_mem>>)
      %dma_wait3A_64 = arith.constant 0 : i32
      %dma_wait3A_65 = arith.constant 0 : i32
      %dma_wait3A_66 = tpu.memref_slice %arg4[%dma_wait3A_64, %dma_wait3A_65] : memref<10240x64xf32, #tpu.memory_space<hbm>> -> memref<10240x64xf32, #tpu.memory_space<hbm>>
      tpu.wait_indirect_dma semaphore(%arg21 : memref<!tpu.dma_semaphore, #tpu.memory_space<semaphore_mem>>) src(%dma_wait3A_66 : memref<10240x64xf32, #tpu.memory_space<hbm>>) dst(%arg15 : memref<80x64xf32, #tpu.memory_space<vmem>>)
      "tpu.region"() ({
        %run_scoped3A = tpu.sem_alloc : memref<!tpu.dma_semaphore, #tpu.memory_space<semaphore_mem>>
        %dma_start3A_70 = arith.constant 0 : i32
        %dma_start3A_71 = arith.constant 0 : i32
        %dma_start3A_72 = tpu.memref_slice %arg17[%dma_start3A_70, %dma_start3A_71] : memref<10240x64xf32, #tpu.memory_space<vmem_shared>> -> memref<10240x64xf32, #tpu.memory_space<vmem_shared>>
        tpu.enqueue_indirect_dma source(%arg15 : memref<80x64xf32, #tpu.memory_space<vmem>>) target(%dma_start3A_72 : memref<10240x64xf32, #tpu.memory_space<vmem_shared>>) offsets(%arg14 : memref<80xi32, #tpu.memory_space<vmem>>) semaphore(%run_scoped3A : memref<!tpu.dma_semaphore, #tpu.memory_space<semaphore_mem>>) {add = true}
        %dma_wait3A_73 = arith.constant 0 : i32
        %dma_wait3A_74 = arith.constant 0 : i32
        %dma_wait3A_75 = tpu.memref_slice %arg17[%dma_wait3A_73, %dma_wait3A_74] : memref<10240x64xf32, #tpu.memory_space<vmem_shared>> -> memref<10240x64xf32, #tpu.memory_space<vmem_shared>>
        tpu.wait_indirect_dma semaphore(%run_scoped3A : memref<!tpu.dma_semaphore, #tpu.memory_space<semaphore_mem>>) src(%arg15 : memref<80x64xf32, #tpu.memory_space<vmem>>) dst(%dma_wait3A_75 : memref<10240x64xf32, #tpu.memory_space<vmem_shared>>)
        tpu.yield
      }) : () -> ()
      %dma_wait3A_67 = arith.constant 0 : i32
      %dma_wait3A_68 = arith.constant 0 : i32
      %dma_wait3A_69 = tpu.memref_slice %arg5[%dma_wait3A_67, %dma_wait3A_68] : memref<10240x64xf32, #tpu.memory_space<hbm>> -> memref<10240x64xf32, #tpu.memory_space<hbm>>
      tpu.wait_indirect_dma semaphore(%arg22 : memref<!tpu.dma_semaphore, #tpu.memory_space<semaphore_mem>>) src(%dma_wait3A_69 : memref<10240x64xf32, #tpu.memory_space<hbm>>) dst(%arg16 : memref<80x64xf32, #tpu.memory_space<vmem>>)
      "tpu.region"() ({
        %run_scoped3A = tpu.sem_alloc : memref<!tpu.dma_semaphore, #tpu.memory_space<semaphore_mem>>
        %dma_start3A_70 = arith.constant 0 : i32
        %dma_start3A_71 = arith.constant 0 : i32
        %dma_start3A_72 = tpu.memref_slice %arg18[%dma_start3A_70, %dma_start3A_71] : memref<10240x64xf32, #tpu.memory_space<vmem_shared>> -> memref<10240x64xf32, #tpu.memory_space<vmem_shared>>
        tpu.enqueue_indirect_dma source(%arg16 : memref<80x64xf32, #tpu.memory_space<vmem>>) target(%dma_start3A_72 : memref<10240x64xf32, #tpu.memory_space<vmem_shared>>) offsets(%arg13 : memref<80xi32, #tpu.memory_space<vmem>>) semaphore(%run_scoped3A : memref<!tpu.dma_semaphore, #tpu.memory_space<semaphore_mem>>) {add = true}
        %dma_wait3A_73 = arith.constant 0 : i32
        %dma_wait3A_74 = arith.constant 0 : i32
        %dma_wait3A_75 = tpu.memref_slice %arg18[%dma_wait3A_73, %dma_wait3A_74] : memref<10240x64xf32, #tpu.memory_space<vmem_shared>> -> memref<10240x64xf32, #tpu.memory_space<vmem_shared>>
        tpu.wait_indirect_dma semaphore(%run_scoped3A : memref<!tpu.dma_semaphore, #tpu.memory_space<semaphore_mem>>) src(%arg16 : memref<80x64xf32, #tpu.memory_space<vmem>>) dst(%dma_wait3A_75 : memref<10240x64xf32, #tpu.memory_space<vmem_shared>>)
        tpu.yield
      }) : () -> ()
    }
    %scan3A_15 = arith.constant 62 : i32
    %dma_wait3A = arith.constant 0 : i32
    %dma_wait3A_16 = arith.constant 0 : i32
    %dma_wait3A_17 = tpu.memref_slice %arg4[%dma_wait3A, %dma_wait3A_16] : memref<10240x64xf32, #tpu.memory_space<hbm>> -> memref<10240x64xf32, #tpu.memory_space<hbm>>
    tpu.wait_indirect_dma semaphore(%arg19 : memref<!tpu.dma_semaphore, #tpu.memory_space<semaphore_mem>>) src(%dma_wait3A_17 : memref<10240x64xf32, #tpu.memory_space<hbm>>) dst(%arg11 : memref<80x64xf32, #tpu.memory_space<vmem>>)
    "tpu.region"() ({
      %run_scoped3A = tpu.sem_alloc : memref<!tpu.dma_semaphore, #tpu.memory_space<semaphore_mem>>
      %dma_start3A_25 = arith.constant 0 : i32
      %dma_start3A_26 = arith.constant 0 : i32
      %dma_start3A_27 = tpu.memref_slice %arg17[%dma_start3A_25, %dma_start3A_26] : memref<10240x64xf32, #tpu.memory_space<vmem_shared>> -> memref<10240x64xf32, #tpu.memory_space<vmem_shared>>
      tpu.enqueue_indirect_dma source(%arg11 : memref<80x64xf32, #tpu.memory_space<vmem>>) target(%dma_start3A_27 : memref<10240x64xf32, #tpu.memory_space<vmem_shared>>) offsets(%arg10 : memref<80xi32, #tpu.memory_space<vmem>>) semaphore(%run_scoped3A : memref<!tpu.dma_semaphore, #tpu.memory_space<semaphore_mem>>) {add = true}
      %dma_wait3A_28 = arith.constant 0 : i32
      %dma_wait3A_29 = arith.constant 0 : i32
      %dma_wait3A_30 = tpu.memref_slice %arg17[%dma_wait3A_28, %dma_wait3A_29] : memref<10240x64xf32, #tpu.memory_space<vmem_shared>> -> memref<10240x64xf32, #tpu.memory_space<vmem_shared>>
      tpu.wait_indirect_dma semaphore(%run_scoped3A : memref<!tpu.dma_semaphore, #tpu.memory_space<semaphore_mem>>) src(%arg11 : memref<80x64xf32, #tpu.memory_space<vmem>>) dst(%dma_wait3A_30 : memref<10240x64xf32, #tpu.memory_space<vmem_shared>>)
      tpu.yield
    }) : () -> ()
    %dma_wait3A_18 = arith.constant 0 : i32
    %dma_wait3A_19 = arith.constant 0 : i32
    %dma_wait3A_20 = tpu.memref_slice %arg5[%dma_wait3A_18, %dma_wait3A_19] : memref<10240x64xf32, #tpu.memory_space<hbm>> -> memref<10240x64xf32, #tpu.memory_space<hbm>>
    tpu.wait_indirect_dma semaphore(%arg20 : memref<!tpu.dma_semaphore, #tpu.memory_space<semaphore_mem>>) src(%dma_wait3A_20 : memref<10240x64xf32, #tpu.memory_space<hbm>>) dst(%arg12 : memref<80x64xf32, #tpu.memory_space<vmem>>)
    "tpu.region"() ({
      %run_scoped3A = tpu.sem_alloc : memref<!tpu.dma_semaphore, #tpu.memory_space<semaphore_mem>>
      %dma_start3A_25 = arith.constant 0 : i32
      %dma_start3A_26 = arith.constant 0 : i32
      %dma_start3A_27 = tpu.memref_slice %arg18[%dma_start3A_25, %dma_start3A_26] : memref<10240x64xf32, #tpu.memory_space<vmem_shared>> -> memref<10240x64xf32, #tpu.memory_space<vmem_shared>>
      tpu.enqueue_indirect_dma source(%arg12 : memref<80x64xf32, #tpu.memory_space<vmem>>) target(%dma_start3A_27 : memref<10240x64xf32, #tpu.memory_space<vmem_shared>>) offsets(%arg9 : memref<80xi32, #tpu.memory_space<vmem>>) semaphore(%run_scoped3A : memref<!tpu.dma_semaphore, #tpu.memory_space<semaphore_mem>>) {add = true}
      %dma_wait3A_28 = arith.constant 0 : i32
      %dma_wait3A_29 = arith.constant 0 : i32
      %dma_wait3A_30 = tpu.memref_slice %arg18[%dma_wait3A_28, %dma_wait3A_29] : memref<10240x64xf32, #tpu.memory_space<vmem_shared>> -> memref<10240x64xf32, #tpu.memory_space<vmem_shared>>
      tpu.wait_indirect_dma semaphore(%run_scoped3A : memref<!tpu.dma_semaphore, #tpu.memory_space<semaphore_mem>>) src(%arg12 : memref<80x64xf32, #tpu.memory_space<vmem>>) dst(%dma_wait3A_30 : memref<10240x64xf32, #tpu.memory_space<vmem_shared>>)
      tpu.yield
    }) : () -> ()
    %barrier3A_21 = arith.constant 0 : index
    tpu.barrier barrier_id(%barrier3A_21)
    %mul3A_22 = arith.constant 10240 : i32
    %mul3A_23 = arith.muli %arg0, %mul3A_22 : i32
    %add3A_24 = arith.addi %mul3A_23, %mul3A_2 : i32
    "tpu.region"() ({
      %run_scoped3A = tpu.sem_alloc : memref<!tpu.dma_semaphore, #tpu.memory_space<semaphore_mem>>
      %dma_start3A_25 = arith.constant 0 : i32
      %dma_start3A_26 = tpu.memref_slice %arg7[%add3A_24, %dma_start3A_25] : memref<20480x64xf32, #tpu.memory_space<hbm>> -> memref<640x64xf32, #tpu.memory_space<hbm>>
      %dma_start3A_27 = arith.constant 0 : i32
      %dma_start3A_28 = tpu.memref_slice %arg17[%mul3A_2, %dma_start3A_27] : memref<10240x64xf32, #tpu.memory_space<vmem_shared>> -> memref<640x64xf32, #tpu.memory_space<vmem_shared>>
      tpu.enqueue_dma source(%dma_start3A_28 : memref<640x64xf32, #tpu.memory_space<vmem_shared>>) target(%dma_start3A_26 : memref<640x64xf32, #tpu.memory_space<hbm>>) target_semaphore(%run_scoped3A : memref<!tpu.dma_semaphore, #tpu.memory_space<semaphore_mem>>)
      %dma_wait3A_29 = arith.constant 0 : i32
      %dma_wait3A_30 = tpu.memref_slice %arg7[%add3A_24, %dma_wait3A_29] : memref<20480x64xf32, #tpu.memory_space<hbm>> -> memref<640x64xf32, #tpu.memory_space<hbm>>
      %dma_wait3A_31 = arith.constant 0 : i32
      %dma_wait3A_32 = tpu.memref_slice %arg17[%mul3A_2, %dma_wait3A_31] : memref<10240x64xf32, #tpu.memory_space<vmem_shared>> -> memref<640x64xf32, #tpu.memory_space<vmem_shared>>
      tpu.wait_dma2 semaphore(%run_scoped3A : memref<!tpu.dma_semaphore, #tpu.memory_space<semaphore_mem>>) src(%dma_wait3A_32 : memref<640x64xf32, #tpu.memory_space<vmem_shared>>) dst(%dma_wait3A_30 : memref<640x64xf32, #tpu.memory_space<hbm>>)
      tpu.yield
    }) : () -> ()
    "tpu.region"() ({
      %run_scoped3A = tpu.sem_alloc : memref<!tpu.dma_semaphore, #tpu.memory_space<semaphore_mem>>
      %dma_start3A_25 = arith.constant 0 : i32
      %dma_start3A_26 = tpu.memref_slice %arg8[%add3A_24, %dma_start3A_25] : memref<20480x64xf32, #tpu.memory_space<hbm>> -> memref<640x64xf32, #tpu.memory_space<hbm>>
      %dma_start3A_27 = arith.constant 0 : i32
      %dma_start3A_28 = tpu.memref_slice %arg18[%mul3A_2, %dma_start3A_27] : memref<10240x64xf32, #tpu.memory_space<vmem_shared>> -> memref<640x64xf32, #tpu.memory_space<vmem_shared>>
      tpu.enqueue_dma source(%dma_start3A_28 : memref<640x64xf32, #tpu.memory_space<vmem_shared>>) target(%dma_start3A_26 : memref<640x64xf32, #tpu.memory_space<hbm>>) target_semaphore(%run_scoped3A : memref<!tpu.dma_semaphore, #tpu.memory_space<semaphore_mem>>)
      %dma_wait3A_29 = arith.constant 0 : i32
      %dma_wait3A_30 = tpu.memref_slice %arg8[%add3A_24, %dma_wait3A_29] : memref<20480x64xf32, #tpu.memory_space<hbm>> -> memref<640x64xf32, #tpu.memory_space<hbm>>
      %dma_wait3A_31 = arith.constant 0 : i32
      %dma_wait3A_32 = tpu.memref_slice %arg18[%mul3A_2, %dma_wait3A_31] : memref<10240x64xf32, #tpu.memory_space<vmem_shared>> -> memref<640x64xf32, #tpu.memory_space<vmem_shared>>
      tpu.wait_dma2 semaphore(%run_scoped3A : memref<!tpu.dma_semaphore, #tpu.memory_space<semaphore_mem>>) src(%dma_wait3A_32 : memref<640x64xf32, #tpu.memory_space<vmem_shared>>) dst(%dma_wait3A_30 : memref<640x64xf32, #tpu.memory_space<hbm>>)
      tpu.yield
    }) : () -> ()
    return
  }
}

module attributes {stable_mosaic.version = 14 : i64} {
  func.func @_h0_body(%arg0: i32, %arg1: memref<1280x1xi32, #tpu.memory_space<vmem>>, %arg2: memref<16x64xf32, #tpu.memory_space<vmem>>, %arg3: memref<1280x64xf32, #tpu.memory_space<vmem>>, %arg4: memref<1280x64xf32, #tpu.memory_space<vmem>>) attributes {dimension_semantics = [#tpu.dimension_semantics<arbitrary>], iteration_bounds = array<i64: 8>, scalar_prefetch = 0 : i64, scratch_operands = 0 : i64, tpu.core_type = #tpu.core_type<tc>, window_params = [{transform_indices = @transform_0, window_bounds = array<i64: 1280, 1>}, {pipeline_mode = #tpu.pipeline_mode<synchronous>, transform_indices = @transform_1, window_bounds = array<i64: 16, 64>}, {transform_indices = @transform_2, window_bounds = array<i64: 1280, 64>}, {transform_indices = @transform_3, window_bounds = array<i64: 1280, 64>}]} {
    %get3A = arith.constant 0 : index
    %get3A_0 = arith.constant 0 : index
    %get3A_1 = vector.load %arg1[%get3A, %get3A_0] : memref<1280x1xi32, #tpu.memory_space<vmem>>, vector<1280x1xi32>
    %iota3A = tpu.iota {dimensions = array<i32: 1>} : vector<1280x16xi32>
    %eq3A = vector.broadcast %get3A_1 : vector<1280x1xi32> to vector<1280x16xi32>
    %eq3A_2 = arith.cmpi eq, %eq3A, %iota3A : vector<1280x16xi32>
    %convert_element_type3A = arith.extui %eq3A_2 : vector<1280x16xi1> to vector<1280x16xi32>
    %convert_element_type3A_3 = arith.sitofp %convert_element_type3A : vector<1280x16xi32> to vector<1280x16xf32>
    %get3A_4 = arith.constant 0 : index
    %get3A_5 = arith.constant 0 : index
    %get3A_6 = vector.load %arg2[%get3A_4, %get3A_5] : memref<16x64xf32, #tpu.memory_space<vmem>>, vector<16x64xf32>
    %dot_general3A = arith.constant dense<0.000000e+00> : vector<1280x64xf32>
    %dot_general3A_7 = tpu.matmul %convert_element_type3A_3, %get3A_6, %dot_general3A {dimension_numbers = #tpu.dot_dimension_numbers<[1], [0], [0], [1], [0, 0, 1, 1], [], []>, precision = #tpu.contract_precision<fp32>, transpose_lhs_hint = false} : vector<1280x16xf32>, vector<16x64xf32>, vector<1280x64xf32> -> vector<1280x64xf32>
    %swap3A = arith.constant 0 : index
    %swap3A_8 = arith.constant 0 : index
    %swap3A_9 = vector.load %arg3[%swap3A, %swap3A_8] : memref<1280x64xf32, #tpu.memory_space<vmem>>, vector<1280x64xf32>
    tpu.vector_store %arg3[%swap3A, %swap3A_8], %dot_general3A_7 {strides = array<i32>} : memref<1280x64xf32, #tpu.memory_space<vmem>>, vector<1280x64xf32>,
    %convert_element_type3A_10 = arith.truncf %dot_general3A_7 : vector<1280x64xf32> to vector<1280x64xbf16>
    %convert_element_type3A_11 = arith.extf %convert_element_type3A_10 : vector<1280x64xbf16> to vector<1280x64xf32>
    %swap3A_12 = arith.constant 0 : index
    %swap3A_13 = arith.constant 0 : index
    %swap3A_14 = vector.load %arg4[%swap3A_12, %swap3A_13] : memref<1280x64xf32, #tpu.memory_space<vmem>>, vector<1280x64xf32>
    tpu.vector_store %arg4[%swap3A_12, %swap3A_13], %convert_element_type3A_11 {strides = array<i32>} : memref<1280x64xf32, #tpu.memory_space<vmem>>, vector<1280x64xf32>,
    return
  }
  func.func @transform_0(%arg0: i32) -> (i32, i32) {
    %c0_i32 = arith.constant 0 : i32
    %c0_i32_0 = arith.constant 0 : i32
    return %arg0, %c0_i32 : i32, i32
  }
  func.func @transform_1(%arg0: i32) -> (i32, i32) {
    %c0_i32 = arith.constant 0 : i32
    %c0_i32_0 = arith.constant 0 : i32
    %c0_i32_1 = arith.constant 0 : i32
    return %c0_i32, %c0_i32_0 : i32, i32
  }
  func.func @transform_2(%arg0: i32) -> (i32, i32) {
    %c0_i32 = arith.constant 0 : i32
    %c0_i32_0 = arith.constant 0 : i32
    return %arg0, %c0_i32 : i32, i32
  }
  func.func @transform_3(%arg0: i32) -> (i32, i32) {
    %c0_i32 = arith.constant 0 : i32
    %c0_i32_0 = arith.constant 0 : i32
    return %arg0, %c0_i32 : i32, i32
  }
}

module attributes {stable_mosaic.version = 14 : i64} {
  func.func @_dense_body(%arg0: i32, %arg1: memref<1280x64xf32, #tpu.memory_space<vmem>>, %arg2: memref<1280x64xf32, #tpu.memory_space<vmem>>, %arg3: memref<1280x64xf32, #tpu.memory_space<vmem>>, %arg4: memref<1280x64xf32, #tpu.memory_space<vmem>>, %arg5: memref<1280x16xf32, #tpu.memory_space<vmem>>, %arg6: memref<1280x16xf32, #tpu.memory_space<vmem>>, %arg7: memref<1280x16xf32, #tpu.memory_space<vmem>>, %arg8: memref<1280x16xf32, #tpu.memory_space<vmem>>, %arg9: memref<1280x64xf32, #tpu.memory_space<vmem>>, %arg10: memref<1280x64xf32, #tpu.memory_space<vmem>>, %arg11: memref<128x128xf32, #tpu.memory_space<vmem>>, %arg12: memref<1x128xf32, #tpu.memory_space<vmem>>, %arg13: memref<192x128xf32, #tpu.memory_space<vmem>>, %arg14: memref<192x64xf32, #tpu.memory_space<vmem>>, %arg15: memref<1x192xf32, #tpu.memory_space<vmem>>, %arg16: memref<1x192xf32, #tpu.memory_space<vmem>>, %arg17: memref<128x128xf32, #tpu.memory_space<vmem>>, %arg18: memref<1x128xf32, #tpu.memory_space<vmem>>, %arg19: memref<192x128xf32, #tpu.memory_space<vmem>>, %arg20: memref<192x64xf32, #tpu.memory_space<vmem>>, %arg21: memref<1x192xf32, #tpu.memory_space<vmem>>, %arg22: memref<1x192xf32, #tpu.memory_space<vmem>>, %arg23: memref<1280x64xf32, #tpu.memory_space<vmem>>, %arg24: memref<1280x64xf32, #tpu.memory_space<vmem>>, %arg25: memref<1280x64xf32, #tpu.memory_space<vmem>>, %arg26: memref<1280x64xf32, #tpu.memory_space<vmem>>) attributes {dimension_semantics = [#tpu.dimension_semantics<arbitrary>], iteration_bounds = array<i64: 8>, scalar_prefetch = 0 : i64, scratch_operands = 0 : i64, tpu.core_type = #tpu.core_type<tc>, window_params = [{transform_indices = @transform_0, window_bounds = array<i64: 1280, 64>}, {transform_indices = @transform_1, window_bounds = array<i64: 1280, 64>}, {transform_indices = @transform_2, window_bounds = array<i64: 1280, 64>}, {transform_indices = @transform_3, window_bounds = array<i64: 1280, 64>}, {transform_indices = @transform_4, window_bounds = array<i64: 1280, 16>}, {transform_indices = @transform_5, window_bounds = array<i64: 1280, 16>}, {transform_indices = @transform_6, window_bounds = array<i64: 1280, 16>}, {transform_indices = @transform_7, window_bounds = array<i64: 1280, 16>}, {transform_indices = @transform_8, window_bounds = array<i64: 1280, 64>}, {transform_indices = @transform_9, window_bounds = array<i64: 1280, 64>}, {pipeline_mode = #tpu.pipeline_mode<synchronous>, transform_indices = @transform_10, window_bounds = array<i64: 128, 128>}, {pipeline_mode = #tpu.pipeline_mode<synchronous>, transform_indices = @transform_11, window_bounds = array<i64: 1, 128>}, {pipeline_mode = #tpu.pipeline_mode<synchronous>, transform_indices = @transform_12, window_bounds = array<i64: 192, 128>}, {pipeline_mode = #tpu.pipeline_mode<synchronous>, transform_indices = @transform_13, window_bounds = array<i64: 192, 64>}, {pipeline_mode = #tpu.pipeline_mode<synchronous>, transform_indices = @transform_14, window_bounds = array<i64: 1, 192>}, {pipeline_mode = #tpu.pipeline_mode<synchronous>, transform_indices = @transform_15, window_bounds = array<i64: 1, 192>}, {pipeline_mode = #tpu.pipeline_mode<synchronous>, transform_indices = @transform_16, window_bounds = array<i64: 128, 128>}, {pipeline_mode = #tpu.pipeline_mode<synchronous>, transform_indices = @transform_17, window_bounds = array<i64: 1, 128>}, {pipeline_mode = #tpu.pipeline_mode<synchronous>, transform_indices = @transform_18, window_bounds = array<i64: 192, 128>}, {pipeline_mode = #tpu.pipeline_mode<synchronous>, transform_indices = @transform_19, window_bounds = array<i64: 192, 64>}, {pipeline_mode = #tpu.pipeline_mode<synchronous>, transform_indices = @transform_20, window_bounds = array<i64: 1, 192>}, {pipeline_mode = #tpu.pipeline_mode<synchronous>, transform_indices = @transform_21, window_bounds = array<i64: 1, 192>}, {transform_indices = @transform_22, window_bounds = array<i64: 1280, 64>}, {transform_indices = @transform_23, window_bounds = array<i64: 1280, 64>}, {transform_indices = @transform_24, window_bounds = array<i64: 1280, 64>}, {transform_indices = @transform_25, window_bounds = array<i64: 1280, 64>}]} {
    %get3A = arith.constant 0 : index
    %get3A_0 = arith.constant 0 : index
    %get3A_1 = vector.load %arg1[%get3A, %get3A_0] : memref<1280x64xf32, #tpu.memory_space<vmem>>, vector<1280x64xf32>
    %get3A_2 = arith.constant 0 : index
    %get3A_3 = arith.constant 0 : index
    %get3A_4 = vector.load %arg2[%get3A_2, %get3A_3] : memref<1280x64xf32, #tpu.memory_space<vmem>>, vector<1280x64xf32>
    %add3A = arith.addf %get3A_1, %get3A_4 : vector<1280x64xf32>
    %get3A_5 = arith.constant 0 : index
    %get3A_6 = arith.constant 0 : index
    %get3A_7 = vector.load %arg5[%get3A_5, %get3A_6] : memref<1280x16xf32, #tpu.memory_space<vmem>>, vector<1280x16xf32>
    %slice3A = vector.extract_strided_slice %get3A_7 {offsets = [0, 0], sizes = [1280, 1], strides = [1, 1]} : vector<1280x16xf32> to vector<1280x1xf32>
    %get3A_8 = arith.constant 0 : index
    %get3A_9 = arith.constant 0 : index
    %get3A_10 = vector.load %arg6[%get3A_8, %get3A_9] : memref<1280x16xf32, #tpu.memory_space<vmem>>, vector<1280x16xf32>
    %slice3A_11 = vector.extract_strided_slice %get3A_10 {offsets = [0, 0], sizes = [1280, 1], strides = [1, 1]} : vector<1280x16xf32> to vector<1280x1xf32>
    %add3A_12 = arith.addf %slice3A, %slice3A_11 : vector<1280x1xf32>
    %get3A_13 = arith.constant 0 : index
    %get3A_14 = arith.constant 0 : index
    %get3A_15 = vector.load %arg9[%get3A_13, %get3A_14] : memref<1280x64xf32, #tpu.memory_space<vmem>>, vector<1280x64xf32>
    %convert_element_type3A = arith.truncf %get3A_15 : vector<1280x64xf32> to vector<1280x64xbf16>
    %convert_element_type3A_16 = arith.extf %convert_element_type3A : vector<1280x64xbf16> to vector<1280x64xf32>
    %get3A_17 = arith.constant 0 : index
    %get3A_18 = arith.constant 0 : index
    %get3A_19 = vector.load %arg11[%get3A_17, %get3A_18] : memref<128x128xf32, #tpu.memory_space<vmem>>, vector<128x128xf32>
    %convert_element_type3A_20 = arith.truncf %get3A_19 : vector<128x128xf32> to vector<128x128xbf16>
    %convert_element_type3A_21 = arith.extf %convert_element_type3A_20 : vector<128x128xbf16> to vector<128x128xf32>
    %slice3A_22 = vector.extract_strided_slice %convert_element_type3A_21 {offsets = [0, 64], sizes = [128, 64], strides = [1, 1]} : vector<128x128xf32> to vector<128x64xf32>
    %dot_general3A = arith.constant dense<0.000000e+00> : vector<1280x128xf32>
    %dot_general3A_23 = tpu.matmul %convert_element_type3A_16, %slice3A_22, %dot_general3A {dimension_numbers = #tpu.dot_dimension_numbers<[1], [1], [0], [0], [0, 0, 1, 0], [], []>, precision = #tpu.contract_precision<fp32>, transpose_lhs_hint = false} : vector<1280x64xf32>, vector<128x64xf32>, vector<1280x128xf32> -> vector<1280x128xf32>
    %get3A_24 = arith.constant 0 : index
    %get3A_25 = arith.constant 0 : index
    %get3A_26 = vector.load %arg12[%get3A_24, %get3A_25] : memref<1x128xf32, #tpu.memory_space<vmem>>, vector<1x128xf32>
    %add3A_27 = vector.broadcast %get3A_26 : vector<1x128xf32> to vector<1280x128xf32>
    %add3A_28 = arith.addf %dot_general3A_23, %add3A_27 : vector<1280x128xf32>
    %slice3A_29 = vector.extract_strided_slice %convert_element_type3A_21 {offsets = [0, 0], sizes = [128, 64], strides = [1, 1]} : vector<128x128xf32> to vector<128x64xf32>
    %dot_general3A_30 = arith.constant dense<0.000000e+00> : vector<1280x128xf32>
    %dot_general3A_31 = tpu.matmul %add3A, %slice3A_29, %dot_general3A_30 {dimension_numbers = #tpu.dot_dimension_numbers<[1], [1], [0], [0], [0, 0, 1, 0], [], []>, precision = #tpu.contract_precision<fp32>, transpose_lhs_hint = false} : vector<1280x64xf32>, vector<128x64xf32>, vector<1280x128xf32> -> vector<1280x128xf32>
    %mul3A = vector.broadcast %add3A_12 : vector<1280x1xf32> to vector<1280x128xf32>
    %mul3A_32 = arith.mulf %mul3A, %add3A_28 : vector<1280x128xf32>
    %add3A_33 = arith.addf %dot_general3A_31, %mul3A_32 : vector<1280x128xf32>
    %convert_element_type3A_34 = arith.truncf %add3A_33 : vector<1280x128xf32> to vector<1280x128xbf16>
    %convert_element_type3A_35 = arith.extf %convert_element_type3A_34 : vector<1280x128xbf16> to vector<1280x128xf32>
    %get3A_36 = arith.constant 0 : index
    %get3A_37 = arith.constant 0 : index
    %get3A_38 = vector.load %arg13[%get3A_36, %get3A_37] : memref<192x128xf32, #tpu.memory_space<vmem>>, vector<192x128xf32>
    %convert_element_type3A_39 = arith.truncf %get3A_38 : vector<192x128xf32> to vector<192x128xbf16>
    %convert_element_type3A_40 = arith.extf %convert_element_type3A_39 : vector<192x128xbf16> to vector<192x128xf32>
    %dot_general3A_41 = arith.constant dense<0.000000e+00> : vector<1280x192xf32>
    %dot_general3A_42 = tpu.matmul %convert_element_type3A_35, %convert_element_type3A_40, %dot_general3A_41 {dimension_numbers = #tpu.dot_dimension_numbers<[1], [1], [0], [0], [0, 0, 1, 0], [], []>, precision = #tpu.contract_precision<fp32>, transpose_lhs_hint = false} : vector<1280x128xf32>, vector<192x128xf32>, vector<1280x192xf32> -> vector<1280x192xf32>
    %get3A_43 = arith.constant 0 : index
    %get3A_44 = arith.constant 0 : index
    %get3A_45 = vector.load %arg15[%get3A_43, %get3A_44] : memref<1x192xf32, #tpu.memory_space<vmem>>, vector<1x192xf32>
    %add3A_46 = vector.broadcast %get3A_45 : vector<1x192xf32> to vector<1280x192xf32>
    %add3A_47 = arith.addf %dot_general3A_42, %add3A_46 : vector<1280x192xf32>
    %get3A_48 = arith.constant 0 : index
    %get3A_49 = arith.constant 0 : index
    %get3A_50 = vector.load %arg14[%get3A_48, %get3A_49] : memref<192x64xf32, #tpu.memory_space<vmem>>, vector<192x64xf32>
    %convert_element_type3A_51 = arith.truncf %get3A_50 : vector<192x64xf32> to vector<192x64xbf16>
    %convert_element_type3A_52 = arith.extf %convert_element_type3A_51 : vector<192x64xbf16> to vector<192x64xf32>
    %dot_general3A_53 = arith.constant dense<0.000000e+00> : vector<1280x192xf32>
    %dot_general3A_54 = tpu.matmul %convert_element_type3A_16, %convert_element_type3A_52, %dot_general3A_53 {dimension_numbers = #tpu.dot_dimension_numbers<[1], [1], [0], [0], [0, 0, 1, 0], [], []>, precision = #tpu.contract_precision<fp32>, transpose_lhs_hint = false} : vector<1280x64xf32>, vector<192x64xf32>, vector<1280x192xf32> -> vector<1280x192xf32>
    %get3A_55 = arith.constant 0 : index
    %get3A_56 = arith.constant 0 : index
    %get3A_57 = vector.load %arg16[%get3A_55, %get3A_56] : memref<1x192xf32, #tpu.memory_space<vmem>>, vector<1x192xf32>
    %add3A_58 = vector.broadcast %get3A_57 : vector<1x192xf32> to vector<1280x192xf32>
    %add3A_59 = arith.addf %dot_general3A_54, %add3A_58 : vector<1280x192xf32>
    %slice3A_60 = vector.extract_strided_slice %add3A_47 {offsets = [0, 0], sizes = [1280, 64], strides = [1, 1]} : vector<1280x192xf32> to vector<1280x64xf32>
    %slice3A_61 = vector.extract_strided_slice %add3A_59 {offsets = [0, 0], sizes = [1280, 64], strides = [1, 1]} : vector<1280x192xf32> to vector<1280x64xf32>
    %add3A_62 = arith.addf %slice3A_60, %slice3A_61 : vector<1280x64xf32>
    %logistic3A = arith.negf %add3A_62 : vector<1280x64xf32>
    %logistic3A_63 = math.exp %logistic3A : vector<1280x64xf32>
    %logistic3A_64 = arith.constant 1.000000e+00 : f32
    %logistic3A_65 = vector.broadcast %logistic3A_64 : f32 to vector<1280x64xf32>
    %logistic3A_66 = arith.addf %logistic3A_65, %logistic3A_63 : vector<1280x64xf32>
    %logistic3A_67 = arith.divf %logistic3A_65, %logistic3A_66 : vector<1280x64xf32>
    %slice3A_68 = vector.extract_strided_slice %add3A_47 {offsets = [0, 64], sizes = [1280, 64], strides = [1, 1]} : vector<1280x192xf32> to vector<1280x64xf32>
    %slice3A_69 = vector.extract_strided_slice %add3A_59 {offsets = [0, 64], sizes = [1280, 64], strides = [1, 1]} : vector<1280x192xf32> to vector<1280x64xf32>
    %add3A_70 = arith.addf %slice3A_68, %slice3A_69 : vector<1280x64xf32>
    %logistic3A_71 = arith.negf %add3A_70 : vector<1280x64xf32>
    %logistic3A_72 = math.exp %logistic3A_71 : vector<1280x64xf32>
    %logistic3A_73 = arith.constant 1.000000e+00 : f32
    %logistic3A_74 = vector.broadcast %logistic3A_73 : f32 to vector<1280x64xf32>
    %logistic3A_75 = arith.addf %logistic3A_74, %logistic3A_72 : vector<1280x64xf32>
    %logistic3A_76 = arith.divf %logistic3A_74, %logistic3A_75 : vector<1280x64xf32>
    %slice3A_77 = vector.extract_strided_slice %add3A_47 {offsets = [0, 128], sizes = [1280, 64], strides = [1, 1]} : vector<1280x192xf32> to vector<1280x64xf32>
    %slice3A_78 = vector.extract_strided_slice %add3A_59 {offsets = [0, 128], sizes = [1280, 64], strides = [1, 1]} : vector<1280x192xf32> to vector<1280x64xf32>
    %mul3A_79 = arith.mulf %logistic3A_67, %slice3A_78 : vector<1280x64xf32>
    %add3A_80 = arith.addf %slice3A_77, %mul3A_79 : vector<1280x64xf32>
    %tanh3A = math.tanh %add3A_80 : vector<1280x64xf32>
    %sub3A = arith.constant 1.000000e+00 : f32
    %sub3A_81 = vector.broadcast %sub3A : f32 to vector<1280x64xf32>
    %sub3A_82 = arith.subf %sub3A_81, %logistic3A_76 : vector<1280x64xf32>
    %mul3A_83 = arith.mulf %sub3A_82, %tanh3A : vector<1280x64xf32>
    %mul3A_84 = arith.mulf %logistic3A_76, %get3A_15 : vector<1280x64xf32>
    %add3A_85 = arith.addf %mul3A_83, %mul3A_84 : vector<1280x64xf32>
    %get3A_86 = arith.constant 0 : index
    %get3A_87 = arith.constant 0 : index
    %get3A_88 = vector.load %arg3[%get3A_86, %get3A_87] : memref<1280x64xf32, #tpu.memory_space<vmem>>, vector<1280x64xf32>
    %get3A_89 = arith.constant 0 : index
    %get3A_90 = arith.constant 0 : index
    %get3A_91 = vector.load %arg4[%get3A_89, %get3A_90] : memref<1280x64xf32, #tpu.memory_space<vmem>>, vector<1280x64xf32>
    %add3A_92 = arith.addf %get3A_88, %get3A_91 : vector<1280x64xf32>
    %get3A_93 = arith.constant 0 : index
    %get3A_94 = arith.constant 0 : index
    %get3A_95 = vector.load %arg7[%get3A_93, %get3A_94] : memref<1280x16xf32, #tpu.memory_space<vmem>>, vector<1280x16xf32>
    %slice3A_96 = vector.extract_strided_slice %get3A_95 {offsets = [0, 0], sizes = [1280, 1], strides = [1, 1]} : vector<1280x16xf32> to vector<1280x1xf32>
    %get3A_97 = arith.constant 0 : index
    %get3A_98 = arith.constant 0 : index
    %get3A_99 = vector.load %arg8[%get3A_97, %get3A_98] : memref<1280x16xf32, #tpu.memory_space<vmem>>, vector<1280x16xf32>
    %slice3A_100 = vector.extract_strided_slice %get3A_99 {offsets = [0, 0], sizes = [1280, 1], strides = [1, 1]} : vector<1280x16xf32> to vector<1280x1xf32>
    %add3A_101 = arith.addf %slice3A_96, %slice3A_100 : vector<1280x1xf32>
    %get3A_102 = arith.constant 0 : index
    %get3A_103 = arith.constant 0 : index
    %get3A_104 = vector.load %arg10[%get3A_102, %get3A_103] : memref<1280x64xf32, #tpu.memory_space<vmem>>, vector<1280x64xf32>
    %convert_element_type3A_105 = arith.truncf %get3A_104 : vector<1280x64xf32> to vector<1280x64xbf16>
    %convert_element_type3A_106 = arith.extf %convert_element_type3A_105 : vector<1280x64xbf16> to vector<1280x64xf32>
    %get3A_107 = arith.constant 0 : index
    %get3A_108 = arith.constant 0 : index
    %get3A_109 = vector.load %arg17[%get3A_107, %get3A_108] : memref<128x128xf32, #tpu.memory_space<vmem>>, vector<128x128xf32>
    %convert_element_type3A_110 = arith.truncf %get3A_109 : vector<128x128xf32> to vector<128x128xbf16>
    %convert_element_type3A_111 = arith.extf %convert_element_type3A_110 : vector<128x128xbf16> to vector<128x128xf32>
    %slice3A_112 = vector.extract_strided_slice %convert_element_type3A_111 {offsets = [0, 64], sizes = [128, 64], strides = [1, 1]} : vector<128x128xf32> to vector<128x64xf32>
    %dot_general3A_113 = arith.constant dense<0.000000e+00> : vector<1280x128xf32>
    %dot_general3A_114 = tpu.matmul %convert_element_type3A_106, %slice3A_112, %dot_general3A_113 {dimension_numbers = #tpu.dot_dimension_numbers<[1], [1], [0], [0], [0, 0, 1, 0], [], []>, precision = #tpu.contract_precision<fp32>, transpose_lhs_hint = false} : vector<1280x64xf32>, vector<128x64xf32>, vector<1280x128xf32> -> vector<1280x128xf32>
    %get3A_115 = arith.constant 0 : index
    %get3A_116 = arith.constant 0 : index
    %get3A_117 = vector.load %arg18[%get3A_115, %get3A_116] : memref<1x128xf32, #tpu.memory_space<vmem>>, vector<1x128xf32>
    %add3A_118 = vector.broadcast %get3A_117 : vector<1x128xf32> to vector<1280x128xf32>
    %add3A_119 = arith.addf %dot_general3A_114, %add3A_118 : vector<1280x128xf32>
    %slice3A_120 = vector.extract_strided_slice %convert_element_type3A_111 {offsets = [0, 0], sizes = [128, 64], strides = [1, 1]} : vector<128x128xf32> to vector<128x64xf32>
    %dot_general3A_121 = arith.constant dense<0.000000e+00> : vector<1280x128xf32>
    %dot_general3A_122 = tpu.matmul %add3A_92, %slice3A_120, %dot_general3A_121 {dimension_numbers = #tpu.dot_dimension_numbers<[1], [1], [0], [0], [0, 0, 1, 0], [], []>, precision = #tpu.contract_precision<fp32>, transpose_lhs_hint = false} : vector<1280x64xf32>, vector<128x64xf32>, vector<1280x128xf32> -> vector<1280x128xf32>
    %mul3A_123 = vector.broadcast %add3A_101 : vector<1280x1xf32> to vector<1280x128xf32>
    %mul3A_124 = arith.mulf %mul3A_123, %add3A_119 : vector<1280x128xf32>
    %add3A_125 = arith.addf %dot_general3A_122, %mul3A_124 : vector<1280x128xf32>
    %convert_element_type3A_126 = arith.truncf %add3A_125 : vector<1280x128xf32> to vector<1280x128xbf16>
    %convert_element_type3A_127 = arith.extf %convert_element_type3A_126 : vector<1280x128xbf16> to vector<1280x128xf32>
    %get3A_128 = arith.constant 0 : index
    %get3A_129 = arith.constant 0 : index
    %get3A_130 = vector.load %arg19[%get3A_128, %get3A_129] : memref<192x128xf32, #tpu.memory_space<vmem>>, vector<192x128xf32>
    %convert_element_type3A_131 = arith.truncf %get3A_130 : vector<192x128xf32> to vector<192x128xbf16>
    %convert_element_type3A_132 = arith.extf %convert_element_type3A_131 : vector<192x128xbf16> to vector<192x128xf32>
    %dot_general3A_133 = arith.constant dense<0.000000e+00> : vector<1280x192xf32>
    %dot_general3A_134 = tpu.matmul %convert_element_type3A_127, %convert_element_type3A_132, %dot_general3A_133 {dimension_numbers = #tpu.dot_dimension_numbers<[1], [1], [0], [0], [0, 0, 1, 0], [], []>, precision = #tpu.contract_precision<fp32>, transpose_lhs_hint = false} : vector<1280x128xf32>, vector<192x128xf32>, vector<1280x192xf32> -> vector<1280x192xf32>
    %get3A_135 = arith.constant 0 : index
    %get3A_136 = arith.constant 0 : index
    %get3A_137 = vector.load %arg21[%get3A_135, %get3A_136] : memref<1x192xf32, #tpu.memory_space<vmem>>, vector<1x192xf32>
    %add3A_138 = vector.broadcast %get3A_137 : vector<1x192xf32> to vector<1280x192xf32>
    %add3A_139 = arith.addf %dot_general3A_134, %add3A_138 : vector<1280x192xf32>
    %get3A_140 = arith.constant 0 : index
    %get3A_141 = arith.constant 0 : index
    %get3A_142 = vector.load %arg20[%get3A_140, %get3A_141] : memref<192x64xf32, #tpu.memory_space<vmem>>, vector<192x64xf32>
    %convert_element_type3A_143 = arith.truncf %get3A_142 : vector<192x64xf32> to vector<192x64xbf16>
    %convert_element_type3A_144 = arith.extf %convert_element_type3A_143 : vector<192x64xbf16> to vector<192x64xf32>
    %dot_general3A_145 = arith.constant dense<0.000000e+00> : vector<1280x192xf32>
    %dot_general3A_146 = tpu.matmul %convert_element_type3A_106, %convert_element_type3A_144, %dot_general3A_145 {dimension_numbers = #tpu.dot_dimension_numbers<[1], [1], [0], [0], [0, 0, 1, 0], [], []>, precision = #tpu.contract_precision<fp32>, transpose_lhs_hint = false} : vector<1280x64xf32>, vector<192x64xf32>, vector<1280x192xf32> -> vector<1280x192xf32>
    %get3A_147 = arith.constant 0 : index
    %get3A_148 = arith.constant 0 : index
    %get3A_149 = vector.load %arg22[%get3A_147, %get3A_148] : memref<1x192xf32, #tpu.memory_space<vmem>>, vector<1x192xf32>
    %add3A_150 = vector.broadcast %get3A_149 : vector<1x192xf32> to vector<1280x192xf32>
    %add3A_151 = arith.addf %dot_general3A_146, %add3A_150 : vector<1280x192xf32>
    %slice3A_152 = vector.extract_strided_slice %add3A_139 {offsets = [0, 0], sizes = [1280, 64], strides = [1, 1]} : vector<1280x192xf32> to vector<1280x64xf32>
    %slice3A_153 = vector.extract_strided_slice %add3A_151 {offsets = [0, 0], sizes = [1280, 64], strides = [1, 1]} : vector<1280x192xf32> to vector<1280x64xf32>
    %add3A_154 = arith.addf %slice3A_152, %slice3A_153 : vector<1280x64xf32>
    %logistic3A_155 = arith.negf %add3A_154 : vector<1280x64xf32>
    %logistic3A_156 = math.exp %logistic3A_155 : vector<1280x64xf32>
    %logistic3A_157 = arith.constant 1.000000e+00 : f32
    %logistic3A_158 = vector.broadcast %logistic3A_157 : f32 to vector<1280x64xf32>
    %logistic3A_159 = arith.addf %logistic3A_158, %logistic3A_156 : vector<1280x64xf32>
    %logistic3A_160 = arith.divf %logistic3A_158, %logistic3A_159 : vector<1280x64xf32>
    %slice3A_161 = vector.extract_strided_slice %add3A_139 {offsets = [0, 64], sizes = [1280, 64], strides = [1, 1]} : vector<1280x192xf32> to vector<1280x64xf32>
    %slice3A_162 = vector.extract_strided_slice %add3A_151 {offsets = [0, 64], sizes = [1280, 64], strides = [1, 1]} : vector<1280x192xf32> to vector<1280x64xf32>
    %add3A_163 = arith.addf %slice3A_161, %slice3A_162 : vector<1280x64xf32>
    %logistic3A_164 = arith.negf %add3A_163 : vector<1280x64xf32>
    %logistic3A_165 = math.exp %logistic3A_164 : vector<1280x64xf32>
    %logistic3A_166 = arith.constant 1.000000e+00 : f32
    %logistic3A_167 = vector.broadcast %logistic3A_166 : f32 to vector<1280x64xf32>
    %logistic3A_168 = arith.addf %logistic3A_167, %logistic3A_165 : vector<1280x64xf32>
    %logistic3A_169 = arith.divf %logistic3A_167, %logistic3A_168 : vector<1280x64xf32>
    %slice3A_170 = vector.extract_strided_slice %add3A_139 {offsets = [0, 128], sizes = [1280, 64], strides = [1, 1]} : vector<1280x192xf32> to vector<1280x64xf32>
    %slice3A_171 = vector.extract_strided_slice %add3A_151 {offsets = [0, 128], sizes = [1280, 64], strides = [1, 1]} : vector<1280x192xf32> to vector<1280x64xf32>
    %mul3A_172 = arith.mulf %logistic3A_160, %slice3A_171 : vector<1280x64xf32>
    %add3A_173 = arith.addf %slice3A_170, %mul3A_172 : vector<1280x64xf32>
    %tanh3A_174 = math.tanh %add3A_173 : vector<1280x64xf32>
    %sub3A_175 = arith.constant 1.000000e+00 : f32
    %sub3A_176 = vector.broadcast %sub3A_175 : f32 to vector<1280x64xf32>
    %sub3A_177 = arith.subf %sub3A_176, %logistic3A_169 : vector<1280x64xf32>
    %mul3A_178 = arith.mulf %sub3A_177, %tanh3A_174 : vector<1280x64xf32>
    %mul3A_179 = arith.mulf %logistic3A_169, %get3A_104 : vector<1280x64xf32>
    %add3A_180 = arith.addf %mul3A_178, %mul3A_179 : vector<1280x64xf32>
    %swap3A = arith.constant 0 : index
    %swap3A_181 = arith.constant 0 : index
    %swap3A_182 = vector.load %arg23[%swap3A, %swap3A_181] : memref<1280x64xf32, #tpu.memory_space<vmem>>, vector<1280x64xf32>
    tpu.vector_store %arg23[%swap3A, %swap3A_181], %add3A_85 {strides = array<i32>} : memref<1280x64xf32, #tpu.memory_space<vmem>>, vector<1280x64xf32>,
    %swap3A_183 = arith.constant 0 : index
    %swap3A_184 = arith.constant 0 : index
    %swap3A_185 = vector.load %arg24[%swap3A_183, %swap3A_184] : memref<1280x64xf32, #tpu.memory_space<vmem>>, vector<1280x64xf32>
    tpu.vector_store %arg24[%swap3A_183, %swap3A_184], %add3A_180 {strides = array<i32>} : memref<1280x64xf32, #tpu.memory_space<vmem>>, vector<1280x64xf32>,
    %convert_element_type3A_186 = arith.truncf %add3A_85 : vector<1280x64xf32> to vector<1280x64xbf16>
    %convert_element_type3A_187 = arith.extf %convert_element_type3A_186 : vector<1280x64xbf16> to vector<1280x64xf32>
    %swap3A_188 = arith.constant 0 : index
    %swap3A_189 = arith.constant 0 : index
    %swap3A_190 = vector.load %arg25[%swap3A_188, %swap3A_189] : memref<1280x64xf32, #tpu.memory_space<vmem>>, vector<1280x64xf32>
    tpu.vector_store %arg25[%swap3A_188, %swap3A_189], %convert_element_type3A_187 {strides = array<i32>} : memref<1280x64xf32, #tpu.memory_space<vmem>>, vector<1280x64xf32>,
    %convert_element_type3A_191 = arith.truncf %add3A_180 : vector<1280x64xf32> to vector<1280x64xbf16>
    %convert_element_type3A_192 = arith.extf %convert_element_type3A_191 : vector<1280x64xbf16> to vector<1280x64xf32>
    %swap3A_193 = arith.constant 0 : index
    %swap3A_194 = arith.constant 0 : index
    %swap3A_195 = vector.load %arg26[%swap3A_193, %swap3A_194] : memref<1280x64xf32, #tpu.memory_space<vmem>>, vector<1280x64xf32>
    tpu.vector_store %arg26[%swap3A_193, %swap3A_194], %convert_element_type3A_192 {strides = array<i32>} : memref<1280x64xf32, #tpu.memory_space<vmem>>, vector<1280x64xf32>,
    return
  }
  func.func @transform_0(%arg0: i32) -> (i32, i32) {
    %c0_i32 = arith.constant 0 : i32
    %c0_i32_0 = arith.constant 0 : i32
    return %arg0, %c0_i32 : i32, i32
  }
  func.func @transform_1(%arg0: i32) -> (i32, i32) {
    %add3A = arith.constant 8 : i32
    %add3A_0 = arith.addi %arg0, %add3A : i32
    %c0_i32 = arith.constant 0 : i32
    %c0_i32_1 = arith.constant 0 : i32
    return %add3A_0, %c0_i32 : i32, i32
  }
  func.func @transform_2(%arg0: i32) -> (i32, i32) {
    %c0_i32 = arith.constant 0 : i32
    %c0_i32_0 = arith.constant 0 : i32
    return %arg0, %c0_i32 : i32, i32
  }
  func.func @transform_3(%arg0: i32) -> (i32, i32) {
    %add3A = arith.constant 8 : i32
    %add3A_0 = arith.addi %arg0, %add3A : i32
    %c0_i32 = arith.constant 0 : i32
    %c0_i32_1 = arith.constant 0 : i32
    return %add3A_0, %c0_i32 : i32, i32
  }
  func.func @transform_4(%arg0: i32) -> (i32, i32) {
    %c0_i32 = arith.constant 0 : i32
    %c0_i32_0 = arith.constant 0 : i32
    return %arg0, %c0_i32 : i32, i32
  }
  func.func @transform_5(%arg0: i32) -> (i32, i32) {
    %add3A = arith.constant 8 : i32
    %add3A_0 = arith.addi %arg0, %add3A : i32
    %c0_i32 = arith.constant 0 : i32
    %c0_i32_1 = arith.constant 0 : i32
    return %add3A_0, %c0_i32 : i32, i32
  }
  func.func @transform_6(%arg0: i32) -> (i32, i32) {
    %c0_i32 = arith.constant 0 : i32
    %c0_i32_0 = arith.constant 0 : i32
    return %arg0, %c0_i32 : i32, i32
  }
  func.func @transform_7(%arg0: i32) -> (i32, i32) {
    %add3A = arith.constant 8 : i32
    %add3A_0 = arith.addi %arg0, %add3A : i32
    %c0_i32 = arith.constant 0 : i32
    %c0_i32_1 = arith.constant 0 : i32
    return %add3A_0, %c0_i32 : i32, i32
  }
  func.func @transform_8(%arg0: i32) -> (i32, i32) {
    %c0_i32 = arith.constant 0 : i32
    %c0_i32_0 = arith.constant 0 : i32
    return %arg0, %c0_i32 : i32, i32
  }
  func.func @transform_9(%arg0: i32) -> (i32, i32) {
    %c0_i32 = arith.constant 0 : i32
    %c0_i32_0 = arith.constant 0 : i32
    return %arg0, %c0_i32 : i32, i32
  }
  func.func @transform_10(%arg0: i32) -> (i32, i32) {
    %c0_i32 = arith.constant 0 : i32
    %c0_i32_0 = arith.constant 0 : i32
    %c0_i32_1 = arith.constant 0 : i32
    return %c0_i32, %c0_i32_0 : i32, i32
  }
  func.func @transform_11(%arg0: i32) -> (i32, i32) {
    %c0_i32 = arith.constant 0 : i32
    %c0_i32_0 = arith.constant 0 : i32
    %c0_i32_1 = arith.constant 0 : i32
    return %c0_i32, %c0_i32_0 : i32, i32
  }
  func.func @transform_12(%arg0: i32) -> (i32, i32) {
    %c0_i32 = arith.constant 0 : i32
    %c0_i32_0 = arith.constant 0 : i32
    %c0_i32_1 = arith.constant 0 : i32
    return %c0_i32, %c0_i32_0 : i32, i32
  }
  func.func @transform_13(%arg0: i32) -> (i32, i32) {
    %c0_i32 = arith.constant 0 : i32
    %c0_i32_0 = arith.constant 0 : i32
    %c0_i32_1 = arith.constant 0 : i32
    return %c0_i32, %c0_i32_0 : i32, i32
  }
  func.func @transform_14(%arg0: i32) -> (i32, i32) {
    %c0_i32 = arith.constant 0 : i32
    %c0_i32_0 = arith.constant 0 : i32
    %c0_i32_1 = arith.constant 0 : i32
    return %c0_i32, %c0_i32_0 : i32, i32
  }
  func.func @transform_15(%arg0: i32) -> (i32, i32) {
    %c0_i32 = arith.constant 0 : i32
    %c0_i32_0 = arith.constant 0 : i32
    %c0_i32_1 = arith.constant 0 : i32
    return %c0_i32, %c0_i32_0 : i32, i32
  }
  func.func @transform_16(%arg0: i32) -> (i32, i32) {
    %c0_i32 = arith.constant 0 : i32
    %c0_i32_0 = arith.constant 0 : i32
    %c0_i32_1 = arith.constant 0 : i32
    return %c0_i32, %c0_i32_0 : i32, i32
  }
  func.func @transform_17(%arg0: i32) -> (i32, i32) {
    %c0_i32 = arith.constant 0 : i32
    %c0_i32_0 = arith.constant 0 : i32
    %c0_i32_1 = arith.constant 0 : i32
    return %c0_i32, %c0_i32_0 : i32, i32
  }
  func.func @transform_18(%arg0: i32) -> (i32, i32) {
    %c0_i32 = arith.constant 0 : i32
    %c0_i32_0 = arith.constant 0 : i32
    %c0_i32_1 = arith.constant 0 : i32
    return %c0_i32, %c0_i32_0 : i32, i32
  }
  func.func @transform_19(%arg0: i32) -> (i32, i32) {
    %c0_i32 = arith.constant 0 : i32
    %c0_i32_0 = arith.constant 0 : i32
    %c0_i32_1 = arith.constant 0 : i32
    return %c0_i32, %c0_i32_0 : i32, i32
  }
  func.func @transform_20(%arg0: i32) -> (i32, i32) {
    %c0_i32 = arith.constant 0 : i32
    %c0_i32_0 = arith.constant 0 : i32
    %c0_i32_1 = arith.constant 0 : i32
    return %c0_i32, %c0_i32_0 : i32, i32
  }
  func.func @transform_21(%arg0: i32) -> (i32, i32) {
    %c0_i32 = arith.constant 0 : i32
    %c0_i32_0 = arith.constant 0 : i32
    %c0_i32_1 = arith.constant 0 : i32
    return %c0_i32, %c0_i32_0 : i32, i32
  }
  func.func @transform_22(%arg0: i32) -> (i32, i32) {
    %c0_i32 = arith.constant 0 : i32
    %c0_i32_0 = arith.constant 0 : i32
    return %arg0, %c0_i32 : i32, i32
  }
  func.func @transform_23(%arg0: i32) -> (i32, i32) {
    %c0_i32 = arith.constant 0 : i32
    %c0_i32_0 = arith.constant 0 : i32
    return %arg0, %c0_i32 : i32, i32
  }
  func.func @transform_24(%arg0: i32) -> (i32, i32) {
    %c0_i32 = arith.constant 0 : i32
    %c0_i32_0 = arith.constant 0 : i32
    return %arg0, %c0_i32 : i32, i32
  }
  func.func @transform_25(%arg0: i32) -> (i32, i32) {
    %c0_i32 = arith.constant 0 : i32
    %c0_i32_0 = arith.constant 0 : i32
    return %arg0, %c0_i32 : i32, i32
  }
}

module attributes {stable_mosaic.version = 14 : i64} {
  func.func @_dense_body(%arg0: i32, %arg1: memref<1280x64xf32, #tpu.memory_space<vmem>>, %arg2: memref<1280x64xf32, #tpu.memory_space<vmem>>, %arg3: memref<1280x64xf32, #tpu.memory_space<vmem>>, %arg4: memref<1280x64xf32, #tpu.memory_space<vmem>>, %arg5: memref<1280x16xf32, #tpu.memory_space<vmem>>, %arg6: memref<1280x16xf32, #tpu.memory_space<vmem>>, %arg7: memref<1280x16xf32, #tpu.memory_space<vmem>>, %arg8: memref<1280x16xf32, #tpu.memory_space<vmem>>, %arg9: memref<1280x64xf32, #tpu.memory_space<vmem>>, %arg10: memref<1280x64xf32, #tpu.memory_space<vmem>>, %arg11: memref<128x128xf32, #tpu.memory_space<vmem>>, %arg12: memref<1x128xf32, #tpu.memory_space<vmem>>, %arg13: memref<192x128xf32, #tpu.memory_space<vmem>>, %arg14: memref<192x64xf32, #tpu.memory_space<vmem>>, %arg15: memref<1x192xf32, #tpu.memory_space<vmem>>, %arg16: memref<1x192xf32, #tpu.memory_space<vmem>>, %arg17: memref<128x128xf32, #tpu.memory_space<vmem>>, %arg18: memref<1x128xf32, #tpu.memory_space<vmem>>, %arg19: memref<192x128xf32, #tpu.memory_space<vmem>>, %arg20: memref<192x64xf32, #tpu.memory_space<vmem>>, %arg21: memref<1x192xf32, #tpu.memory_space<vmem>>, %arg22: memref<1x192xf32, #tpu.memory_space<vmem>>, %arg23: memref<1280x64xf32, #tpu.memory_space<vmem>>, %arg24: memref<1280x64xf32, #tpu.memory_space<vmem>>, %arg25: memref<1280x64xf32, #tpu.memory_space<vmem>>, %arg26: memref<1280x64xf32, #tpu.memory_space<vmem>>) attributes {dimension_semantics = [#tpu.dimension_semantics<arbitrary>], iteration_bounds = array<i64: 8>, scalar_prefetch = 0 : i64, scratch_operands = 0 : i64, tpu.core_type = #tpu.core_type<tc>, window_params = [{transform_indices = @transform_0, window_bounds = array<i64: 1280, 64>}, {transform_indices = @transform_1, window_bounds = array<i64: 1280, 64>}, {transform_indices = @transform_2, window_bounds = array<i64: 1280, 64>}, {transform_indices = @transform_3, window_bounds = array<i64: 1280, 64>}, {transform_indices = @transform_4, window_bounds = array<i64: 1280, 16>}, {transform_indices = @transform_5, window_bounds = array<i64: 1280, 16>}, {transform_indices = @transform_6, window_bounds = array<i64: 1280, 16>}, {transform_indices = @transform_7, window_bounds = array<i64: 1280, 16>}, {transform_indices = @transform_8, window_bounds = array<i64: 1280, 64>}, {transform_indices = @transform_9, window_bounds = array<i64: 1280, 64>}, {pipeline_mode = #tpu.pipeline_mode<synchronous>, transform_indices = @transform_10, window_bounds = array<i64: 128, 128>}, {pipeline_mode = #tpu.pipeline_mode<synchronous>, transform_indices = @transform_11, window_bounds = array<i64: 1, 128>}, {pipeline_mode = #tpu.pipeline_mode<synchronous>, transform_indices = @transform_12, window_bounds = array<i64: 192, 128>}, {pipeline_mode = #tpu.pipeline_mode<synchronous>, transform_indices = @transform_13, window_bounds = array<i64: 192, 64>}, {pipeline_mode = #tpu.pipeline_mode<synchronous>, transform_indices = @transform_14, window_bounds = array<i64: 1, 192>}, {pipeline_mode = #tpu.pipeline_mode<synchronous>, transform_indices = @transform_15, window_bounds = array<i64: 1, 192>}, {pipeline_mode = #tpu.pipeline_mode<synchronous>, transform_indices = @transform_16, window_bounds = array<i64: 128, 128>}, {pipeline_mode = #tpu.pipeline_mode<synchronous>, transform_indices = @transform_17, window_bounds = array<i64: 1, 128>}, {pipeline_mode = #tpu.pipeline_mode<synchronous>, transform_indices = @transform_18, window_bounds = array<i64: 192, 128>}, {pipeline_mode = #tpu.pipeline_mode<synchronous>, transform_indices = @transform_19, window_bounds = array<i64: 192, 64>}, {pipeline_mode = #tpu.pipeline_mode<synchronous>, transform_indices = @transform_20, window_bounds = array<i64: 1, 192>}, {pipeline_mode = #tpu.pipeline_mode<synchronous>, transform_indices = @transform_21, window_bounds = array<i64: 1, 192>}, {transform_indices = @transform_22, window_bounds = array<i64: 1280, 64>}, {transform_indices = @transform_23, window_bounds = array<i64: 1280, 64>}, {transform_indices = @transform_24, window_bounds = array<i64: 1280, 64>}, {transform_indices = @transform_25, window_bounds = array<i64: 1280, 64>}]} {
    %get3A = arith.constant 0 : index
    %get3A_0 = arith.constant 0 : index
    %get3A_1 = vector.load %arg1[%get3A, %get3A_0] : memref<1280x64xf32, #tpu.memory_space<vmem>>, vector<1280x64xf32>
    %get3A_2 = arith.constant 0 : index
    %get3A_3 = arith.constant 0 : index
    %get3A_4 = vector.load %arg2[%get3A_2, %get3A_3] : memref<1280x64xf32, #tpu.memory_space<vmem>>, vector<1280x64xf32>
    %add3A = arith.addf %get3A_1, %get3A_4 : vector<1280x64xf32>
    %get3A_5 = arith.constant 0 : index
    %get3A_6 = arith.constant 0 : index
    %get3A_7 = vector.load %arg5[%get3A_5, %get3A_6] : memref<1280x16xf32, #tpu.memory_space<vmem>>, vector<1280x16xf32>
    %slice3A = vector.extract_strided_slice %get3A_7 {offsets = [0, 0], sizes = [1280, 1], strides = [1, 1]} : vector<1280x16xf32> to vector<1280x1xf32>
    %get3A_8 = arith.constant 0 : index
    %get3A_9 = arith.constant 0 : index
    %get3A_10 = vector.load %arg6[%get3A_8, %get3A_9] : memref<1280x16xf32, #tpu.memory_space<vmem>>, vector<1280x16xf32>
    %slice3A_11 = vector.extract_strided_slice %get3A_10 {offsets = [0, 0], sizes = [1280, 1], strides = [1, 1]} : vector<1280x16xf32> to vector<1280x1xf32>
    %add3A_12 = arith.addf %slice3A, %slice3A_11 : vector<1280x1xf32>
    %get3A_13 = arith.constant 0 : index
    %get3A_14 = arith.constant 0 : index
    %get3A_15 = vector.load %arg9[%get3A_13, %get3A_14] : memref<1280x64xf32, #tpu.memory_space<vmem>>, vector<1280x64xf32>
    %convert_element_type3A = arith.truncf %get3A_15 : vector<1280x64xf32> to vector<1280x64xbf16>
    %convert_element_type3A_16 = arith.extf %convert_element_type3A : vector<1280x64xbf16> to vector<1280x64xf32>
    %get3A_17 = arith.constant 0 : index
    %get3A_18 = arith.constant 0 : index
    %get3A_19 = vector.load %arg11[%get3A_17, %get3A_18] : memref<128x128xf32, #tpu.memory_space<vmem>>, vector<128x128xf32>
    %convert_element_type3A_20 = arith.truncf %get3A_19 : vector<128x128xf32> to vector<128x128xbf16>
    %convert_element_type3A_21 = arith.extf %convert_element_type3A_20 : vector<128x128xbf16> to vector<128x128xf32>
    %slice3A_22 = vector.extract_strided_slice %convert_element_type3A_21 {offsets = [0, 64], sizes = [128, 64], strides = [1, 1]} : vector<128x128xf32> to vector<128x64xf32>
    %dot_general3A = arith.constant dense<0.000000e+00> : vector<1280x128xf32>
    %dot_general3A_23 = tpu.matmul %convert_element_type3A_16, %slice3A_22, %dot_general3A {dimension_numbers = #tpu.dot_dimension_numbers<[1], [1], [0], [0], [0, 0, 1, 0], [], []>, precision = #tpu.contract_precision<fp32>, transpose_lhs_hint = false} : vector<1280x64xf32>, vector<128x64xf32>, vector<1280x128xf32> -> vector<1280x128xf32>
    %get3A_24 = arith.constant 0 : index
    %get3A_25 = arith.constant 0 : index
    %get3A_26 = vector.load %arg12[%get3A_24, %get3A_25] : memref<1x128xf32, #tpu.memory_space<vmem>>, vector<1x128xf32>
    %add3A_27 = vector.broadcast %get3A_26 : vector<1x128xf32> to vector<1280x128xf32>
    %add3A_28 = arith.addf %dot_general3A_23, %add3A_27 : vector<1280x128xf32>
    %slice3A_29 = vector.extract_strided_slice %convert_element_type3A_21 {offsets = [0, 0], sizes = [128, 64], strides = [1, 1]} : vector<128x128xf32> to vector<128x64xf32>
    %dot_general3A_30 = arith.constant dense<0.000000e+00> : vector<1280x128xf32>
    %dot_general3A_31 = tpu.matmul %add3A, %slice3A_29, %dot_general3A_30 {dimension_numbers = #tpu.dot_dimension_numbers<[1], [1], [0], [0], [0, 0, 1, 0], [], []>, precision = #tpu.contract_precision<fp32>, transpose_lhs_hint = false} : vector<1280x64xf32>, vector<128x64xf32>, vector<1280x128xf32> -> vector<1280x128xf32>
    %mul3A = vector.broadcast %add3A_12 : vector<1280x1xf32> to vector<1280x128xf32>
    %mul3A_32 = arith.mulf %mul3A, %add3A_28 : vector<1280x128xf32>
    %add3A_33 = arith.addf %dot_general3A_31, %mul3A_32 : vector<1280x128xf32>
    %convert_element_type3A_34 = arith.truncf %add3A_33 : vector<1280x128xf32> to vector<1280x128xbf16>
    %convert_element_type3A_35 = arith.extf %convert_element_type3A_34 : vector<1280x128xbf16> to vector<1280x128xf32>
    %get3A_36 = arith.constant 0 : index
    %get3A_37 = arith.constant 0 : index
    %get3A_38 = vector.load %arg13[%get3A_36, %get3A_37] : memref<192x128xf32, #tpu.memory_space<vmem>>, vector<192x128xf32>
    %convert_element_type3A_39 = arith.truncf %get3A_38 : vector<192x128xf32> to vector<192x128xbf16>
    %convert_element_type3A_40 = arith.extf %convert_element_type3A_39 : vector<192x128xbf16> to vector<192x128xf32>
    %dot_general3A_41 = arith.constant dense<0.000000e+00> : vector<1280x192xf32>
    %dot_general3A_42 = tpu.matmul %convert_element_type3A_35, %convert_element_type3A_40, %dot_general3A_41 {dimension_numbers = #tpu.dot_dimension_numbers<[1], [1], [0], [0], [0, 0, 1, 0], [], []>, precision = #tpu.contract_precision<fp32>, transpose_lhs_hint = false} : vector<1280x128xf32>, vector<192x128xf32>, vector<1280x192xf32> -> vector<1280x192xf32>
    %get3A_43 = arith.constant 0 : index
    %get3A_44 = arith.constant 0 : index
    %get3A_45 = vector.load %arg15[%get3A_43, %get3A_44] : memref<1x192xf32, #tpu.memory_space<vmem>>, vector<1x192xf32>
    %add3A_46 = vector.broadcast %get3A_45 : vector<1x192xf32> to vector<1280x192xf32>
    %add3A_47 = arith.addf %dot_general3A_42, %add3A_46 : vector<1280x192xf32>
    %get3A_48 = arith.constant 0 : index
    %get3A_49 = arith.constant 0 : index
    %get3A_50 = vector.load %arg14[%get3A_48, %get3A_49] : memref<192x64xf32, #tpu.memory_space<vmem>>, vector<192x64xf32>
    %convert_element_type3A_51 = arith.truncf %get3A_50 : vector<192x64xf32> to vector<192x64xbf16>
    %convert_element_type3A_52 = arith.extf %convert_element_type3A_51 : vector<192x64xbf16> to vector<192x64xf32>
    %dot_general3A_53 = arith.constant dense<0.000000e+00> : vector<1280x192xf32>
    %dot_general3A_54 = tpu.matmul %convert_element_type3A_16, %convert_element_type3A_52, %dot_general3A_53 {dimension_numbers = #tpu.dot_dimension_numbers<[1], [1], [0], [0], [0, 0, 1, 0], [], []>, precision = #tpu.contract_precision<fp32>, transpose_lhs_hint = false} : vector<1280x64xf32>, vector<192x64xf32>, vector<1280x192xf32> -> vector<1280x192xf32>
    %get3A_55 = arith.constant 0 : index
    %get3A_56 = arith.constant 0 : index
    %get3A_57 = vector.load %arg16[%get3A_55, %get3A_56] : memref<1x192xf32, #tpu.memory_space<vmem>>, vector<1x192xf32>
    %add3A_58 = vector.broadcast %get3A_57 : vector<1x192xf32> to vector<1280x192xf32>
    %add3A_59 = arith.addf %dot_general3A_54, %add3A_58 : vector<1280x192xf32>
    %slice3A_60 = vector.extract_strided_slice %add3A_47 {offsets = [0, 0], sizes = [1280, 64], strides = [1, 1]} : vector<1280x192xf32> to vector<1280x64xf32>
    %slice3A_61 = vector.extract_strided_slice %add3A_59 {offsets = [0, 0], sizes = [1280, 64], strides = [1, 1]} : vector<1280x192xf32> to vector<1280x64xf32>
    %add3A_62 = arith.addf %slice3A_60, %slice3A_61 : vector<1280x64xf32>
    %logistic3A = arith.negf %add3A_62 : vector<1280x64xf32>
    %logistic3A_63 = math.exp %logistic3A : vector<1280x64xf32>
    %logistic3A_64 = arith.constant 1.000000e+00 : f32
    %logistic3A_65 = vector.broadcast %logistic3A_64 : f32 to vector<1280x64xf32>
    %logistic3A_66 = arith.addf %logistic3A_65, %logistic3A_63 : vector<1280x64xf32>
    %logistic3A_67 = arith.divf %logistic3A_65, %logistic3A_66 : vector<1280x64xf32>
    %slice3A_68 = vector.extract_strided_slice %add3A_47 {offsets = [0, 64], sizes = [1280, 64], strides = [1, 1]} : vector<1280x192xf32> to vector<1280x64xf32>
    %slice3A_69 = vector.extract_strided_slice %add3A_59 {offsets = [0, 64], sizes = [1280, 64], strides = [1, 1]} : vector<1280x192xf32> to vector<1280x64xf32>
    %add3A_70 = arith.addf %slice3A_68, %slice3A_69 : vector<1280x64xf32>
    %logistic3A_71 = arith.negf %add3A_70 : vector<1280x64xf32>
    %logistic3A_72 = math.exp %logistic3A_71 : vector<1280x64xf32>
    %logistic3A_73 = arith.constant 1.000000e+00 : f32
    %logistic3A_74 = vector.broadcast %logistic3A_73 : f32 to vector<1280x64xf32>
    %logistic3A_75 = arith.addf %logistic3A_74, %logistic3A_72 : vector<1280x64xf32>
    %logistic3A_76 = arith.divf %logistic3A_74, %logistic3A_75 : vector<1280x64xf32>
    %slice3A_77 = vector.extract_strided_slice %add3A_47 {offsets = [0, 128], sizes = [1280, 64], strides = [1, 1]} : vector<1280x192xf32> to vector<1280x64xf32>
    %slice3A_78 = vector.extract_strided_slice %add3A_59 {offsets = [0, 128], sizes = [1280, 64], strides = [1, 1]} : vector<1280x192xf32> to vector<1280x64xf32>
    %mul3A_79 = arith.mulf %logistic3A_67, %slice3A_78 : vector<1280x64xf32>
    %add3A_80 = arith.addf %slice3A_77, %mul3A_79 : vector<1280x64xf32>
    %tanh3A = math.tanh %add3A_80 : vector<1280x64xf32>
    %sub3A = arith.constant 1.000000e+00 : f32
    %sub3A_81 = vector.broadcast %sub3A : f32 to vector<1280x64xf32>
    %sub3A_82 = arith.subf %sub3A_81, %logistic3A_76 : vector<1280x64xf32>
    %mul3A_83 = arith.mulf %sub3A_82, %tanh3A : vector<1280x64xf32>
    %mul3A_84 = arith.mulf %logistic3A_76, %get3A_15 : vector<1280x64xf32>
    %add3A_85 = arith.addf %mul3A_83, %mul3A_84 : vector<1280x64xf32>
    %get3A_86 = arith.constant 0 : index
    %get3A_87 = arith.constant 0 : index
    %get3A_88 = vector.load %arg3[%get3A_86, %get3A_87] : memref<1280x64xf32, #tpu.memory_space<vmem>>, vector<1280x64xf32>
    %get3A_89 = arith.constant 0 : index
    %get3A_90 = arith.constant 0 : index
    %get3A_91 = vector.load %arg4[%get3A_89, %get3A_90] : memref<1280x64xf32, #tpu.memory_space<vmem>>, vector<1280x64xf32>
    %add3A_92 = arith.addf %get3A_88, %get3A_91 : vector<1280x64xf32>
    %get3A_93 = arith.constant 0 : index
    %get3A_94 = arith.constant 0 : index
    %get3A_95 = vector.load %arg7[%get3A_93, %get3A_94] : memref<1280x16xf32, #tpu.memory_space<vmem>>, vector<1280x16xf32>
    %slice3A_96 = vector.extract_strided_slice %get3A_95 {offsets = [0, 0], sizes = [1280, 1], strides = [1, 1]} : vector<1280x16xf32> to vector<1280x1xf32>
    %get3A_97 = arith.constant 0 : index
    %get3A_98 = arith.constant 0 : index
    %get3A_99 = vector.load %arg8[%get3A_97, %get3A_98] : memref<1280x16xf32, #tpu.memory_space<vmem>>, vector<1280x16xf32>
    %slice3A_100 = vector.extract_strided_slice %get3A_99 {offsets = [0, 0], sizes = [1280, 1], strides = [1, 1]} : vector<1280x16xf32> to vector<1280x1xf32>
    %add3A_101 = arith.addf %slice3A_96, %slice3A_100 : vector<1280x1xf32>
    %get3A_102 = arith.constant 0 : index
    %get3A_103 = arith.constant 0 : index
    %get3A_104 = vector.load %arg10[%get3A_102, %get3A_103] : memref<1280x64xf32, #tpu.memory_space<vmem>>, vector<1280x64xf32>
    %convert_element_type3A_105 = arith.truncf %get3A_104 : vector<1280x64xf32> to vector<1280x64xbf16>
    %convert_element_type3A_106 = arith.extf %convert_element_type3A_105 : vector<1280x64xbf16> to vector<1280x64xf32>
    %get3A_107 = arith.constant 0 : index
    %get3A_108 = arith.constant 0 : index
    %get3A_109 = vector.load %arg17[%get3A_107, %get3A_108] : memref<128x128xf32, #tpu.memory_space<vmem>>, vector<128x128xf32>
    %convert_element_type3A_110 = arith.truncf %get3A_109 : vector<128x128xf32> to vector<128x128xbf16>
    %convert_element_type3A_111 = arith.extf %convert_element_type3A_110 : vector<128x128xbf16> to vector<128x128xf32>
    %slice3A_112 = vector.extract_strided_slice %convert_element_type3A_111 {offsets = [0, 64], sizes = [128, 64], strides = [1, 1]} : vector<128x128xf32> to vector<128x64xf32>
    %dot_general3A_113 = arith.constant dense<0.000000e+00> : vector<1280x128xf32>
    %dot_general3A_114 = tpu.matmul %convert_element_type3A_106, %slice3A_112, %dot_general3A_113 {dimension_numbers = #tpu.dot_dimension_numbers<[1], [1], [0], [0], [0, 0, 1, 0], [], []>, precision = #tpu.contract_precision<fp32>, transpose_lhs_hint = false} : vector<1280x64xf32>, vector<128x64xf32>, vector<1280x128xf32> -> vector<1280x128xf32>
    %get3A_115 = arith.constant 0 : index
    %get3A_116 = arith.constant 0 : index
    %get3A_117 = vector.load %arg18[%get3A_115, %get3A_116] : memref<1x128xf32, #tpu.memory_space<vmem>>, vector<1x128xf32>
    %add3A_118 = vector.broadcast %get3A_117 : vector<1x128xf32> to vector<1280x128xf32>
    %add3A_119 = arith.addf %dot_general3A_114, %add3A_118 : vector<1280x128xf32>
    %slice3A_120 = vector.extract_strided_slice %convert_element_type3A_111 {offsets = [0, 0], sizes = [128, 64], strides = [1, 1]} : vector<128x128xf32> to vector<128x64xf32>
    %dot_general3A_121 = arith.constant dense<0.000000e+00> : vector<1280x128xf32>
    %dot_general3A_122 = tpu.matmul %add3A_92, %slice3A_120, %dot_general3A_121 {dimension_numbers = #tpu.dot_dimension_numbers<[1], [1], [0], [0], [0, 0, 1, 0], [], []>, precision = #tpu.contract_precision<fp32>, transpose_lhs_hint = false} : vector<1280x64xf32>, vector<128x64xf32>, vector<1280x128xf32> -> vector<1280x128xf32>
    %mul3A_123 = vector.broadcast %add3A_101 : vector<1280x1xf32> to vector<1280x128xf32>
    %mul3A_124 = arith.mulf %mul3A_123, %add3A_119 : vector<1280x128xf32>
    %add3A_125 = arith.addf %dot_general3A_122, %mul3A_124 : vector<1280x128xf32>
    %convert_element_type3A_126 = arith.truncf %add3A_125 : vector<1280x128xf32> to vector<1280x128xbf16>
    %convert_element_type3A_127 = arith.extf %convert_element_type3A_126 : vector<1280x128xbf16> to vector<1280x128xf32>
    %get3A_128 = arith.constant 0 : index
    %get3A_129 = arith.constant 0 : index
    %get3A_130 = vector.load %arg19[%get3A_128, %get3A_129] : memref<192x128xf32, #tpu.memory_space<vmem>>, vector<192x128xf32>
    %convert_element_type3A_131 = arith.truncf %get3A_130 : vector<192x128xf32> to vector<192x128xbf16>
    %convert_element_type3A_132 = arith.extf %convert_element_type3A_131 : vector<192x128xbf16> to vector<192x128xf32>
    %dot_general3A_133 = arith.constant dense<0.000000e+00> : vector<1280x192xf32>
    %dot_general3A_134 = tpu.matmul %convert_element_type3A_127, %convert_element_type3A_132, %dot_general3A_133 {dimension_numbers = #tpu.dot_dimension_numbers<[1], [1], [0], [0], [0, 0, 1, 0], [], []>, precision = #tpu.contract_precision<fp32>, transpose_lhs_hint = false} : vector<1280x128xf32>, vector<192x128xf32>, vector<1280x192xf32> -> vector<1280x192xf32>
    %get3A_135 = arith.constant 0 : index
    %get3A_136 = arith.constant 0 : index
    %get3A_137 = vector.load %arg21[%get3A_135, %get3A_136] : memref<1x192xf32, #tpu.memory_space<vmem>>, vector<1x192xf32>
    %add3A_138 = vector.broadcast %get3A_137 : vector<1x192xf32> to vector<1280x192xf32>
    %add3A_139 = arith.addf %dot_general3A_134, %add3A_138 : vector<1280x192xf32>
    %get3A_140 = arith.constant 0 : index
    %get3A_141 = arith.constant 0 : index
    %get3A_142 = vector.load %arg20[%get3A_140, %get3A_141] : memref<192x64xf32, #tpu.memory_space<vmem>>, vector<192x64xf32>
    %convert_element_type3A_143 = arith.truncf %get3A_142 : vector<192x64xf32> to vector<192x64xbf16>
    %convert_element_type3A_144 = arith.extf %convert_element_type3A_143 : vector<192x64xbf16> to vector<192x64xf32>
    %dot_general3A_145 = arith.constant dense<0.000000e+00> : vector<1280x192xf32>
    %dot_general3A_146 = tpu.matmul %convert_element_type3A_106, %convert_element_type3A_144, %dot_general3A_145 {dimension_numbers = #tpu.dot_dimension_numbers<[1], [1], [0], [0], [0, 0, 1, 0], [], []>, precision = #tpu.contract_precision<fp32>, transpose_lhs_hint = false} : vector<1280x64xf32>, vector<192x64xf32>, vector<1280x192xf32> -> vector<1280x192xf32>
    %get3A_147 = arith.constant 0 : index
    %get3A_148 = arith.constant 0 : index
    %get3A_149 = vector.load %arg22[%get3A_147, %get3A_148] : memref<1x192xf32, #tpu.memory_space<vmem>>, vector<1x192xf32>
    %add3A_150 = vector.broadcast %get3A_149 : vector<1x192xf32> to vector<1280x192xf32>
    %add3A_151 = arith.addf %dot_general3A_146, %add3A_150 : vector<1280x192xf32>
    %slice3A_152 = vector.extract_strided_slice %add3A_139 {offsets = [0, 0], sizes = [1280, 64], strides = [1, 1]} : vector<1280x192xf32> to vector<1280x64xf32>
    %slice3A_153 = vector.extract_strided_slice %add3A_151 {offsets = [0, 0], sizes = [1280, 64], strides = [1, 1]} : vector<1280x192xf32> to vector<1280x64xf32>
    %add3A_154 = arith.addf %slice3A_152, %slice3A_153 : vector<1280x64xf32>
    %logistic3A_155 = arith.negf %add3A_154 : vector<1280x64xf32>
    %logistic3A_156 = math.exp %logistic3A_155 : vector<1280x64xf32>
    %logistic3A_157 = arith.constant 1.000000e+00 : f32
    %logistic3A_158 = vector.broadcast %logistic3A_157 : f32 to vector<1280x64xf32>
    %logistic3A_159 = arith.addf %logistic3A_158, %logistic3A_156 : vector<1280x64xf32>
    %logistic3A_160 = arith.divf %logistic3A_158, %logistic3A_159 : vector<1280x64xf32>
    %slice3A_161 = vector.extract_strided_slice %add3A_139 {offsets = [0, 64], sizes = [1280, 64], strides = [1, 1]} : vector<1280x192xf32> to vector<1280x64xf32>
    %slice3A_162 = vector.extract_strided_slice %add3A_151 {offsets = [0, 64], sizes = [1280, 64], strides = [1, 1]} : vector<1280x192xf32> to vector<1280x64xf32>
    %add3A_163 = arith.addf %slice3A_161, %slice3A_162 : vector<1280x64xf32>
    %logistic3A_164 = arith.negf %add3A_163 : vector<1280x64xf32>
    %logistic3A_165 = math.exp %logistic3A_164 : vector<1280x64xf32>
    %logistic3A_166 = arith.constant 1.000000e+00 : f32
    %logistic3A_167 = vector.broadcast %logistic3A_166 : f32 to vector<1280x64xf32>
    %logistic3A_168 = arith.addf %logistic3A_167, %logistic3A_165 : vector<1280x64xf32>
    %logistic3A_169 = arith.divf %logistic3A_167, %logistic3A_168 : vector<1280x64xf32>
    %slice3A_170 = vector.extract_strided_slice %add3A_139 {offsets = [0, 128], sizes = [1280, 64], strides = [1, 1]} : vector<1280x192xf32> to vector<1280x64xf32>
    %slice3A_171 = vector.extract_strided_slice %add3A_151 {offsets = [0, 128], sizes = [1280, 64], strides = [1, 1]} : vector<1280x192xf32> to vector<1280x64xf32>
    %mul3A_172 = arith.mulf %logistic3A_160, %slice3A_171 : vector<1280x64xf32>
    %add3A_173 = arith.addf %slice3A_170, %mul3A_172 : vector<1280x64xf32>
    %tanh3A_174 = math.tanh %add3A_173 : vector<1280x64xf32>
    %sub3A_175 = arith.constant 1.000000e+00 : f32
    %sub3A_176 = vector.broadcast %sub3A_175 : f32 to vector<1280x64xf32>
    %sub3A_177 = arith.subf %sub3A_176, %logistic3A_169 : vector<1280x64xf32>
    %mul3A_178 = arith.mulf %sub3A_177, %tanh3A_174 : vector<1280x64xf32>
    %mul3A_179 = arith.mulf %logistic3A_169, %get3A_104 : vector<1280x64xf32>
    %add3A_180 = arith.addf %mul3A_178, %mul3A_179 : vector<1280x64xf32>
    %swap3A = arith.constant 0 : index
    %swap3A_181 = arith.constant 0 : index
    %swap3A_182 = vector.load %arg23[%swap3A, %swap3A_181] : memref<1280x64xf32, #tpu.memory_space<vmem>>, vector<1280x64xf32>
    tpu.vector_store %arg23[%swap3A, %swap3A_181], %add3A_85 {strides = array<i32>} : memref<1280x64xf32, #tpu.memory_space<vmem>>, vector<1280x64xf32>,
    %swap3A_183 = arith.constant 0 : index
    %swap3A_184 = arith.constant 0 : index
    %swap3A_185 = vector.load %arg24[%swap3A_183, %swap3A_184] : memref<1280x64xf32, #tpu.memory_space<vmem>>, vector<1280x64xf32>
    tpu.vector_store %arg24[%swap3A_183, %swap3A_184], %add3A_180 {strides = array<i32>} : memref<1280x64xf32, #tpu.memory_space<vmem>>, vector<1280x64xf32>,
    %convert_element_type3A_186 = arith.truncf %add3A_85 : vector<1280x64xf32> to vector<1280x64xbf16>
    %convert_element_type3A_187 = arith.extf %convert_element_type3A_186 : vector<1280x64xbf16> to vector<1280x64xf32>
    %swap3A_188 = arith.constant 0 : index
    %swap3A_189 = arith.constant 0 : index
    %swap3A_190 = vector.load %arg25[%swap3A_188, %swap3A_189] : memref<1280x64xf32, #tpu.memory_space<vmem>>, vector<1280x64xf32>
    tpu.vector_store %arg25[%swap3A_188, %swap3A_189], %convert_element_type3A_187 {strides = array<i32>} : memref<1280x64xf32, #tpu.memory_space<vmem>>, vector<1280x64xf32>,
    %convert_element_type3A_191 = arith.truncf %add3A_180 : vector<1280x64xf32> to vector<1280x64xbf16>
    %convert_element_type3A_192 = arith.extf %convert_element_type3A_191 : vector<1280x64xbf16> to vector<1280x64xf32>
    %swap3A_193 = arith.constant 0 : index
    %swap3A_194 = arith.constant 0 : index
    %swap3A_195 = vector.load %arg26[%swap3A_193, %swap3A_194] : memref<1280x64xf32, #tpu.memory_space<vmem>>, vector<1280x64xf32>
    tpu.vector_store %arg26[%swap3A_193, %swap3A_194], %convert_element_type3A_192 {strides = array<i32>} : memref<1280x64xf32, #tpu.memory_space<vmem>>, vector<1280x64xf32>,
    return
  }
  func.func @transform_0(%arg0: i32) -> (i32, i32) {
    %c0_i32 = arith.constant 0 : i32
    %c0_i32_0 = arith.constant 0 : i32
    return %arg0, %c0_i32 : i32, i32
  }
  func.func @transform_1(%arg0: i32) -> (i32, i32) {
    %add3A = arith.constant 8 : i32
    %add3A_0 = arith.addi %arg0, %add3A : i32
    %c0_i32 = arith.constant 0 : i32
    %c0_i32_1 = arith.constant 0 : i32
    return %add3A_0, %c0_i32 : i32, i32
  }
  func.func @transform_2(%arg0: i32) -> (i32, i32) {
    %c0_i32 = arith.constant 0 : i32
    %c0_i32_0 = arith.constant 0 : i32
    return %arg0, %c0_i32 : i32, i32
  }
  func.func @transform_3(%arg0: i32) -> (i32, i32) {
    %add3A = arith.constant 8 : i32
    %add3A_0 = arith.addi %arg0, %add3A : i32
    %c0_i32 = arith.constant 0 : i32
    %c0_i32_1 = arith.constant 0 : i32
    return %add3A_0, %c0_i32 : i32, i32
  }
  func.func @transform_4(%arg0: i32) -> (i32, i32) {
    %c0_i32 = arith.constant 0 : i32
    %c0_i32_0 = arith.constant 0 : i32
    return %arg0, %c0_i32 : i32, i32
  }
  func.func @transform_5(%arg0: i32) -> (i32, i32) {
    %add3A = arith.constant 8 : i32
    %add3A_0 = arith.addi %arg0, %add3A : i32
    %c0_i32 = arith.constant 0 : i32
    %c0_i32_1 = arith.constant 0 : i32
    return %add3A_0, %c0_i32 : i32, i32
  }
  func.func @transform_6(%arg0: i32) -> (i32, i32) {
    %c0_i32 = arith.constant 0 : i32
    %c0_i32_0 = arith.constant 0 : i32
    return %arg0, %c0_i32 : i32, i32
  }
  func.func @transform_7(%arg0: i32) -> (i32, i32) {
    %add3A = arith.constant 8 : i32
    %add3A_0 = arith.addi %arg0, %add3A : i32
    %c0_i32 = arith.constant 0 : i32
    %c0_i32_1 = arith.constant 0 : i32
    return %add3A_0, %c0_i32 : i32, i32
  }
  func.func @transform_8(%arg0: i32) -> (i32, i32) {
    %c0_i32 = arith.constant 0 : i32
    %c0_i32_0 = arith.constant 0 : i32
    return %arg0, %c0_i32 : i32, i32
  }
  func.func @transform_9(%arg0: i32) -> (i32, i32) {
    %c0_i32 = arith.constant 0 : i32
    %c0_i32_0 = arith.constant 0 : i32
    return %arg0, %c0_i32 : i32, i32
  }
  func.func @transform_10(%arg0: i32) -> (i32, i32) {
    %c0_i32 = arith.constant 0 : i32
    %c0_i32_0 = arith.constant 0 : i32
    %c0_i32_1 = arith.constant 0 : i32
    return %c0_i32, %c0_i32_0 : i32, i32
  }
  func.func @transform_11(%arg0: i32) -> (i32, i32) {
    %c0_i32 = arith.constant 0 : i32
    %c0_i32_0 = arith.constant 0 : i32
    %c0_i32_1 = arith.constant 0 : i32
    return %c0_i32, %c0_i32_0 : i32, i32
  }
  func.func @transform_12(%arg0: i32) -> (i32, i32) {
    %c0_i32 = arith.constant 0 : i32
    %c0_i32_0 = arith.constant 0 : i32
    %c0_i32_1 = arith.constant 0 : i32
    return %c0_i32, %c0_i32_0 : i32, i32
  }
  func.func @transform_13(%arg0: i32) -> (i32, i32) {
    %c0_i32 = arith.constant 0 : i32
    %c0_i32_0 = arith.constant 0 : i32
    %c0_i32_1 = arith.constant 0 : i32
    return %c0_i32, %c0_i32_0 : i32, i32
  }
  func.func @transform_14(%arg0: i32) -> (i32, i32) {
    %c0_i32 = arith.constant 0 : i32
    %c0_i32_0 = arith.constant 0 : i32
    %c0_i32_1 = arith.constant 0 : i32
    return %c0_i32, %c0_i32_0 : i32, i32
  }
  func.func @transform_15(%arg0: i32) -> (i32, i32) {
    %c0_i32 = arith.constant 0 : i32
    %c0_i32_0 = arith.constant 0 : i32
    %c0_i32_1 = arith.constant 0 : i32
    return %c0_i32, %c0_i32_0 : i32, i32
  }
  func.func @transform_16(%arg0: i32) -> (i32, i32) {
    %c0_i32 = arith.constant 0 : i32
    %c0_i32_0 = arith.constant 0 : i32
    %c0_i32_1 = arith.constant 0 : i32
    return %c0_i32, %c0_i32_0 : i32, i32
  }
  func.func @transform_17(%arg0: i32) -> (i32, i32) {
    %c0_i32 = arith.constant 0 : i32
    %c0_i32_0 = arith.constant 0 : i32
    %c0_i32_1 = arith.constant 0 : i32
    return %c0_i32, %c0_i32_0 : i32, i32
  }
  func.func @transform_18(%arg0: i32) -> (i32, i32) {
    %c0_i32 = arith.constant 0 : i32
    %c0_i32_0 = arith.constant 0 : i32
    %c0_i32_1 = arith.constant 0 : i32
    return %c0_i32, %c0_i32_0 : i32, i32
  }
  func.func @transform_19(%arg0: i32) -> (i32, i32) {
    %c0_i32 = arith.constant 0 : i32
    %c0_i32_0 = arith.constant 0 : i32
    %c0_i32_1 = arith.constant 0 : i32
    return %c0_i32, %c0_i32_0 : i32, i32
  }
  func.func @transform_20(%arg0: i32) -> (i32, i32) {
    %c0_i32 = arith.constant 0 : i32
    %c0_i32_0 = arith.constant 0 : i32
    %c0_i32_1 = arith.constant 0 : i32
    return %c0_i32, %c0_i32_0 : i32, i32
  }
  func.func @transform_21(%arg0: i32) -> (i32, i32) {
    %c0_i32 = arith.constant 0 : i32
    %c0_i32_0 = arith.constant 0 : i32
    %c0_i32_1 = arith.constant 0 : i32
    return %c0_i32, %c0_i32_0 : i32, i32
  }
  func.func @transform_22(%arg0: i32) -> (i32, i32) {
    %c0_i32 = arith.constant 0 : i32
    %c0_i32_0 = arith.constant 0 : i32
    return %arg0, %c0_i32 : i32, i32
  }
  func.func @transform_23(%arg0: i32) -> (i32, i32) {
    %c0_i32 = arith.constant 0 : i32
    %c0_i32_0 = arith.constant 0 : i32
    return %arg0, %c0_i32 : i32, i32
  }
  func.func @transform_24(%arg0: i32) -> (i32, i32) {
    %c0_i32 = arith.constant 0 : i32
    %c0_i32_0 = arith.constant 0 : i32
    return %arg0, %c0_i32 : i32, i32
  }
  func.func @transform_25(%arg0: i32) -> (i32, i32) {
    %c0_i32 = arith.constant 0 : i32
    %c0_i32_0 = arith.constant 0 : i32
    return %arg0, %c0_i32 : i32, i32
  }
}

</mosaic_0001>

<sc_bundles>
// kernel: kernel.12.cloned.1.call-start
scs
__scs_entry_jumppad:
0x0: {  	(pc) =	sbr.rel $0x88, $3  }
0x1: {  	(tag) =	ssettag $0x0;
	lr =	simm.s32 $0x1  }
0x2: {  	[smem:$0x3F92] =	sst lr;
	_ =	strace $0xD0000000  }
0x3: {  	_ = 	snop  }
0x4: {  	_ = 	snop  }
0x5: {  	_ = 	snop  }
0x6: {  	_ = 	snop  }
0x7: {  	_ = 	snop  }
__scs_overlays_trampoline_lowered:
0x8: {  	[smem:$0x3FA1] =	sst s0  }
0x9: {  	[smem:$0x3FA2] =	sst s1  }
0xa: {  	[smem:$0x3FA3] =	sst s2  }
0xb: {  	[smem:$0x3FA4] =	sst s3  }
0xc: {  	[smem:$0x3FA5] =	sst s4  }
0xd: {  	[smem:$0x3FA6] =	sst s5  }
0xe: {  	[smem:$0x3FA7] =	sst s6  }
0xf: {  	[smem:$0x3FA8] =	sst s7  }
0x10: {  	[smem:$0x3FA9] =	sst s8  }
0x11: {  	[smem:$0x3FAA] =	sst s9;
	s0 =	simm.s32 @!p0 $0x0  }
0x12: {  	s1 =	sld [smem:$0x3F90];
	s0 =	simm.s32 @p0 $0x1  }
0x13: {  	[smem:$0x3FAB] =	sst s0;
	s0 =	simm.s32 @!p1 $0x0  }
0x14: {  	s2 =	sld [smem:$0x3F8F];
	s0 =	simm.s32 @p1 $0x1  }
0x15: {  	[smem:$0x3FAC] =	sst s0;
	s0 =	simm.s32 @!p2 $0x0  }
0x16: {  	s3 =	sld [smem:$0x3FDB];
	s0 =	simm.s32 @p2 $0x1  }
0x17: {  	s4 =	simm.s32 $0x1BF5;
	[smem:$0x3FAE] =	sst s0  }
0x18: {  	s0 =	sld [smem:$0x3F91];
	_ =	swait.ge [sflag:s4], $0x0  }
0x19: {  	s7 =	sld [smem:$0x3F92]  }
0x1a: {  	s8 =	sadd.s32 $0xFFFFE003, lr  }
0x1b: {  	s9 =	sadd.s32 $0xFFFFFEF7, lr;
	s5 =	simm.s32 $0xFFFFFFFF;
	p2 =	slt.u32 s8, $0xFFFFF086  }
0x1c: {  	p1 =	slt.u32 s9, $0xF7A;
	s5 =	simm.s32 @!p2 $0x0  }
0x1d: {  	s5 =	simm.s32 @p1 $0x1;
	p0 =	seq.s32 s7, s2  }
0x1e: {  	s7 =	smul.u32 @!p0 $0xF7A, s2;
	p2 =	seq.s32 @!p0 s5, $0x0  }
0x1f: {  	s9 =	smul.u32 $0xF7A, s1;
	s8 =	simm.s32 @!p0 $0x1BF5;
	p2 =	por !p2, p0  }
0x20: {  	[sflag:s8] =	ssyncset.s32 @!p0 $0xFFFFF086;
	s6 =	sadd.s32 @!p0 s3, s7;
	s7 =	simm.s32 @!p0 $0x108  }
0x21: {  	s3 =	sadd.s32 s3, s9;
	s6 =	sadd.s32 @!p0 $0x88, s6;
	s7 =	simm.s32 @p2 $0x1082  }
0x22: {  	[simem:s7], [sflag:s8] =	dma.local @!p0 [hbm:s6], $0xF7A  }
0x23: {  	s9 =	sor.u32 $0xD0000000, s2;
	s6 =	simm.s32 $0x108;
	_ =	swait.ge @!p0 [sflag:s8], $0x0  }
0x24: {  	s3 =	sadd.s32 $0x88, s3;
	s6 =	simm.s32 @!p1 $0x1082;
	[sflag:s4] =	ssyncset.s32 $0xFFFFF086  }
0x25: {  	[simem:s6], [sflag:s4] =	dma.local [hbm:s3], $0xF7A  }
0x26: {  	[smem:$0x3F92] =	sst s1;
	(tag) =	ssettag s2;
	_ =	strace s9  }
0x27: {  	s1 =	sld [smem:$0x3FA2]  }
0x28: {  	s2 =	sld [smem:$0x3FA3]  }
0x29: {  	s4 =	sld [smem:$0x3FA5]  }
0x2a: {  	p0 =	seq.s32 s5, $0x0;
	s5 =	sld [smem:$0x3FA6]  }
0x2b: {  	s6 =	sld [smem:$0x3FA7]  }
0x2c: {  	s7 =	sld [smem:$0x3FA8]  }
0x2d: {  	s3 =	simm.s32 $0x108;
	s8 =	sld [smem:$0x3FA9]  }
0x2e: {  	s3 =	simm.s32 @!p0 $0x1082;
	s9 =	sld [smem:$0x3FAA]  }
0x2f: {  	lr =	sadd.s32 s0, s3;
	s0 =	sld [smem:$0x3FA1]  }
0x30: {  	s3 =	sld [smem:$0x3FA4]  }
0x31: {  	[smem:$0x3FAD] =	sst s10  }
0x32: {  	s10 =	sld [smem:$0x3FAB];
	_ =	sdelay $0x3  }
0x33: {  	p0 =	seq.s32 s10, $0x1;
	s10 =	sld [smem:$0x3FAD];
	_ =	sdelay $0x3  }
0x34: {  	[smem:$0x3FAD] =	sst s10  }
0x35: {  	s10 =	sld [smem:$0x3FAC];
	_ =	sdelay $0x3  }
0x36: {  	p1 =	seq.s32 s10, $0x1;
	s10 =	sld [smem:$0x3FAD];
	_ =	sdelay $0x3  }
0x37: {  	[smem:$0x3FAD] =	sst s10  }
0x38: {  	s10 =	sld [smem:$0x3FAE]  }
0x39: {  	_ = 	snop;
	(pc) =	sbr.ind lr, $3  }
0x3a: {  	_ = 	snop  }
0x3b: {  	_ = 	snop  }
0x3c: {  	p2 =	seq.s32 s10, $0x1;
	s10 =	sld [smem:$0x3FAD]  }
0x3d: {  	_ =	shalt  }
0x3e: {  	_ =	shalt  }
0x3f: {  	_ =	shalt  }
0x40: {  	_ =	shalt  }
0x41: {  	_ =	shalt  }
0x42: {  	_ =	shalt  }
0x43: {  	_ =	shalt  }
0x44: {  	_ =	shalt  }
0x45: {  	_ =	shalt  }
0x46: {  	_ =	shalt  }
0x47: {  	_ =	shalt  }
0x48: {  	_ =	shalt  }
0x49: {  	_ =	shalt  }
0x4a: {  	_ =	shalt  }
0x4b: {  	_ =	shalt  }
0x4c: {  	_ =	shalt  }
0x4d: {  	_ =	shalt  }
0x4e: {  	_ =	shalt  }
0x4f: {  	_ =	shalt  }
0x50: {  	_ =	shalt  }
0x51: {  	_ =	shalt  }
0x52: {  	_ =	shalt  }
0x53: {  	_ =	shalt  }
0x54: {  	_ =	shalt  }
0x55: {  	_ =	shalt  }
0x56: {  	_ =	shalt  }
0x57: {  	_ =	shalt  }
0x58: {  	_ =	shalt  }
0x59: {  	_ =	shalt  }
0x5a: {  	_ =	shalt  }
0x5b: {  	_ =	shalt  }
0x5c: {  	_ =	shalt  }
0x5d: {  	_ =	shalt  }
0x5e: {  	_ =	shalt  }
0x5f: {  	_ =	shalt  }
0x60: {  	_ =	shalt  }
0x61: {  	_ =	shalt  }
0x62: {  	_ =	shalt  }
0x63: {  	_ =	shalt  }
0x64: {  	_ =	shalt  }
0x65: {  	_ =	shalt  }
0x66: {  	_ =	shalt  }
0x67: {  	_ =	shalt  }
0x68: {  	_ =	shalt  }
0x69: {  	_ =	shalt  }
0x6a: {  	_ =	shalt  }
0x6b: {  	_ =	shalt  }
0x6c: {  	_ =	shalt  }
0x6d: {  	_ =	shalt  }
0x6e: {  	_ =	shalt  }
0x6f: {  	_ =	shalt  }
0x70: {  	_ =	shalt  }
0x71: {  	_ =	shalt  }
0x72: {  	_ =	shalt  }
0x73: {  	_ =	shalt  }
0x74: {  	_ =	shalt  }
0x75: {  	_ =	shalt  }
0x76: {  	_ =	shalt  }
0x77: {  	_ =	shalt  }
0x78: {  	_ =	shalt  }
0x79: {  	_ =	shalt  }
0x7a: {  	_ =	shalt  }
0x7b: {  	_ =	shalt  }
0x7c: {  	_ =	shalt  }
0x7d: {  	_ =	shalt  }
0x7e: {  	_ =	shalt  }
0x7f: {  	_ =	shalt  }
0x80: {  	_ =	shalt  }
0x81: {  	_ =	shalt  }
0x82: {  	_ =	shalt  }
0x83: {  	_ =	shalt  }
0x84: {  	_ =	shalt  }
0x85: {  	_ =	shalt  }
0x86: {  	_ =	shalt  }
0x87: {  	_ =	shalt  }
.Lfunc_end0:
.L_simem_size_0:
called_computation.1_lowered:
.L_overlay_start_0:
0x88: {  	s2 =	sld [smem:$0x3FD9]  }
0x89: {  	s3 =	sld [smem:$0x3FFE];
	_ =	sdelay $0x1  }
0x8a: {  	s1 =	srdreg.scid  }
0x8b: {  	s0 =	sand.u32 $0x1, s1  }
0x8c: {  	s17 =	sshll.u32 s0, $0xA;
	s2 =	sadd.s32 s3, s2  }
0x8d: {  	s2 =	sadd.s32 s2, s17  }
0x8e: {  	[smem:$0x3FB9] =	sst s2  }
0x8f: {  	_ = 	snop  }
0x90: {  	s2 =	sld [smem:$0x3FD0];
	(tm) =	ssettm $0x1  }
0x91: {  	s18 =	sld [smem:$0x3FFB];
	_ =	sdelay $0x3  }
0x92: {  	_ =	strace s18  }
0x93: {  	s3 =	sld [smem:$0x3FFC];
	_ =	sdelay $0x3  }
0x94: {  	_ =	strace s3  }
0x95: {  	s3 =	sld [smem:$0x3FFD];
	_ =	sdelay $0x3  }
0x96: {  	_ =	strace s3  }
0x97: {  	_ =	strace $0x8FFFFFFF  }
0x98: {  	s19 =	sld [smem:$0x3FDB];
	_ =	sdelay $0x1  }
0x99: {  	s4 =	simm.s32 $_scs_section_size  }
0x9a: {  	s5 =	simm.s32 $_size__tile_overlayer_lowered;
	s6 =	simm.s32 $_tile_overlayer_lowered  }
0x9b: {  	s22 =	simm.s32 $0x1BFF;
	s21 =	sshll.u32 s6, $0x1;
	s3 =	sadd.s32 s4, s19  }
0x9c: {  	s7 =	simm.s32 $0x0;
	s20 =	sshll.u32 s5, $0x1;
	s5 =	sadd.s32 s21, s3  }
0x9d: {  	[timem:s7], [sflag:s22] =	dma.local [hbm:s5], s20  }
0x9e: {  	_ =	swait.ge [sflag:s22], s20  }
0x9f: {  	s4 =	ssub.s32 $0x0, s20;
	[sflag:s22] =	ssyncset.done $0x0  }
0xa0: {  	[sflag:s22] =	ssyncadd.s32 s4;
	_ =	sdelay $0x1  }
0xa1: {  	s23 =	simm.s32 $0x1B8B  }
0xa2: {  	_ =	swait.ge [sflag:s23], $0x1  }
0xa3: {  	[sflag:s23] =	ssyncset.done $0x0  }
0xa4: {  	s25 =	simm.s32 $0x1B8E;
	s24 =	sld [smem:$0x3FFE];
	[sflag:s23] =	ssyncadd.s32 $0xFFFFFFFF  }
0xa5: {  	s26 =	simm.s32 $execute0_lowered;
	[smem:$0x3FD2] =	sst s25  }
0xa6: {  	s5 =	sshll.u32 s26, $0x1;
	_ =	strace $0x80000049;
	[dreg:$0x1] =	wrdreg $0xFFFFFFFF  }
0xa7: {  	s28 =	simm.s32 $_size_execute0_lowered;
	s3 =	sadd.s32 s3, s5;
	[dreg:$0x0] =	wrdreg $0x0  }
0xa8: {  	s5 =	sshll.u32 s28, $0x1;
	[dreg:$0x2] =	wrdreg s3  }
0xa9: {  	[dreg:$0x3] =	wrdreg s5  }
0xaa: {  	[dreg:$0x4] =	wrdreg $0xC0  }
0xab: {  	_ =	task [dreg:s7], $0x5FFFF  }
0xac: {  	[dreg:$0x1] =	wrdreg $0xFFFFFFFF  }
0xad: {  	[dreg:$0x0] =	wrdreg $0x60  }
0xae: {  	[dreg:$0x2] =	wrdreg s24  }
0xaf: {  	[dreg:$0x3] =	wrdreg s2  }
0xb0: {  	[dreg:$0x4] =	wrdreg $0x51400  }
0xb1: {  	[dreg:$0x5] =	wrdreg $0xF1400  }
0xb2: {  	[dreg:$0x6] =	wrdreg $0x9  }
0xb3: {  	_ =	task.clear_ibuf [dreg:s7], $0x7FFFF;
	_ =	strace $0x90000049  }
0xb4: {  	s29 =	simm.s32 $0x9;
	_ =	strace $0x8000004B  }
0xb5: {  	_ =	swait.ge [sflag:s29], $0x1  }
0xb6: {  	[sflag:s29] =	ssyncadd.s32 $0xFFFFFFFF  }
0xb7: {  	_ =	strace $0x9000004B  }
0xb8: {  	_ =	sfence  }
0xb9: {  	s30 =	sld [smem:$0x0];
	_ =	sdelay $0x2  }
0xba: {  	s31 =	sshll.u32 s1, $0xD;
	s1 =	sshrl.u32 s1, $0x2  }
0xbb: {  	s3 =	sand.u32 $0x4000, s31;
	s1 =	sadd.s32 s1, s30  }
0xbc: {  	s0 =	sor.u32 s3, s0;
	s1 =	sshll.u32 s1, $0x11  }
0xbd: {  	s0 =	sor.u32 s1, s0  }
0xbe: {  	s0 =	sadd.s32 $0x8F2B, s0  }
0xbf: {  	[sflag:s0] =	ssyncadd.remote.s32 $0x1  }
0xc0: {  	_ =	sfence.sel $0xFFFF  }
0xc1: {  	[dreg:$0x0] =	wrdreg $0xFFFFFFFF;
	(pc) =	sbr.abs _section_cstart, $3  }
0xc2: {  	[dreg:$0x1] =	wrdreg $0xFFFFFFFF  }
0xc3: {  	_ =	task.clear_ibuf [dreg:s7], $0x2FFFF;
	_ =	strace $0x9FFFFFFF  }
0xc4: {  	(tm) =	ssettm $0x7FFFFFFF  }
0xc5: {  	_ =	shalt  }
tec
execute0_lowered:
.L_overlay_start_1:
0x0: {  	(tag) =	ssettag $0x1  }
0x1: {  	s0 =	rddreg [dreg:$0x0]  }
0x2: {  	s1 =	rddreg [dreg:$0x1]  }
0x3: {  	s2 =	rddreg [dreg:$0x2]  }
0x4: {  	s4 =	rddreg [dreg:$0x3];
	s5 =	simm.s32 $0x0;
	s3 =	srdreg.scid  }
0x5: {  	s15 =	stileid.u32;
	s28 =	simm.s32 $0x2940;
	s29 =	simm.s32 $0x3D40  }
0x6: {  	s30 =	simm.s32 $0x1;
	s31 =	simm.s32 $0x2;
	[smem:$0x7FF] =	sst s5  }
0x7: {  	s3 =	sand.u32 $0x1, s3;
	s9 =	smul.u32 $0x280, s15;
	s6 =	sadd.s32 $0xF200, s0  }
0x8: {  	s7 =	sadd.s32 $0x5400, s0;
	s8 =	sadd.s32 $0x6A400, s0;
	s12 =	smul.u32 $0xA000, s15  }
0x9: {  	s11 =	sshll.u32 s15, $0x1;
	s18 =	sadd.s32 $0x41000, s0;
	s13 =	smul.u32 $0x4E20, s15  }
0xa: {  	s15 =	sshll.u32 s15, $0x6;
	_ =	strace $0x8000004A;
	s10 =	smul.u32 $0x2800, s3  }
0xb: {  	s11 =	sor.u32 s3, s11;
	s19 =	ssub.s32 $0x2, s3;
	s3 =	smul.u32 $0x2710, s3  }
0xc: {  	[dreg:$0x5] =	wrdreg s18;
	s11 =	smul.u32 $0x2710, s11;
	s14 =	sshrl.u32 s19, $0x1  }
0xd: {  	s16 =	sadd.s32 s12, s2;
	s20 =	sadd.s32 s12, s4;
	s10 =	sadd.s32 s9, s10  }
0xe: {  	s14 =	ssub.s32 s19, s14;
	[dreg:$0x6] =	wrdreg s20;
	s3 =	sadd.s32 s3, s13  }
0xf: {  	s20 =	sshrl.u32 s16, $0x3;
	s10 =	sshll.u32 s10, $0x3;
	s11 =	sshrl.u32 s11, $0x3  }
0x10: {  	s23 =	sadd.s32 $0x50, s3;
	s26 =	smax.u32 s14, $0x1;
	s3 =	sadd.s32 $0xA0, s3  }
0x11: {  	s0 =	sadd.s32 s10, s0;
	s10 =	sor.u32 $0x1C05, s15;
	s21 =	sadd.s32 s6, s11  }
0x12: {  	s22 =	sadd.s32 s7, s11;
	s25 =	sshrl.u32 s23, $0x3;
	[dreg:$0xb] =	wrdreg s26  }
0x13: {  	[dreg:$0xc] =	wrdreg s3;
	s23 =	simm.s32 $0xA0;
	s26 =	simm.s32 $0x28F0  }
0x14: {  	s3 =	simm.s32 $0x4;
	s11 =	simm.s32 $0x0;
	[dreg:$0x7] =	wrdreg s21  }
0x15: {  	[dreg:$0x8] =	wrdreg s22;
	s24 =	sadd.s32 $0x146C00, s0;
	s0 =	sadd.s32 $0x7E400, s0  }
0x16: {  	s18 =	sadd.s32 s25, s7;
	s19 =	sadd.s32 s25, s6;
	s21 =	simm.s32 $0x5  }
0x17: {  	s22 =	simm.s32 $0x50;
	s25 =	simm.s32 $0x28A0;
	[dreg:$0x9] =	wrdreg s24  }
0x18: {  	[dreg:$0xa] =	wrdreg s0;
	s24 =	simm.s32 $0x14A0;
	s0 =	simm.s32 $0x3  }
.LBB2_1:
0x19: {  	s9 =	rddreg [dreg:$0x5]  }
0x1a: {  	[spmem:s20], [sflag:s10] =	dma.local [hbm:s9], $0x1400  }
0x1b: {  	_ =	swait.ge [sflag:s21], $0x1400  }
0x1c: {  	[sflag:s21] =	ssyncset.done $0x0;
	s12 =	rddreg [dreg:$0x6]  }
0x1d: {  	[sflag:s21] =	ssyncadd.s32 $0xFFFFEC00;
	s12 =	sshrl.u32 s12, $0x3  }
0x1e: {  	[spmem:s12], [sflag:s10] =	dma.local [hbm:s9], $0x1400  }
0x1f: {  	_ =	swait.ge [sflag:s21], $0x1400  }
0x20: {  	[sflag:s21] =	ssyncset.done $0x0  }
0x21: {  	[sflag:s21] =	ssyncadd.s32 $0xFFFFEC00  }
0x22: {  	[bflag:$0x0] =	sbarrier.arrive $0xFFFF  }
0x23: {  	s13 =	rddreg [dreg:$0x7]  }
0x24: {  	[tilespmem:s5], [sflag:$0x5] =	stream.linear.gather [hbm4b:s13+s5], $0x50, $0x38;
	[tilespmem:$0x19140] =	vst v63  }
0x25: {  	_ =	swait.ge [sflag:s21], $0x50  }
0x26: {  	[sflag:s21] =	ssyncset.done $0x0  }
0x27: {  	s14 =	rddreg [dreg:$0x8];
	[sflag:s21] =	ssyncadd.s32 $0xFFFFFFB0  }
0x28: {  	[tilespmem:s22], [sflag:$0x5] =	stream.linear.gather [hbm4b:s14+s5], $0x50, $0x38;
	[tilespmem:$0x19140] =	vst v63  }
0x29: {  	_ =	swait.ge [sflag:s21], $0x50  }
0x2a: {  	[sflag:s21] =	ssyncset.done $0x0  }
0x2b: {  	[sflag:s21] =	ssyncadd.s32 $0xFFFFFFB0  }
0x2c: {  	[tilespmem:s23], [sflag:$0x1] =	stream.indirect.gather [hbm4b:s1+s22], $0x40, s5, s22, $0xb8;
	[tilespmem:$0x19140] =	vst v63  }
0x2d: {  	_ = 	snop  }
0x2e: {  	[tilespmem:s24], [sflag:$0x2] =	stream.indirect.gather [hbm4b:s8+s22], $0x40, s22, s22, $0xb8;
	[tilespmem:$0x19140] =	vst v63  }
0x2f: {  	s13 =	sadd.s32 $0x0, s19  }
0x30: {  	[tilespmem:s25], [sflag:$0x5] =	stream.linear.gather [hbm4b:s13+s5], $0x50, $0x38;
	[tilespmem:$0x19140] =	vst v63  }
0x31: {  	_ =	swait.ge [sflag:s21], $0x50  }
0x32: {  	[sflag:s21] =	ssyncset.done $0x0  }
0x33: {  	s15 =	sadd.s32 $0x0, s18;
	[sflag:s21] =	ssyncadd.s32 $0xFFFFFFB0  }
0x34: {  	[tilespmem:s26], [sflag:$0x5] =	stream.linear.gather [hbm4b:s15+s5], $0x50, $0x38;
	[tilespmem:$0x19140] =	vst v63  }
0x35: {  	_ =	swait.ge [sflag:s21], $0x50  }
0x36: {  	[sflag:s21] =	ssyncset.done $0x0  }
0x37: {  	[sflag:s21] =	ssyncadd.s32 $0xFFFFFFB0  }
0x38: {  	[tilespmem:s28], [sflag:$0x3] =	stream.indirect.gather [hbm4b:s1+s22], $0x40, s25, s22, $0xb8;
	[tilespmem:$0x19140] =	vst v63  }
0x39: {  	_ = 	snop  }
0x3a: {  	[tilespmem:s29], [sflag:$0x4] =	stream.indirect.gather [hbm4b:s8+s22], $0x40, s26, s22, $0xb8;
	[tilespmem:$0x19140] =	vst v63  }
0x3b: {  	_ =	swait.ge [sflag:s30], $0x1400  }
0x3c: {  	[sflag:s30] =	ssyncset.done $0x0  }
0x3d: {  	[sflag:s30] =	ssyncadd.s32 $0xFFFFEC00  }
0x3e: {  	[spmem:s2] =	stream.indirect.scatter.add.f32 [tilespmem:s23], [sflag:$0x5], $0x40, s22, s22, $0xb8;
	[tilespmem:$0x19140] =	vst v63  }
0x3f: {  	_ =	swait.ge [sflag:s21], $0x1400  }
0x40: {  	[sflag:s21] =	ssyncset.done $0x0  }
0x41: {  	[sflag:s21] =	ssyncadd.s32 $0xFFFFEC00  }
0x42: {  	_ =	swait.ge [sflag:s31], $0x1400  }
0x43: {  	[sflag:s31] =	ssyncset.done $0x0  }
0x44: {  	[sflag:s31] =	ssyncadd.s32 $0xFFFFEC00  }
0x45: {  	[spmem:s4] =	stream.indirect.scatter.add.f32 [tilespmem:s24], [sflag:$0x5], $0x40, s5, s22, $0xb8;
	[tilespmem:$0x19140] =	vst v63  }
0x46: {  	_ =	swait.ge [sflag:s21], $0x1400  }
0x47: {  	s16 =	rddreg [dreg:$0xc]  }
0x48: {  	[sflag:s21] =	ssyncset.done $0x0;
	s17 =	sshrl.u32 s16, $0x3  }
0x49: {  	[sflag:s21] =	ssyncadd.s32 $0xFFFFEC00;
	s14 =	sadd.s32 s6, s17  }
0x4a: {  	[tilespmem:s5], [sflag:$0x5] =	stream.linear.gather [hbm4b:s14+s5], $0x50, $0x38;
	[tilespmem:$0x19140] =	vst v63  }
0x4b: {  	_ =	swait.ge [sflag:s21], $0x50  }
0x4c: {  	[sflag:s21] =	ssyncset.done $0x0  }
0x4d: {  	s13 =	sadd.s32 s7, s17;
	[sflag:s21] =	ssyncadd.s32 $0xFFFFFFB0  }
0x4e: {  	[tilespmem:s22], [sflag:$0x5] =	stream.linear.gather [hbm4b:s13+s5], $0x50, $0x38;
	[tilespmem:$0x19140] =	vst v63  }
0x4f: {  	_ =	swait.ge [sflag:s21], $0x50  }
0x50: {  	[sflag:s21] =	ssyncset.done $0x0  }
0x51: {  	[sflag:s21] =	ssyncadd.s32 $0xFFFFFFB0  }
0x52: {  	[tilespmem:s23], [sflag:$0x1] =	stream.indirect.gather [hbm4b:s1+s22], $0x40, s5, s22, $0xb8;
	[tilespmem:$0x19140] =	vst v63  }
0x53: {  	_ = 	snop  }
0x54: {  	[tilespmem:s24], [sflag:$0x2] =	stream.indirect.gather [hbm4b:s8+s22], $0x40, s22, s22, $0xb8;
	[tilespmem:$0x19140] =	vst v63  }
0x55: {  	_ =	swait.ge [sflag:s0], $0x1400  }
0x56: {  	[sflag:s0] =	ssyncset.done $0x0  }
0x57: {  	[sflag:s0] =	ssyncadd.s32 $0xFFFFEC00  }
0x58: {  	[spmem:s2] =	stream.indirect.scatter.add.f32 [tilespmem:s28], [sflag:$0x5], $0x40, s26, s22, $0xb8;
	[tilespmem:$0x19140] =	vst v63  }
0x59: {  	_ =	swait.ge [sflag:s21], $0x1400  }
0x5a: {  	[sflag:s21] =	ssyncset.done $0x0  }
0x5b: {  	[sflag:s21] =	ssyncadd.s32 $0xFFFFEC00  }
0x5c: {  	_ =	swait.ge [sflag:s3], $0x1400  }
0x5d: {  	[sflag:s3] =	ssyncset.done $0x0  }
0x5e: {  	[sflag:s3] =	ssyncadd.s32 $0xFFFFEC00  }
0x5f: {  	[spmem:s4] =	stream.indirect.scatter.add.f32 [tilespmem:s29], [sflag:$0x5], $0x40, s25, s22, $0xb8;
	[tilespmem:$0x19140] =	vst v63  }
0x60: {  	s15 =	simm.s32 $0x28;
	_ =	swait.ge [sflag:s21], $0x1400  }
0x61: {  	s14 =	simm.s32 $0x14;
	s13 =	sadd.s32 $0xA0, s16;
	[sflag:s21] =	ssyncset.done $0x0  }
.LBB2_2:
0x62: {  	s9 =	sadd.s32 s14, s19  }
0x63: {  	[sflag:s21] =	ssyncadd.s32 $0xFFFFEC00;
	s17 =	smov.u32 s15;
	s16 =	sadd.s32 $0x14, s15  }
0x64: {  	[tilespmem:s25], [sflag:$0x5] =	stream.linear.gather [hbm4b:s9+s5], $0x50, $0x38;
	[tilespmem:$0x19140] =	vst v63  }
0x65: {  	p0 =	sne.s32 s15, $0x4C4;
	_ =	swait.ge [sflag:s21], $0x50  }
0x66: {  	[sflag:s21] =	ssyncset.done $0x0  }
0x67: {  	s9 =	sadd.s32 s14, s18;
	s14 =	smov.u32 s17;
	[sflag:s21] =	ssyncadd.s32 $0xFFFFFFB0  }
0x68: {  	[tilespmem:s26], [sflag:$0x5] =	stream.linear.gather [hbm4b:s9+s5], $0x50, $0x38;
	[tilespmem:$0x19140] =	vst v63  }
0x69: {  	_ =	swait.ge [sflag:s21], $0x50  }
0x6a: {  	[sflag:s21] =	ssyncset.done $0x0  }
0x6b: {  	[sflag:s21] =	ssyncadd.s32 $0xFFFFFFB0  }
0x6c: {  	[tilespmem:s28], [sflag:$0x3] =	stream.indirect.gather [hbm4b:s1+s22], $0x40, s25, s22, $0xb8;
	[tilespmem:$0x19140] =	vst v63  }
0x6d: {  	_ = 	snop  }
0x6e: {  	[tilespmem:s29], [sflag:$0x4] =	stream.indirect.gather [hbm4b:s8+s22], $0x40, s26, s22, $0xb8;
	[tilespmem:$0x19140] =	vst v63  }
0x6f: {  	_ =	swait.ge [sflag:s30], $0x1400  }
0x70: {  	[sflag:s30] =	ssyncset.done $0x0  }
0x71: {  	[sflag:s30] =	ssyncadd.s32 $0xFFFFEC00  }
0x72: {  	[spmem:s2] =	stream.indirect.scatter.add.f32 [tilespmem:s23], [sflag:$0x5], $0x40, s22, s22, $0xb8;
	[tilespmem:$0x19140] =	vst v63  }
0x73: {  	_ =	swait.ge [sflag:s21], $0x1400  }
0x74: {  	[sflag:s21] =	ssyncset.done $0x0  }
0x75: {  	[sflag:s21] =	ssyncadd.s32 $0xFFFFEC00  }
0x76: {  	_ =	swait.ge [sflag:s31], $0x1400  }
0x77: {  	[sflag:s31] =	ssyncset.done $0x0  }
0x78: {  	[sflag:s31] =	ssyncadd.s32 $0xFFFFEC00  }
0x79: {  	[spmem:s4] =	stream.indirect.scatter.add.f32 [tilespmem:s24], [sflag:$0x5], $0x40, s5, s22, $0xb8;
	[tilespmem:$0x19140] =	vst v63  }
0x7a: {  	_ =	swait.ge [sflag:s21], $0x1400  }
0x7b: {  	s9 =	sshrl.u32 s13, $0x3;
	[sflag:s21] =	ssyncset.done $0x0  }
0x7c: {  	s15 =	sadd.s32 s6, s9;
	[sflag:s21] =	ssyncadd.s32 $0xFFFFEC00  }
0x7d: {  	[tilespmem:s5], [sflag:$0x5] =	stream.linear.gather [hbm4b:s15+s5], $0x50, $0x38;
	[tilespmem:$0x19140] =	vst v63  }
0x7e: {  	_ =	swait.ge [sflag:s21], $0x50  }
0x7f: {  	[sflag:s21] =	ssyncset.done $0x0  }
0x80: {  	s9 =	sadd.s32 s7, s9;
	[sflag:s21] =	ssyncadd.s32 $0xFFFFFFB0  }
0x81: {  	[tilespmem:s22], [sflag:$0x5] =	stream.linear.gather [hbm4b:s9+s5], $0x50, $0x38;
	[tilespmem:$0x19140] =	vst v63  }
0x82: {  	_ =	swait.ge [sflag:s21], $0x50  }
0x83: {  	[sflag:s21] =	ssyncset.done $0x0  }
0x84: {  	[sflag:s21] =	ssyncadd.s32 $0xFFFFFFB0  }
0x85: {  	[tilespmem:s23], [sflag:$0x1] =	stream.indirect.gather [hbm4b:s1+s22], $0x40, s5, s22, $0xb8;
	[tilespmem:$0x19140] =	vst v63  }
0x86: {  	_ = 	snop  }
0x87: {  	[tilespmem:s24], [sflag:$0x2] =	stream.indirect.gather [hbm4b:s8+s22], $0x40, s22, s22, $0xb8;
	[tilespmem:$0x19140] =	vst v63  }
0x88: {  	_ =	swait.ge [sflag:s0], $0x1400  }
0x89: {  	[sflag:s0] =	ssyncset.done $0x0  }
0x8a: {  	[sflag:s0] =	ssyncadd.s32 $0xFFFFEC00  }
0x8b: {  	[spmem:s2] =	stream.indirect.scatter.add.f32 [tilespmem:s28], [sflag:$0x5], $0x40, s26, s22, $0xb8;
	[tilespmem:$0x19140] =	vst v63  }
0x8c: {  	_ =	swait.ge [sflag:s21], $0x1400  }
0x8d: {  	[sflag:s21] =	ssyncset.done $0x0  }
0x8e: {  	[sflag:s21] =	ssyncadd.s32 $0xFFFFEC00  }
0x8f: {  	_ =	swait.ge [sflag:s3], $0x1400  }
.Ltmp0:
0x90: {  	[sflag:s3] =	ssyncset.done $0x0;
	(pc) =	sbr.rel @p0 .LBB2_2-.Ltmp0, $4  }
0x91: {  	[sflag:s3] =	ssyncadd.s32 $0xFFFFEC00  }
0x92: {  	[spmem:s4] =	stream.indirect.scatter.add.f32 [tilespmem:s29], [sflag:$0x5], $0x40, s25, s22, $0xb8;
	[tilespmem:$0x19140] =	vst v63  }
0x93: {  	_ =	swait.ge [sflag:s21], $0x1400  }
0x94: {  	s13 =	sadd.s32 $0xA0, s13;
	s15 =	smov.u32 s16;
	[sflag:s21] =	ssyncset.done $0x0  }
0x95: {  	s9 =	sadd.s32 s14, s19;
	[sflag:s21] =	ssyncadd.s32 $0xFFFFEC00  }
0x96: {  	[tilespmem:s25], [sflag:$0x5] =	stream.linear.gather [hbm4b:s9+s5], $0x50, $0x38;
	[tilespmem:$0x19140] =	vst v63  }
0x97: {  	_ =	swait.ge [sflag:s21], $0x50  }
0x98: {  	[sflag:s21] =	ssyncset.done $0x0  }
0x99: {  	s17 =	sadd.s32 s14, s18;
	[sflag:s21] =	ssyncadd.s32 $0xFFFFFFB0  }
0x9a: {  	[tilespmem:s26], [sflag:$0x5] =	stream.linear.gather [hbm4b:s17+s5], $0x50, $0x38;
	[tilespmem:$0x19140] =	vst v63  }
0x9b: {  	_ =	swait.ge [sflag:s21], $0x50  }
0x9c: {  	[sflag:s21] =	ssyncset.done $0x0  }
0x9d: {  	[sflag:s21] =	ssyncadd.s32 $0xFFFFFFB0  }
0x9e: {  	[tilespmem:s28], [sflag:$0x3] =	stream.indirect.gather [hbm4b:s1+s22], $0x40, s25, s22, $0xb8;
	[tilespmem:$0x19140] =	vst v63  }
0x9f: {  	_ = 	snop  }
0xa0: {  	[tilespmem:s29], [sflag:$0x4] =	stream.indirect.gather [hbm4b:s8+s22], $0x40, s26, s22, $0xb8;
	[tilespmem:$0x19140] =	vst v63  }
0xa1: {  	_ =	swait.ge [sflag:s30], $0x1400  }
0xa2: {  	[sflag:s30] =	ssyncset.done $0x0  }
0xa3: {  	[sflag:s30] =	ssyncadd.s32 $0xFFFFEC00  }
0xa4: {  	[spmem:s2] =	stream.indirect.scatter.add.f32 [tilespmem:s23], [sflag:$0x5], $0x40, s22, s22, $0xb8;
	[tilespmem:$0x19140] =	vst v63  }
0xa5: {  	_ =	swait.ge [sflag:s21], $0x1400  }
0xa6: {  	[sflag:s21] =	ssyncset.done $0x0  }
0xa7: {  	[sflag:s21] =	ssyncadd.s32 $0xFFFFEC00  }
0xa8: {  	_ =	swait.ge [sflag:s31], $0x1400  }
0xa9: {  	[sflag:s31] =	ssyncset.done $0x0  }
0xaa: {  	[sflag:s31] =	ssyncadd.s32 $0xFFFFEC00  }
0xab: {  	[spmem:s4] =	stream.indirect.scatter.add.f32 [tilespmem:s24], [sflag:$0x5], $0x40, s5, s22, $0xb8;
	[tilespmem:$0x19140] =	vst v63  }
0xac: {  	_ =	swait.ge [sflag:s21], $0x1400  }
0xad: {  	s14 =	sshrl.u32 s13, $0x3;
	[sflag:s21] =	ssyncset.done $0x0  }
0xae: {  	s13 =	sadd.s32 s6, s14;
	[sflag:s21] =	ssyncadd.s32 $0xFFFFEC00  }
0xaf: {  	[tilespmem:s5], [sflag:$0x5] =	stream.linear.gather [hbm4b:s13+s5], $0x50, $0x38;
	[tilespmem:$0x19140] =	vst v63  }
0xb0: {  	_ =	swait.ge [sflag:s21], $0x50  }
0xb1: {  	[sflag:s21] =	ssyncset.done $0x0  }
0xb2: {  	s9 =	sadd.s32 s7, s14;
	[sflag:s21] =	ssyncadd.s32 $0xFFFFFFB0  }
0xb3: {  	[tilespmem:s22], [sflag:$0x5] =	stream.linear.gather [hbm4b:s9+s5], $0x50, $0x38;
	[tilespmem:$0x19140] =	vst v63  }
0xb4: {  	_ =	swait.ge [sflag:s21], $0x50  }
0xb5: {  	[sflag:s21] =	ssyncset.done $0x0  }
0xb6: {  	[sflag:s21] =	ssyncadd.s32 $0xFFFFFFB0  }
0xb7: {  	[tilespmem:s23], [sflag:$0x1] =	stream.indirect.gather [hbm4b:s1+s22], $0x40, s5, s22, $0xb8;
	[tilespmem:$0x19140] =	vst v63  }
0xb8: {  	_ = 	snop  }
0xb9: {  	[tilespmem:s24], [sflag:$0x2] =	stream.indirect.gather [hbm4b:s8+s22], $0x40, s22, s22, $0xb8;
	[tilespmem:$0x19140] =	vst v63  }
0xba: {  	_ =	swait.ge [sflag:s0], $0x1400  }
0xbb: {  	[sflag:s0] =	ssyncset.done $0x0  }
0xbc: {  	[sflag:s0] =	ssyncadd.s32 $0xFFFFEC00  }
0xbd: {  	[spmem:s2] =	stream.indirect.scatter.add.f32 [tilespmem:s28], [sflag:$0x5], $0x40, s26, s22, $0xb8;
	[tilespmem:$0x19140] =	vst v63  }
0xbe: {  	_ =	swait.ge [sflag:s21], $0x1400  }
0xbf: {  	[sflag:s21] =	ssyncset.done $0x0  }
0xc0: {  	[sflag:s21] =	ssyncadd.s32 $0xFFFFEC00  }
0xc1: {  	_ =	swait.ge [sflag:s3], $0x1400  }
0xc2: {  	[sflag:s3] =	ssyncset.done $0x0  }
0xc3: {  	[sflag:s3] =	ssyncadd.s32 $0xFFFFEC00  }
0xc4: {  	[spmem:s4] =	stream.indirect.scatter.add.f32 [tilespmem:s29], [sflag:$0x5], $0x40, s25, s22, $0xb8;
	[tilespmem:$0x19140] =	vst v63  }
0xc5: {  	_ =	swait.ge [sflag:s21], $0x1400  }
0xc6: {  	[sflag:s21] =	ssyncset.done $0x0  }
0xc7: {  	[sflag:s21] =	ssyncadd.s32 $0xFFFFEC00  }
0xc8: {  	_ =	swait.ge [sflag:s30], $0x1400  }
0xc9: {  	[sflag:s30] =	ssyncset.done $0x0  }
0xca: {  	[sflag:s30] =	ssyncadd.s32 $0xFFFFEC00  }
0xcb: {  	[spmem:s2] =	stream.indirect.scatter.add.f32 [tilespmem:s23], [sflag:$0x5], $0x40, s22, s22, $0xb8;
	[tilespmem:$0x19140] =	vst v63  }
0xcc: {  	_ =	swait.ge [sflag:s21], $0x1400  }
0xcd: {  	[sflag:s21] =	ssyncset.done $0x0  }
0xce: {  	[sflag:s21] =	ssyncadd.s32 $0xFFFFEC00  }
0xcf: {  	_ =	swait.ge [sflag:s31], $0x1400  }
0xd0: {  	[sflag:s31] =	ssyncset.done $0x0  }
0xd1: {  	[sflag:s31] =	ssyncadd.s32 $0xFFFFEC00  }
0xd2: {  	[spmem:s4] =	stream.indirect.scatter.add.f32 [tilespmem:s24], [sflag:$0x5], $0x40, s5, s22, $0xb8;
	[tilespmem:$0x19140] =	vst v63  }
0xd3: {  	_ =	swait.ge [sflag:s21], $0x1400  }
0xd4: {  	[sflag:s21] =	ssyncset.done $0x0  }
0xd5: {  	[sflag:s21] =	ssyncadd.s32 $0xFFFFEC00  }
0xd6: {  	[bflag:$0x0] =	sbarrier.arrive $0xFFFF  }
0xd7: {  	s15 =	rddreg [dreg:$0x9]  }
0xd8: {  	[hbm:s15], [sflag:s10] =	dma.local [spmem:s20], $0x1400  }
0xd9: {  	_ =	swait.ge [sflag:s21], $0x1400  }
0xda: {  	[sflag:s21] =	ssyncset.done $0x0  }
0xdb: {  	s16 =	rddreg [dreg:$0xa];
	[sflag:s21] =	ssyncadd.s32 $0xFFFFEC00  }
0xdc: {  	[hbm:s16], [sflag:s10] =	dma.local [spmem:s12], $0x1400  }
0xdd: {  	_ =	swait.ge [sflag:s21], $0x1400  }
0xde: {  	s11 =	sadd.s32 $0x1, s11;
	s17 =	rddreg [dreg:$0xb]  }
0xdf: {  	p0 =	sne.s32 s11, s17  }
.Ltmp1:
0xe0: {  	_ = 	snop;
	(pc) =	sbr.rel @p0 .LBB2_1-.Ltmp1, $3  }
0xe1: {  	_ =	sdelay $0x1  }
0xe2: {  	[sflag:s21] =	ssyncset.done $0x0  }
0xe3: {  	[sflag:s21] =	ssyncadd.s32 $0xFFFFEC00  }
0xe4: {  	_ =	sfence.sel $0x180000  }
0xe5: {  	[bflag:$0x0] =	sbarrier.arrive $0xFFFF  }
0xe6: {  	_ =	strace $0x9000004A  }
0xe7: {  	s0 =	stileid.u32;
	[bflag:$0x2] =	sbarrier.arrive $0xFFFF  }
0xe8: {  	p0 =	sne.s32 s0, $0x0;
	s0 =	rddreg [dreg:$0x4]  }
0xe9: {  	s0 =	sadd.s32 @!p0 $0x100000, s0  }
0xea: {  	[sflag:s0] =	ssyncadd.tile.s32 @!p0 $0x1;
	_ =	shalt  }
.Lfunc_end2:
_tile_overlayer_lowered:
.L_overlay_start_2:
0xeb: {  	(tag) =	ssettag $0x2  }
0xec: {  	s0 =	rddreg [dreg:$0x0];
	s2 =	stileid.u32  }
0xed: {  	s1 =	rddreg [dreg:$0x1];
	p0 =	sne.s32 s2, $0x0  }
0xee: {  	s3 =	rddreg [dreg:$0x2];
	[bflag:$0x3] =	sbarrier.arrive $0xFFFF;
	s2 =	simm.s32 @!p0 $0x1C05  }
0xef: {  	[timem:s3], [sflag:s2] =	dma.local @!p0 [hbm:s0], s1  }
0xf0: {  	s0 =	simm.s32 @!p0 $0x5  }
0xf1: {  	_ =	swait.ge @!p0 [sflag:s0], s1  }
0xf2: {  	s1 =	ssub.s32 @!p0 $0x0, s1;
	[sflag:s0] =	ssyncset.done @!p0 $0x0  }
0xf3: {  	[sflag:s0] =	ssyncadd.s32 @!p0 s1  }
0xf4: {  	[bflag:$0x3] =	sbarrier.arrive $0xFFFF  }
0xf5: {  	_ =	shalt  }

// kernel: kernel.15.cloned.1.call-start
scs
__scs_entry_jumppad:
0x0: {  	(pc) =	sbr.rel $0x88, $3  }
0x1: {  	(tag) =	ssettag $0x0;
	lr =	simm.s32 $0x1  }
0x2: {  	[smem:$0x3F92] =	sst lr;
	_ =	strace $0xD0000000  }
0x3: {  	_ = 	snop  }
0x4: {  	_ = 	snop  }
0x5: {  	_ = 	snop  }
0x6: {  	_ = 	snop  }
0x7: {  	_ = 	snop  }
__scs_overlays_trampoline_lowered:
0x8: {  	[smem:$0x3FA1] =	sst s0  }
0x9: {  	[smem:$0x3FA2] =	sst s1  }
0xa: {  	[smem:$0x3FA3] =	sst s2  }
0xb: {  	[smem:$0x3FA4] =	sst s3  }
0xc: {  	[smem:$0x3FA5] =	sst s4  }
0xd: {  	[smem:$0x3FA6] =	sst s5  }
0xe: {  	[smem:$0x3FA7] =	sst s6  }
0xf: {  	[smem:$0x3FA8] =	sst s7  }
0x10: {  	[smem:$0x3FA9] =	sst s8  }
0x11: {  	[smem:$0x3FAA] =	sst s9;
	s0 =	simm.s32 @!p0 $0x0  }
0x12: {  	s1 =	sld [smem:$0x3F90];
	s0 =	simm.s32 @p0 $0x1  }
0x13: {  	[smem:$0x3FAB] =	sst s0;
	s0 =	simm.s32 @!p1 $0x0  }
0x14: {  	s2 =	sld [smem:$0x3F8F];
	s0 =	simm.s32 @p1 $0x1  }
0x15: {  	[smem:$0x3FAC] =	sst s0;
	s0 =	simm.s32 @!p2 $0x0  }
0x16: {  	s3 =	sld [smem:$0x3FDB];
	s0 =	simm.s32 @p2 $0x1  }
0x17: {  	s4 =	simm.s32 $0x1BF5;
	[smem:$0x3FAE] =	sst s0  }
0x18: {  	s0 =	sld [smem:$0x3F91];
	_ =	swait.ge [sflag:s4], $0x0  }
0x19: {  	s7 =	sld [smem:$0x3F92]  }
0x1a: {  	s8 =	sadd.s32 $0xFFFFE003, lr  }
0x1b: {  	s9 =	sadd.s32 $0xFFFFFEF7, lr;
	s5 =	simm.s32 $0xFFFFFFFF;
	p2 =	slt.u32 s8, $0xFFFFF086  }
0x1c: {  	p1 =	slt.u32 s9, $0xF7A;
	s5 =	simm.s32 @!p2 $0x0  }
0x1d: {  	s5 =	simm.s32 @p1 $0x1;
	p0 =	seq.s32 s7, s2  }
0x1e: {  	s7 =	smul.u32 @!p0 $0xF7A, s2;
	p2 =	seq.s32 @!p0 s5, $0x0  }
0x1f: {  	s9 =	smul.u32 $0xF7A, s1;
	s8 =	simm.s32 @!p0 $0x1BF5;
	p2 =	por !p2, p0  }
0x20: {  	[sflag:s8] =	ssyncset.s32 @!p0 $0xFFFFF086;
	s6 =	sadd.s32 @!p0 s3, s7;
	s7 =	simm.s32 @!p0 $0x108  }
0x21: {  	s3 =	sadd.s32 s3, s9;
	s6 =	sadd.s32 @!p0 $0x88, s6;
	s7 =	simm.s32 @p2 $0x1082  }
0x22: {  	[simem:s7], [sflag:s8] =	dma.local @!p0 [hbm:s6], $0xF7A  }
0x23: {  	s9 =	sor.u32 $0xD0000000, s2;
	s6 =	simm.s32 $0x108;
	_ =	swait.ge @!p0 [sflag:s8], $0x0  }
0x24: {  	s3 =	sadd.s32 $0x88, s3;
	s6 =	simm.s32 @!p1 $0x1082;
	[sflag:s4] =	ssyncset.s32 $0xFFFFF086  }
0x25: {  	[simem:s6], [sflag:s4] =	dma.local [hbm:s3], $0xF7A  }
0x26: {  	[smem:$0x3F92] =	sst s1;
	(tag) =	ssettag s2;
	_ =	strace s9  }
0x27: {  	s1 =	sld [smem:$0x3FA2]  }
0x28: {  	s2 =	sld [smem:$0x3FA3]  }
0x29: {  	s4 =	sld [smem:$0x3FA5]  }
0x2a: {  	p0 =	seq.s32 s5, $0x0;
	s5 =	sld [smem:$0x3FA6]  }
0x2b: {  	s6 =	sld [smem:$0x3FA7]  }
0x2c: {  	s7 =	sld [smem:$0x3FA8]  }
0x2d: {  	s3 =	simm.s32 $0x108;
	s8 =	sld [smem:$0x3FA9]  }
0x2e: {  	s3 =	simm.s32 @!p0 $0x1082;
	s9 =	sld [smem:$0x3FAA]  }
0x2f: {  	lr =	sadd.s32 s0, s3;
	s0 =	sld [smem:$0x3FA1]  }
0x30: {  	s3 =	sld [smem:$0x3FA4]  }
0x31: {  	[smem:$0x3FAD] =	sst s10  }
0x32: {  	s10 =	sld [smem:$0x3FAB];
	_ =	sdelay $0x3  }
0x33: {  	p0 =	seq.s32 s10, $0x1;
	s10 =	sld [smem:$0x3FAD];
	_ =	sdelay $0x3  }
0x34: {  	[smem:$0x3FAD] =	sst s10  }
0x35: {  	s10 =	sld [smem:$0x3FAC];
	_ =	sdelay $0x3  }
0x36: {  	p1 =	seq.s32 s10, $0x1;
	s10 =	sld [smem:$0x3FAD];
	_ =	sdelay $0x3  }
0x37: {  	[smem:$0x3FAD] =	sst s10  }
0x38: {  	s10 =	sld [smem:$0x3FAE]  }
0x39: {  	_ = 	snop;
	(pc) =	sbr.ind lr, $3  }
0x3a: {  	_ = 	snop  }
0x3b: {  	_ = 	snop  }
0x3c: {  	p2 =	seq.s32 s10, $0x1;
	s10 =	sld [smem:$0x3FAD]  }
0x3d: {  	_ =	shalt  }
0x3e: {  	_ =	shalt  }
0x3f: {  	_ =	shalt  }
0x40: {  	_ =	shalt  }
0x41: {  	_ =	shalt  }
0x42: {  	_ =	shalt  }
0x43: {  	_ =	shalt  }
0x44: {  	_ =	shalt  }
0x45: {  	_ =	shalt  }
0x46: {  	_ =	shalt  }
0x47: {  	_ =	shalt  }
0x48: {  	_ =	shalt  }
0x49: {  	_ =	shalt  }
0x4a: {  	_ =	shalt  }
0x4b: {  	_ =	shalt  }
0x4c: {  	_ =	shalt  }
0x4d: {  	_ =	shalt  }
0x4e: {  	_ =	shalt  }
0x4f: {  	_ =	shalt  }
0x50: {  	_ =	shalt  }
0x51: {  	_ =	shalt  }
0x52: {  	_ =	shalt  }
0x53: {  	_ =	shalt  }
0x54: {  	_ =	shalt  }
0x55: {  	_ =	shalt  }
0x56: {  	_ =	shalt  }
0x57: {  	_ =	shalt  }
0x58: {  	_ =	shalt  }
0x59: {  	_ =	shalt  }
0x5a: {  	_ =	shalt  }
0x5b: {  	_ =	shalt  }
0x5c: {  	_ =	shalt  }
0x5d: {  	_ =	shalt  }
0x5e: {  	_ =	shalt  }
0x5f: {  	_ =	shalt  }
0x60: {  	_ =	shalt  }
0x61: {  	_ =	shalt  }
0x62: {  	_ =	shalt  }
0x63: {  	_ =	shalt  }
0x64: {  	_ =	shalt  }
0x65: {  	_ =	shalt  }
0x66: {  	_ =	shalt  }
0x67: {  	_ =	shalt  }
0x68: {  	_ =	shalt  }
0x69: {  	_ =	shalt  }
0x6a: {  	_ =	shalt  }
0x6b: {  	_ =	shalt  }
0x6c: {  	_ =	shalt  }
0x6d: {  	_ =	shalt  }
0x6e: {  	_ =	shalt  }
0x6f: {  	_ =	shalt  }
0x70: {  	_ =	shalt  }
0x71: {  	_ =	shalt  }
0x72: {  	_ =	shalt  }
0x73: {  	_ =	shalt  }
0x74: {  	_ =	shalt  }
0x75: {  	_ =	shalt  }
0x76: {  	_ =	shalt  }
0x77: {  	_ =	shalt  }
0x78: {  	_ =	shalt  }
0x79: {  	_ =	shalt  }
0x7a: {  	_ =	shalt  }
0x7b: {  	_ =	shalt  }
0x7c: {  	_ =	shalt  }
0x7d: {  	_ =	shalt  }
0x7e: {  	_ =	shalt  }
0x7f: {  	_ =	shalt  }
0x80: {  	_ =	shalt  }
0x81: {  	_ =	shalt  }
0x82: {  	_ =	shalt  }
0x83: {  	_ =	shalt  }
0x84: {  	_ =	shalt  }
0x85: {  	_ =	shalt  }
0x86: {  	_ =	shalt  }
0x87: {  	_ =	shalt  }
.Lfunc_end0:
.L_simem_size_0:
called_computation.2_lowered:
.L_overlay_start_0:
0x88: {  	s2 =	sld [smem:$0x3FD9]  }
0x89: {  	s3 =	sld [smem:$0x3FFE];
	_ =	sdelay $0x1  }
0x8a: {  	s1 =	srdreg.scid  }
0x8b: {  	s0 =	sand.u32 $0x1, s1  }
0x8c: {  	s17 =	sshll.u32 s0, $0xA;
	s2 =	sadd.s32 s3, s2  }
0x8d: {  	s2 =	sadd.s32 s2, s17  }
0x8e: {  	[smem:$0x3FB9] =	sst s2  }
0x8f: {  	_ = 	snop  }
0x90: {  	s2 =	sld [smem:$0x3FD0];
	(tm) =	ssettm $0x1  }
0x91: {  	s18 =	sld [smem:$0x3FFB];
	_ =	sdelay $0x3  }
0x92: {  	_ =	strace s18  }
0x93: {  	s3 =	sld [smem:$0x3FFC];
	_ =	sdelay $0x3  }
0x94: {  	_ =	strace s3  }
0x95: {  	s3 =	sld [smem:$0x3FFD];
	_ =	sdelay $0x3  }
0x96: {  	_ =	strace s3  }
0x97: {  	_ =	strace $0x8FFFFFFF  }
0x98: {  	s19 =	sld [smem:$0x3FDB];
	_ =	sdelay $0x1  }
0x99: {  	s4 =	simm.s32 $_scs_section_size  }
0x9a: {  	s5 =	simm.s32 $_size__tile_overlayer_lowered;
	s6 =	simm.s32 $_tile_overlayer_lowered  }
0x9b: {  	s22 =	simm.s32 $0x1BFF;
	s21 =	sshll.u32 s6, $0x1;
	s3 =	sadd.s32 s4, s19  }
0x9c: {  	s7 =	simm.s32 $0x0;
	s20 =	sshll.u32 s5, $0x1;
	s5 =	sadd.s32 s21, s3  }
0x9d: {  	[timem:s7], [sflag:s22] =	dma.local [hbm:s5], s20  }
0x9e: {  	_ =	swait.ge [sflag:s22], s20  }
0x9f: {  	s4 =	ssub.s32 $0x0, s20;
	[sflag:s22] =	ssyncset.done $0x0  }
0xa0: {  	[sflag:s22] =	ssyncadd.s32 s4;
	_ =	sdelay $0x1  }
0xa1: {  	s23 =	simm.s32 $0x1B8B  }
0xa2: {  	_ =	swait.ge [sflag:s23], $0x1  }
0xa3: {  	[sflag:s23] =	ssyncset.done $0x0  }
0xa4: {  	s25 =	simm.s32 $0x1B8E;
	s24 =	sld [smem:$0x3FFE];
	[sflag:s23] =	ssyncadd.s32 $0xFFFFFFFF  }
0xa5: {  	s26 =	simm.s32 $execute0_lowered;
	[smem:$0x3FD2] =	sst s25  }
0xa6: {  	s5 =	sshll.u32 s26, $0x1;
	_ =	strace $0x8000004C;
	[dreg:$0x1] =	wrdreg $0xFFFFFFFF  }
0xa7: {  	s28 =	simm.s32 $_size_execute0_lowered;
	s3 =	sadd.s32 s3, s5;
	[dreg:$0x0] =	wrdreg $0x0  }
0xa8: {  	s5 =	sshll.u32 s28, $0x1;
	[dreg:$0x2] =	wrdreg s3  }
0xa9: {  	[dreg:$0x3] =	wrdreg s5  }
0xaa: {  	[dreg:$0x4] =	wrdreg $0xC0  }
0xab: {  	_ =	task [dreg:s7], $0x5FFFF  }
0xac: {  	[dreg:$0x1] =	wrdreg $0xFFFFFFFF  }
0xad: {  	[dreg:$0x0] =	wrdreg $0x60  }
0xae: {  	[dreg:$0x2] =	wrdreg s24  }
0xaf: {  	[dreg:$0x3] =	wrdreg s2  }
0xb0: {  	[dreg:$0x4] =	wrdreg $0x51400  }
0xb1: {  	[dreg:$0x5] =	wrdreg $0xF1400  }
0xb2: {  	[dreg:$0x6] =	wrdreg $0x9  }
0xb3: {  	_ =	task.clear_ibuf [dreg:s7], $0x7FFFF;
	_ =	strace $0x9000004C  }
0xb4: {  	s29 =	simm.s32 $0x9;
	_ =	strace $0x8000004E  }
0xb5: {  	_ =	swait.ge [sflag:s29], $0x1  }
0xb6: {  	[sflag:s29] =	ssyncadd.s32 $0xFFFFFFFF  }
0xb7: {  	_ =	strace $0x9000004E  }
0xb8: {  	_ =	sfence  }
0xb9: {  	s30 =	sld [smem:$0x0];
	_ =	sdelay $0x2  }
0xba: {  	s31 =	sshll.u32 s1, $0xD;
	s1 =	sshrl.u32 s1, $0x2  }
0xbb: {  	s3 =	sand.u32 $0x4000, s31;
	s1 =	sadd.s32 s1, s30  }
0xbc: {  	s0 =	sor.u32 s3, s0;
	s1 =	sshll.u32 s1, $0x11  }
0xbd: {  	s0 =	sor.u32 s1, s0  }
0xbe: {  	s0 =	sadd.s32 $0x8F2B, s0  }
0xbf: {  	[sflag:s0] =	ssyncadd.remote.s32 $0x1  }
0xc0: {  	_ =	sfence.sel $0xFFFF  }
0xc1: {  	[dreg:$0x0] =	wrdreg $0xFFFFFFFF;
	(pc) =	sbr.abs _section_cstart, $3  }
0xc2: {  	[dreg:$0x1] =	wrdreg $0xFFFFFFFF  }
0xc3: {  	_ =	task.clear_ibuf [dreg:s7], $0x2FFFF;
	_ =	strace $0x9FFFFFFF  }
0xc4: {  	(tm) =	ssettm $0x7FFFFFFF  }
0xc5: {  	_ =	shalt  }
tec
execute0_lowered:
.L_overlay_start_1:
0x0: {  	(tag) =	ssettag $0x1  }
0x1: {  	s0 =	rddreg [dreg:$0x0]  }
0x2: {  	s1 =	rddreg [dreg:$0x1]  }
0x3: {  	s2 =	rddreg [dreg:$0x2]  }
0x4: {  	s4 =	rddreg [dreg:$0x3];
	s5 =	simm.s32 $0x0;
	s3 =	srdreg.scid  }
0x5: {  	s15 =	stileid.u32;
	s28 =	simm.s32 $0x2940;
	s29 =	simm.s32 $0x3D40  }
0x6: {  	s30 =	simm.s32 $0x1;
	s31 =	simm.s32 $0x2;
	[smem:$0x7FF] =	sst s5  }
0x7: {  	s3 =	sand.u32 $0x1, s3;
	s9 =	smul.u32 $0x280, s15;
	s6 =	sadd.s32 $0xF200, s0  }
0x8: {  	s7 =	sadd.s32 $0x5400, s0;
	s8 =	sadd.s32 $0x6A400, s0;
	s12 =	smul.u32 $0xA000, s15  }
0x9: {  	s11 =	sshll.u32 s15, $0x1;
	s18 =	sadd.s32 $0x41000, s0;
	s13 =	smul.u32 $0x4E20, s15  }
0xa: {  	s15 =	sshll.u32 s15, $0x6;
	_ =	strace $0x8000004D;
	s10 =	smul.u32 $0x2800, s3  }
0xb: {  	s11 =	sor.u32 s3, s11;
	s19 =	ssub.s32 $0x2, s3;
	s3 =	smul.u32 $0x2710, s3  }
0xc: {  	[dreg:$0x5] =	wrdreg s18;
	s11 =	smul.u32 $0x2710, s11;
	s14 =	sshrl.u32 s19, $0x1  }
0xd: {  	s16 =	sadd.s32 s12, s2;
	s20 =	sadd.s32 s12, s4;
	s10 =	sadd.s32 s9, s10  }
0xe: {  	s14 =	ssub.s32 s19, s14;
	[dreg:$0x6] =	wrdreg s20;
	s3 =	sadd.s32 s3, s13  }
0xf: {  	s20 =	sshrl.u32 s16, $0x3;
	s10 =	sshll.u32 s10, $0x3;
	s11 =	sshrl.u32 s11, $0x3  }
0x10: {  	s23 =	sadd.s32 $0x50, s3;
	s26 =	smax.u32 s14, $0x1;
	s3 =	sadd.s32 $0xA0, s3  }
0x11: {  	s0 =	sadd.s32 s10, s0;
	s10 =	sor.u32 $0x1C05, s15;
	s21 =	sadd.s32 s6, s11  }
0x12: {  	s22 =	sadd.s32 s7, s11;
	s25 =	sshrl.u32 s23, $0x3;
	[dreg:$0xb] =	wrdreg s26  }
0x13: {  	[dreg:$0xc] =	wrdreg s3;
	s23 =	simm.s32 $0xA0;
	s26 =	simm.s32 $0x28F0  }
0x14: {  	s3 =	simm.s32 $0x4;
	s11 =	simm.s32 $0x0;
	[dreg:$0x7] =	wrdreg s21  }
0x15: {  	[dreg:$0x8] =	wrdreg s22;
	s24 =	sadd.s32 $0x146C00, s0;
	s0 =	sadd.s32 $0x7E400, s0  }
0x16: {  	s18 =	sadd.s32 s25, s7;
	s19 =	sadd.s32 s25, s6;
	s21 =	simm.s32 $0x5  }
0x17: {  	s22 =	simm.s32 $0x50;
	s25 =	simm.s32 $0x28A0;
	[dreg:$0x9] =	wrdreg s24  }
0x18: {  	[dreg:$0xa] =	wrdreg s0;
	s24 =	simm.s32 $0x14A0;
	s0 =	simm.s32 $0x3  }
.LBB2_1:
0x19: {  	s9 =	rddreg [dreg:$0x5]  }
0x1a: {  	[spmem:s20], [sflag:s10] =	dma.local [hbm:s9], $0x1400  }
0x1b: {  	_ =	swait.ge [sflag:s21], $0x1400  }
0x1c: {  	[sflag:s21] =	ssyncset.done $0x0;
	s12 =	rddreg [dreg:$0x6]  }
0x1d: {  	[sflag:s21] =	ssyncadd.s32 $0xFFFFEC00;
	s12 =	sshrl.u32 s12, $0x3  }
0x1e: {  	[spmem:s12], [sflag:s10] =	dma.local [hbm:s9], $0x1400  }
0x1f: {  	_ =	swait.ge [sflag:s21], $0x1400  }
0x20: {  	[sflag:s21] =	ssyncset.done $0x0  }
0x21: {  	[sflag:s21] =	ssyncadd.s32 $0xFFFFEC00  }
0x22: {  	[bflag:$0x0] =	sbarrier.arrive $0xFFFF  }
0x23: {  	s13 =	rddreg [dreg:$0x7]  }
0x24: {  	[tilespmem:s5], [sflag:$0x5] =	stream.linear.gather [hbm4b:s13+s5], $0x50, $0x38;
	[tilespmem:$0x19140] =	vst v63  }
0x25: {  	_ =	swait.ge [sflag:s21], $0x50  }
0x26: {  	[sflag:s21] =	ssyncset.done $0x0  }
0x27: {  	s14 =	rddreg [dreg:$0x8];
	[sflag:s21] =	ssyncadd.s32 $0xFFFFFFB0  }
0x28: {  	[tilespmem:s22], [sflag:$0x5] =	stream.linear.gather [hbm4b:s14+s5], $0x50, $0x38;
	[tilespmem:$0x19140] =	vst v63  }
0x29: {  	_ =	swait.ge [sflag:s21], $0x50  }
0x2a: {  	[sflag:s21] =	ssyncset.done $0x0  }
0x2b: {  	[sflag:s21] =	ssyncadd.s32 $0xFFFFFFB0  }
0x2c: {  	[tilespmem:s23], [sflag:$0x1] =	stream.indirect.gather [hbm4b:s1+s22], $0x40, s5, s22, $0xb8;
	[tilespmem:$0x19140] =	vst v63  }
0x2d: {  	_ = 	snop  }
0x2e: {  	[tilespmem:s24], [sflag:$0x2] =	stream.indirect.gather [hbm4b:s8+s22], $0x40, s22, s22, $0xb8;
	[tilespmem:$0x19140] =	vst v63  }
0x2f: {  	s13 =	sadd.s32 $0x0, s19  }
0x30: {  	[tilespmem:s25], [sflag:$0x5] =	stream.linear.gather [hbm4b:s13+s5], $0x50, $0x38;
	[tilespmem:$0x19140] =	vst v63  }
0x31: {  	_ =	swait.ge [sflag:s21], $0x50  }
0x32: {  	[sflag:s21] =	ssyncset.done $0x0  }
0x33: {  	s15 =	sadd.s32 $0x0, s18;
	[sflag:s21] =	ssyncadd.s32 $0xFFFFFFB0  }
0x34: {  	[tilespmem:s26], [sflag:$0x5] =	stream.linear.gather [hbm4b:s15+s5], $0x50, $0x38;
	[tilespmem:$0x19140] =	vst v63  }
0x35: {  	_ =	swait.ge [sflag:s21], $0x50  }
0x36: {  	[sflag:s21] =	ssyncset.done $0x0  }
0x37: {  	[sflag:s21] =	ssyncadd.s32 $0xFFFFFFB0  }
0x38: {  	[tilespmem:s28], [sflag:$0x3] =	stream.indirect.gather [hbm4b:s1+s22], $0x40, s25, s22, $0xb8;
	[tilespmem:$0x19140] =	vst v63  }
0x39: {  	_ = 	snop  }
0x3a: {  	[tilespmem:s29], [sflag:$0x4] =	stream.indirect.gather [hbm4b:s8+s22], $0x40, s26, s22, $0xb8;
	[tilespmem:$0x19140] =	vst v63  }
0x3b: {  	_ =	swait.ge [sflag:s30], $0x1400  }
0x3c: {  	[sflag:s30] =	ssyncset.done $0x0  }
0x3d: {  	[sflag:s30] =	ssyncadd.s32 $0xFFFFEC00  }
0x3e: {  	[spmem:s2] =	stream.indirect.scatter.add.f32 [tilespmem:s23], [sflag:$0x5], $0x40, s22, s22, $0xb8;
	[tilespmem:$0x19140] =	vst v63  }
0x3f: {  	_ =	swait.ge [sflag:s21], $0x1400  }
0x40: {  	[sflag:s21] =	ssyncset.done $0x0  }
0x41: {  	[sflag:s21] =	ssyncadd.s32 $0xFFFFEC00  }
0x42: {  	_ =	swait.ge [sflag:s31], $0x1400  }
0x43: {  	[sflag:s31] =	ssyncset.done $0x0  }
0x44: {  	[sflag:s31] =	ssyncadd.s32 $0xFFFFEC00  }
0x45: {  	[spmem:s4] =	stream.indirect.scatter.add.f32 [tilespmem:s24], [sflag:$0x5], $0x40, s5, s22, $0xb8;
	[tilespmem:$0x19140] =	vst v63  }
0x46: {  	_ =	swait.ge [sflag:s21], $0x1400  }
0x47: {  	s16 =	rddreg [dreg:$0xc]  }
0x48: {  	[sflag:s21] =	ssyncset.done $0x0;
	s17 =	sshrl.u32 s16, $0x3  }
0x49: {  	[sflag:s21] =	ssyncadd.s32 $0xFFFFEC00;
	s14 =	sadd.s32 s6, s17  }
0x4a: {  	[tilespmem:s5], [sflag:$0x5] =	stream.linear.gather [hbm4b:s14+s5], $0x50, $0x38;
	[tilespmem:$0x19140] =	vst v63  }
0x4b: {  	_ =	swait.ge [sflag:s21], $0x50  }
0x4c: {  	[sflag:s21] =	ssyncset.done $0x0  }
0x4d: {  	s13 =	sadd.s32 s7, s17;
	[sflag:s21] =	ssyncadd.s32 $0xFFFFFFB0  }
0x4e: {  	[tilespmem:s22], [sflag:$0x5] =	stream.linear.gather [hbm4b:s13+s5], $0x50, $0x38;
	[tilespmem:$0x19140] =	vst v63  }
0x4f: {  	_ =	swait.ge [sflag:s21], $0x50  }
0x50: {  	[sflag:s21] =	ssyncset.done $0x0  }
0x51: {  	[sflag:s21] =	ssyncadd.s32 $0xFFFFFFB0  }
0x52: {  	[tilespmem:s23], [sflag:$0x1] =	stream.indirect.gather [hbm4b:s1+s22], $0x40, s5, s22, $0xb8;
	[tilespmem:$0x19140] =	vst v63  }
0x53: {  	_ = 	snop  }
0x54: {  	[tilespmem:s24], [sflag:$0x2] =	stream.indirect.gather [hbm4b:s8+s22], $0x40, s22, s22, $0xb8;
	[tilespmem:$0x19140] =	vst v63  }
0x55: {  	_ =	swait.ge [sflag:s0], $0x1400  }
0x56: {  	[sflag:s0] =	ssyncset.done $0x0  }
0x57: {  	[sflag:s0] =	ssyncadd.s32 $0xFFFFEC00  }
0x58: {  	[spmem:s2] =	stream.indirect.scatter.add.f32 [tilespmem:s28], [sflag:$0x5], $0x40, s26, s22, $0xb8;
	[tilespmem:$0x19140] =	vst v63  }
0x59: {  	_ =	swait.ge [sflag:s21], $0x1400  }
0x5a: {  	[sflag:s21] =	ssyncset.done $0x0  }
0x5b: {  	[sflag:s21] =	ssyncadd.s32 $0xFFFFEC00  }
0x5c: {  	_ =	swait.ge [sflag:s3], $0x1400  }
0x5d: {  	[sflag:s3] =	ssyncset.done $0x0  }
0x5e: {  	[sflag:s3] =	ssyncadd.s32 $0xFFFFEC00  }
0x5f: {  	[spmem:s4] =	stream.indirect.scatter.add.f32 [tilespmem:s29], [sflag:$0x5], $0x40, s25, s22, $0xb8;
	[tilespmem:$0x19140] =	vst v63  }
0x60: {  	s15 =	simm.s32 $0x28;
	_ =	swait.ge [sflag:s21], $0x1400  }
0x61: {  	s14 =	simm.s32 $0x14;
	s13 =	sadd.s32 $0xA0, s16;
	[sflag:s21] =	ssyncset.done $0x0  }
.LBB2_2:
0x62: {  	s9 =	sadd.s32 s14, s19  }
0x63: {  	[sflag:s21] =	ssyncadd.s32 $0xFFFFEC00;
	s17 =	smov.u32 s15;
	s16 =	sadd.s32 $0x14, s15  }
0x64: {  	[tilespmem:s25], [sflag:$0x5] =	stream.linear.gather [hbm4b:s9+s5], $0x50, $0x38;
	[tilespmem:$0x19140] =	vst v63  }
0x65: {  	p0 =	sne.s32 s15, $0x4C4;
	_ =	swait.ge [sflag:s21], $0x50  }
0x66: {  	[sflag:s21] =	ssyncset.done $0x0  }
0x67: {  	s9 =	sadd.s32 s14, s18;
	s14 =	smov.u32 s17;
	[sflag:s21] =	ssyncadd.s32 $0xFFFFFFB0  }
0x68: {  	[tilespmem:s26], [sflag:$0x5] =	stream.linear.gather [hbm4b:s9+s5], $0x50, $0x38;
	[tilespmem:$0x19140] =	vst v63  }
0x69: {  	_ =	swait.ge [sflag:s21], $0x50  }
0x6a: {  	[sflag:s21] =	ssyncset.done $0x0  }
0x6b: {  	[sflag:s21] =	ssyncadd.s32 $0xFFFFFFB0  }
0x6c: {  	[tilespmem:s28], [sflag:$0x3] =	stream.indirect.gather [hbm4b:s1+s22], $0x40, s25, s22, $0xb8;
	[tilespmem:$0x19140] =	vst v63  }
0x6d: {  	_ = 	snop  }
0x6e: {  	[tilespmem:s29], [sflag:$0x4] =	stream.indirect.gather [hbm4b:s8+s22], $0x40, s26, s22, $0xb8;
	[tilespmem:$0x19140] =	vst v63  }
0x6f: {  	_ =	swait.ge [sflag:s30], $0x1400  }
0x70: {  	[sflag:s30] =	ssyncset.done $0x0  }
0x71: {  	[sflag:s30] =	ssyncadd.s32 $0xFFFFEC00  }
0x72: {  	[spmem:s2] =	stream.indirect.scatter.add.f32 [tilespmem:s23], [sflag:$0x5], $0x40, s22, s22, $0xb8;
	[tilespmem:$0x19140] =	vst v63  }
0x73: {  	_ =	swait.ge [sflag:s21], $0x1400  }
0x74: {  	[sflag:s21] =	ssyncset.done $0x0  }
0x75: {  	[sflag:s21] =	ssyncadd.s32 $0xFFFFEC00  }
0x76: {  	_ =	swait.ge [sflag:s31], $0x1400  }
0x77: {  	[sflag:s31] =	ssyncset.done $0x0  }
0x78: {  	[sflag:s31] =	ssyncadd.s32 $0xFFFFEC00  }
0x79: {  	[spmem:s4] =	stream.indirect.scatter.add.f32 [tilespmem:s24], [sflag:$0x5], $0x40, s5, s22, $0xb8;
	[tilespmem:$0x19140] =	vst v63  }
0x7a: {  	_ =	swait.ge [sflag:s21], $0x1400  }
0x7b: {  	s9 =	sshrl.u32 s13, $0x3;
	[sflag:s21] =	ssyncset.done $0x0  }
0x7c: {  	s15 =	sadd.s32 s6, s9;
	[sflag:s21] =	ssyncadd.s32 $0xFFFFEC00  }
0x7d: {  	[tilespmem:s5], [sflag:$0x5] =	stream.linear.gather [hbm4b:s15+s5], $0x50, $0x38;
	[tilespmem:$0x19140] =	vst v63  }
0x7e: {  	_ =	swait.ge [sflag:s21], $0x50  }
0x7f: {  	[sflag:s21] =	ssyncset.done $0x0  }
0x80: {  	s9 =	sadd.s32 s7, s9;
	[sflag:s21] =	ssyncadd.s32 $0xFFFFFFB0  }
0x81: {  	[tilespmem:s22], [sflag:$0x5] =	stream.linear.gather [hbm4b:s9+s5], $0x50, $0x38;
	[tilespmem:$0x19140] =	vst v63  }
0x82: {  	_ =	swait.ge [sflag:s21], $0x50  }
0x83: {  	[sflag:s21] =	ssyncset.done $0x0  }
0x84: {  	[sflag:s21] =	ssyncadd.s32 $0xFFFFFFB0  }
0x85: {  	[tilespmem:s23], [sflag:$0x1] =	stream.indirect.gather [hbm4b:s1+s22], $0x40, s5, s22, $0xb8;
	[tilespmem:$0x19140] =	vst v63  }
0x86: {  	_ = 	snop  }
0x87: {  	[tilespmem:s24], [sflag:$0x2] =	stream.indirect.gather [hbm4b:s8+s22], $0x40, s22, s22, $0xb8;
	[tilespmem:$0x19140] =	vst v63  }
0x88: {  	_ =	swait.ge [sflag:s0], $0x1400  }
0x89: {  	[sflag:s0] =	ssyncset.done $0x0  }
0x8a: {  	[sflag:s0] =	ssyncadd.s32 $0xFFFFEC00  }
0x8b: {  	[spmem:s2] =	stream.indirect.scatter.add.f32 [tilespmem:s28], [sflag:$0x5], $0x40, s26, s22, $0xb8;
	[tilespmem:$0x19140] =	vst v63  }
0x8c: {  	_ =	swait.ge [sflag:s21], $0x1400  }
0x8d: {  	[sflag:s21] =	ssyncset.done $0x0  }
0x8e: {  	[sflag:s21] =	ssyncadd.s32 $0xFFFFEC00  }
0x8f: {  	_ =	swait.ge [sflag:s3], $0x1400  }
.Ltmp0:
0x90: {  	[sflag:s3] =	ssyncset.done $0x0;
	(pc) =	sbr.rel @p0 .LBB2_2-.Ltmp0, $4  }
0x91: {  	[sflag:s3] =	ssyncadd.s32 $0xFFFFEC00  }
0x92: {  	[spmem:s4] =	stream.indirect.scatter.add.f32 [tilespmem:s29], [sflag:$0x5], $0x40, s25, s22, $0xb8;
	[tilespmem:$0x19140] =	vst v63  }
0x93: {  	_ =	swait.ge [sflag:s21], $0x1400  }
0x94: {  	s13 =	sadd.s32 $0xA0, s13;
	s15 =	smov.u32 s16;
	[sflag:s21] =	ssyncset.done $0x0  }
0x95: {  	s9 =	sadd.s32 s14, s19;
	[sflag:s21] =	ssyncadd.s32 $0xFFFFEC00  }
0x96: {  	[tilespmem:s25], [sflag:$0x5] =	stream.linear.gather [hbm4b:s9+s5], $0x50, $0x38;
	[tilespmem:$0x19140] =	vst v63  }
0x97: {  	_ =	swait.ge [sflag:s21], $0x50  }
0x98: {  	[sflag:s21] =	ssyncset.done $0x0  }
0x99: {  	s17 =	sadd.s32 s14, s18;
	[sflag:s21] =	ssyncadd.s32 $0xFFFFFFB0  }
0x9a: {  	[tilespmem:s26], [sflag:$0x5] =	stream.linear.gather [hbm4b:s17+s5], $0x50, $0x38;
	[tilespmem:$0x19140] =	vst v63  }
0x9b: {  	_ =	swait.ge [sflag:s21], $0x50  }
0x9c: {  	[sflag:s21] =	ssyncset.done $0x0  }
0x9d: {  	[sflag:s21] =	ssyncadd.s32 $0xFFFFFFB0  }
0x9e: {  	[tilespmem:s28], [sflag:$0x3] =	stream.indirect.gather [hbm4b:s1+s22], $0x40, s25, s22, $0xb8;
	[tilespmem:$0x19140] =	vst v63  }
0x9f: {  	_ = 	snop  }
0xa0: {  	[tilespmem:s29], [sflag:$0x4] =	stream.indirect.gather [hbm4b:s8+s22], $0x40, s26, s22, $0xb8;
	[tilespmem:$0x19140] =	vst v63  }
0xa1: {  	_ =	swait.ge [sflag:s30], $0x1400  }
0xa2: {  	[sflag:s30] =	ssyncset.done $0x0  }
0xa3: {  	[sflag:s30] =	ssyncadd.s32 $0xFFFFEC00  }
0xa4: {  	[spmem:s2] =	stream.indirect.scatter.add.f32 [tilespmem:s23], [sflag:$0x5], $0x40, s22, s22, $0xb8;
	[tilespmem:$0x19140] =	vst v63  }
0xa5: {  	_ =	swait.ge [sflag:s21], $0x1400  }
0xa6: {  	[sflag:s21] =	ssyncset.done $0x0  }
0xa7: {  	[sflag:s21] =	ssyncadd.s32 $0xFFFFEC00  }
0xa8: {  	_ =	swait.ge [sflag:s31], $0x1400  }
0xa9: {  	[sflag:s31] =	ssyncset.done $0x0  }
0xaa: {  	[sflag:s31] =	ssyncadd.s32 $0xFFFFEC00  }
0xab: {  	[spmem:s4] =	stream.indirect.scatter.add.f32 [tilespmem:s24], [sflag:$0x5], $0x40, s5, s22, $0xb8;
	[tilespmem:$0x19140] =	vst v63  }
0xac: {  	_ =	swait.ge [sflag:s21], $0x1400  }
0xad: {  	s14 =	sshrl.u32 s13, $0x3;
	[sflag:s21] =	ssyncset.done $0x0  }
0xae: {  	s13 =	sadd.s32 s6, s14;
	[sflag:s21] =	ssyncadd.s32 $0xFFFFEC00  }
0xaf: {  	[tilespmem:s5], [sflag:$0x5] =	stream.linear.gather [hbm4b:s13+s5], $0x50, $0x38;
	[tilespmem:$0x19140] =	vst v63  }
0xb0: {  	_ =	swait.ge [sflag:s21], $0x50  }
0xb1: {  	[sflag:s21] =	ssyncset.done $0x0  }
0xb2: {  	s9 =	sadd.s32 s7, s14;
	[sflag:s21] =	ssyncadd.s32 $0xFFFFFFB0  }
0xb3: {  	[tilespmem:s22], [sflag:$0x5] =	stream.linear.gather [hbm4b:s9+s5], $0x50, $0x38;
	[tilespmem:$0x19140] =	vst v63  }
0xb4: {  	_ =	swait.ge [sflag:s21], $0x50  }
0xb5: {  	[sflag:s21] =	ssyncset.done $0x0  }
0xb6: {  	[sflag:s21] =	ssyncadd.s32 $0xFFFFFFB0  }
0xb7: {  	[tilespmem:s23], [sflag:$0x1] =	stream.indirect.gather [hbm4b:s1+s22], $0x40, s5, s22, $0xb8;
	[tilespmem:$0x19140] =	vst v63  }
0xb8: {  	_ = 	snop  }
0xb9: {  	[tilespmem:s24], [sflag:$0x2] =	stream.indirect.gather [hbm4b:s8+s22], $0x40, s22, s22, $0xb8;
	[tilespmem:$0x19140] =	vst v63  }
0xba: {  	_ =	swait.ge [sflag:s0], $0x1400  }
0xbb: {  	[sflag:s0] =	ssyncset.done $0x0  }
0xbc: {  	[sflag:s0] =	ssyncadd.s32 $0xFFFFEC00  }
0xbd: {  	[spmem:s2] =	stream.indirect.scatter.add.f32 [tilespmem:s28], [sflag:$0x5], $0x40, s26, s22, $0xb8;
	[tilespmem:$0x19140] =	vst v63  }
0xbe: {  	_ =	swait.ge [sflag:s21], $0x1400  }
0xbf: {  	[sflag:s21] =	ssyncset.done $0x0  }
0xc0: {  	[sflag:s21] =	ssyncadd.s32 $0xFFFFEC00  }
0xc1: {  	_ =	swait.ge [sflag:s3], $0x1400  }
0xc2: {  	[sflag:s3] =	ssyncset.done $0x0  }
0xc3: {  	[sflag:s3] =	ssyncadd.s32 $0xFFFFEC00  }
0xc4: {  	[spmem:s4] =	stream.indirect.scatter.add.f32 [tilespmem:s29], [sflag:$0x5], $0x40, s25, s22, $0xb8;
	[tilespmem:$0x19140] =	vst v63  }
0xc5: {  	_ =	swait.ge [sflag:s21], $0x1400  }
0xc6: {  	[sflag:s21] =	ssyncset.done $0x0  }
0xc7: {  	[sflag:s21] =	ssyncadd.s32 $0xFFFFEC00  }
0xc8: {  	_ =	swait.ge [sflag:s30], $0x1400  }
0xc9: {  	[sflag:s30] =	ssyncset.done $0x0  }
0xca: {  	[sflag:s30] =	ssyncadd.s32 $0xFFFFEC00  }
0xcb: {  	[spmem:s2] =	stream.indirect.scatter.add.f32 [tilespmem:s23], [sflag:$0x5], $0x40, s22, s22, $0xb8;
	[tilespmem:$0x19140] =	vst v63  }
0xcc: {  	_ =	swait.ge [sflag:s21], $0x1400  }
0xcd: {  	[sflag:s21] =	ssyncset.done $0x0  }
0xce: {  	[sflag:s21] =	ssyncadd.s32 $0xFFFFEC00  }
0xcf: {  	_ =	swait.ge [sflag:s31], $0x1400  }
0xd0: {  	[sflag:s31] =	ssyncset.done $0x0  }
0xd1: {  	[sflag:s31] =	ssyncadd.s32 $0xFFFFEC00  }
0xd2: {  	[spmem:s4] =	stream.indirect.scatter.add.f32 [tilespmem:s24], [sflag:$0x5], $0x40, s5, s22, $0xb8;
	[tilespmem:$0x19140] =	vst v63  }
0xd3: {  	_ =	swait.ge [sflag:s21], $0x1400  }
0xd4: {  	[sflag:s21] =	ssyncset.done $0x0  }
0xd5: {  	[sflag:s21] =	ssyncadd.s32 $0xFFFFEC00  }
0xd6: {  	[bflag:$0x0] =	sbarrier.arrive $0xFFFF  }
0xd7: {  	s15 =	rddreg [dreg:$0x9]  }
0xd8: {  	[hbm:s15], [sflag:s10] =	dma.local [spmem:s20], $0x1400  }
0xd9: {  	_ =	swait.ge [sflag:s21], $0x1400  }
0xda: {  	[sflag:s21] =	ssyncset.done $0x0  }
0xdb: {  	s16 =	rddreg [dreg:$0xa];
	[sflag:s21] =	ssyncadd.s32 $0xFFFFEC00  }
0xdc: {  	[hbm:s16], [sflag:s10] =	dma.local [spmem:s12], $0x1400  }
0xdd: {  	_ =	swait.ge [sflag:s21], $0x1400  }
0xde: {  	s11 =	sadd.s32 $0x1, s11;
	s17 =	rddreg [dreg:$0xb]  }
0xdf: {  	p0 =	sne.s32 s11, s17  }
.Ltmp1:
0xe0: {  	_ = 	snop;
	(pc) =	sbr.rel @p0 .LBB2_1-.Ltmp1, $3  }
0xe1: {  	_ =	sdelay $0x1  }
0xe2: {  	[sflag:s21] =	ssyncset.done $0x0  }
0xe3: {  	[sflag:s21] =	ssyncadd.s32 $0xFFFFEC00  }
0xe4: {  	_ =	sfence.sel $0x180000  }
0xe5: {  	[bflag:$0x0] =	sbarrier.arrive $0xFFFF  }
0xe6: {  	_ =	strace $0x9000004D  }
0xe7: {  	s0 =	stileid.u32;
	[bflag:$0x2] =	sbarrier.arrive $0xFFFF  }
0xe8: {  	p0 =	sne.s32 s0, $0x0;
	s0 =	rddreg [dreg:$0x4]  }
0xe9: {  	s0 =	sadd.s32 @!p0 $0x100000, s0  }
0xea: {  	[sflag:s0] =	ssyncadd.tile.s32 @!p0 $0x1;
	_ =	shalt  }
.Lfunc_end2:
_tile_overlayer_lowered:
.L_overlay_start_2:
0xeb: {  	(tag) =	ssettag $0x2  }
0xec: {  	s0 =	rddreg [dreg:$0x0];
	s2 =	stileid.u32  }
0xed: {  	s1 =	rddreg [dreg:$0x1];
	p0 =	sne.s32 s2, $0x0  }
0xee: {  	s3 =	rddreg [dreg:$0x2];
	[bflag:$0x3] =	sbarrier.arrive $0xFFFF;
	s2 =	simm.s32 @!p0 $0x1C05  }
0xef: {  	[timem:s3], [sflag:s2] =	dma.local @!p0 [hbm:s0], s1  }
0xf0: {  	s0 =	simm.s32 @!p0 $0x5  }
0xf1: {  	_ =	swait.ge @!p0 [sflag:s0], s1  }
0xf2: {  	s1 =	ssub.s32 @!p0 $0x0, s1;
	[sflag:s0] =	ssyncset.done @!p0 $0x0  }
0xf3: {  	[sflag:s0] =	ssyncadd.s32 @!p0 s1  }
0xf4: {  	[bflag:$0x3] =	sbarrier.arrive $0xFFFF  }
0xf5: {  	_ =	shalt  }

// kernel: kernel.9.cloned.1.call-start
scs
__scs_entry_jumppad:
0x0: {  	(pc) =	sbr.rel $0x88, $3  }
0x1: {  	(tag) =	ssettag $0x0;
	lr =	simm.s32 $0x1  }
0x2: {  	[smem:$0x3F92] =	sst lr;
	_ =	strace $0xD0000000  }
0x3: {  	_ = 	snop  }
0x4: {  	_ = 	snop  }
0x5: {  	_ = 	snop  }
0x6: {  	_ = 	snop  }
0x7: {  	_ = 	snop  }
__scs_overlays_trampoline_lowered:
0x8: {  	[smem:$0x3FA1] =	sst s0  }
0x9: {  	[smem:$0x3FA2] =	sst s1  }
0xa: {  	[smem:$0x3FA3] =	sst s2  }
0xb: {  	[smem:$0x3FA4] =	sst s3  }
0xc: {  	[smem:$0x3FA5] =	sst s4  }
0xd: {  	[smem:$0x3FA6] =	sst s5  }
0xe: {  	[smem:$0x3FA7] =	sst s6  }
0xf: {  	[smem:$0x3FA8] =	sst s7  }
0x10: {  	[smem:$0x3FA9] =	sst s8  }
0x11: {  	[smem:$0x3FAA] =	sst s9;
	s0 =	simm.s32 @!p0 $0x0  }
0x12: {  	s1 =	sld [smem:$0x3F90];
	s0 =	simm.s32 @p0 $0x1  }
0x13: {  	[smem:$0x3FAB] =	sst s0;
	s0 =	simm.s32 @!p1 $0x0  }
0x14: {  	s2 =	sld [smem:$0x3F8F];
	s0 =	simm.s32 @p1 $0x1  }
0x15: {  	[smem:$0x3FAC] =	sst s0;
	s0 =	simm.s32 @!p2 $0x0  }
0x16: {  	s3 =	sld [smem:$0x3FDB];
	s0 =	simm.s32 @p2 $0x1  }
0x17: {  	s4 =	simm.s32 $0x1BF5;
	[smem:$0x3FAE] =	sst s0  }
0x18: {  	s0 =	sld [smem:$0x3F91];
	_ =	swait.ge [sflag:s4], $0x0  }
0x19: {  	s7 =	sld [smem:$0x3F92]  }
0x1a: {  	s8 =	sadd.s32 $0xFFFFE003, lr  }
0x1b: {  	s9 =	sadd.s32 $0xFFFFFEF7, lr;
	s5 =	simm.s32 $0xFFFFFFFF;
	p2 =	slt.u32 s8, $0xFFFFF086  }
0x1c: {  	p1 =	slt.u32 s9, $0xF7A;
	s5 =	simm.s32 @!p2 $0x0  }
0x1d: {  	s5 =	simm.s32 @p1 $0x1;
	p0 =	seq.s32 s7, s2  }
0x1e: {  	s7 =	smul.u32 @!p0 $0xF7A, s2;
	p2 =	seq.s32 @!p0 s5, $0x0  }
0x1f: {  	s9 =	smul.u32 $0xF7A, s1;
	s8 =	simm.s32 @!p0 $0x1BF5;
	p2 =	por !p2, p0  }
0x20: {  	[sflag:s8] =	ssyncset.s32 @!p0 $0xFFFFF086;
	s6 =	sadd.s32 @!p0 s3, s7;
	s7 =	simm.s32 @!p0 $0x108  }
0x21: {  	s3 =	sadd.s32 s3, s9;
	s6 =	sadd.s32 @!p0 $0x88, s6;
	s7 =	simm.s32 @p2 $0x1082  }
0x22: {  	[simem:s7], [sflag:s8] =	dma.local @!p0 [hbm:s6], $0xF7A  }
0x23: {  	s9 =	sor.u32 $0xD0000000, s2;
	s6 =	simm.s32 $0x108;
	_ =	swait.ge @!p0 [sflag:s8], $0x0  }
0x24: {  	s3 =	sadd.s32 $0x88, s3;
	s6 =	simm.s32 @!p1 $0x1082;
	[sflag:s4] =	ssyncset.s32 $0xFFFFF086  }
0x25: {  	[simem:s6], [sflag:s4] =	dma.local [hbm:s3], $0xF7A  }
0x26: {  	[smem:$0x3F92] =	sst s1;
	(tag) =	ssettag s2;
	_ =	strace s9  }
0x27: {  	s1 =	sld [smem:$0x3FA2]  }
0x28: {  	s2 =	sld [smem:$0x3FA3]  }
0x29: {  	s4 =	sld [smem:$0x3FA5]  }
0x2a: {  	p0 =	seq.s32 s5, $0x0;
	s5 =	sld [smem:$0x3FA6]  }
0x2b: {  	s6 =	sld [smem:$0x3FA7]  }
0x2c: {  	s7 =	sld [smem:$0x3FA8]  }
0x2d: {  	s3 =	simm.s32 $0x108;
	s8 =	sld [smem:$0x3FA9]  }
0x2e: {  	s3 =	simm.s32 @!p0 $0x1082;
	s9 =	sld [smem:$0x3FAA]  }
0x2f: {  	lr =	sadd.s32 s0, s3;
	s0 =	sld [smem:$0x3FA1]  }
0x30: {  	s3 =	sld [smem:$0x3FA4]  }
0x31: {  	[smem:$0x3FAD] =	sst s10  }
0x32: {  	s10 =	sld [smem:$0x3FAB];
	_ =	sdelay $0x3  }
0x33: {  	p0 =	seq.s32 s10, $0x1;
	s10 =	sld [smem:$0x3FAD];
	_ =	sdelay $0x3  }
0x34: {  	[smem:$0x3FAD] =	sst s10  }
0x35: {  	s10 =	sld [smem:$0x3FAC];
	_ =	sdelay $0x3  }
0x36: {  	p1 =	seq.s32 s10, $0x1;
	s10 =	sld [smem:$0x3FAD];
	_ =	sdelay $0x3  }
0x37: {  	[smem:$0x3FAD] =	sst s10  }
0x38: {  	s10 =	sld [smem:$0x3FAE]  }
0x39: {  	_ = 	snop;
	(pc) =	sbr.ind lr, $3  }
0x3a: {  	_ = 	snop  }
0x3b: {  	_ = 	snop  }
0x3c: {  	p2 =	seq.s32 s10, $0x1;
	s10 =	sld [smem:$0x3FAD]  }
0x3d: {  	_ =	shalt  }
0x3e: {  	_ =	shalt  }
0x3f: {  	_ =	shalt  }
0x40: {  	_ =	shalt  }
0x41: {  	_ =	shalt  }
0x42: {  	_ =	shalt  }
0x43: {  	_ =	shalt  }
0x44: {  	_ =	shalt  }
0x45: {  	_ =	shalt  }
0x46: {  	_ =	shalt  }
0x47: {  	_ =	shalt  }
0x48: {  	_ =	shalt  }
0x49: {  	_ =	shalt  }
0x4a: {  	_ =	shalt  }
0x4b: {  	_ =	shalt  }
0x4c: {  	_ =	shalt  }
0x4d: {  	_ =	shalt  }
0x4e: {  	_ =	shalt  }
0x4f: {  	_ =	shalt  }
0x50: {  	_ =	shalt  }
0x51: {  	_ =	shalt  }
0x52: {  	_ =	shalt  }
0x53: {  	_ =	shalt  }
0x54: {  	_ =	shalt  }
0x55: {  	_ =	shalt  }
0x56: {  	_ =	shalt  }
0x57: {  	_ =	shalt  }
0x58: {  	_ =	shalt  }
0x59: {  	_ =	shalt  }
0x5a: {  	_ =	shalt  }
0x5b: {  	_ =	shalt  }
0x5c: {  	_ =	shalt  }
0x5d: {  	_ =	shalt  }
0x5e: {  	_ =	shalt  }
0x5f: {  	_ =	shalt  }
0x60: {  	_ =	shalt  }
0x61: {  	_ =	shalt  }
0x62: {  	_ =	shalt  }
0x63: {  	_ =	shalt  }
0x64: {  	_ =	shalt  }
0x65: {  	_ =	shalt  }
0x66: {  	_ =	shalt  }
0x67: {  	_ =	shalt  }
0x68: {  	_ =	shalt  }
0x69: {  	_ =	shalt  }
0x6a: {  	_ =	shalt  }
0x6b: {  	_ =	shalt  }
0x6c: {  	_ =	shalt  }
0x6d: {  	_ =	shalt  }
0x6e: {  	_ =	shalt  }
0x6f: {  	_ =	shalt  }
0x70: {  	_ =	shalt  }
0x71: {  	_ =	shalt  }
0x72: {  	_ =	shalt  }
0x73: {  	_ =	shalt  }
0x74: {  	_ =	shalt  }
0x75: {  	_ =	shalt  }
0x76: {  	_ =	shalt  }
0x77: {  	_ =	shalt  }
0x78: {  	_ =	shalt  }
0x79: {  	_ =	shalt  }
0x7a: {  	_ =	shalt  }
0x7b: {  	_ =	shalt  }
0x7c: {  	_ =	shalt  }
0x7d: {  	_ =	shalt  }
0x7e: {  	_ =	shalt  }
0x7f: {  	_ =	shalt  }
0x80: {  	_ =	shalt  }
0x81: {  	_ =	shalt  }
0x82: {  	_ =	shalt  }
0x83: {  	_ =	shalt  }
0x84: {  	_ =	shalt  }
0x85: {  	_ =	shalt  }
0x86: {  	_ =	shalt  }
0x87: {  	_ =	shalt  }
.Lfunc_end0:
.L_simem_size_0:
called_computation_lowered:
.L_overlay_start_0:
0x88: {  	s2 =	sld [smem:$0x3FD9]  }
0x89: {  	s3 =	sld [smem:$0x3FFE];
	_ =	sdelay $0x1  }
0x8a: {  	s1 =	srdreg.scid  }
0x8b: {  	s0 =	sand.u32 $0x1, s1  }
0x8c: {  	s17 =	sshll.u32 s0, $0xA;
	s2 =	sadd.s32 s3, s2  }
0x8d: {  	s2 =	sadd.s32 s2, s17  }
0x8e: {  	[smem:$0x3FB9] =	sst s2  }
0x8f: {  	_ = 	snop  }
0x90: {  	s2 =	sld [smem:$0x3FD0];
	(tm) =	ssettm $0x1  }
0x91: {  	s18 =	sld [smem:$0x3FFB];
	_ =	sdelay $0x3  }
0x92: {  	_ =	strace s18  }
0x93: {  	s3 =	sld [smem:$0x3FFC];
	_ =	sdelay $0x3  }
0x94: {  	_ =	strace s3  }
0x95: {  	s3 =	sld [smem:$0x3FFD];
	_ =	sdelay $0x3  }
0x96: {  	_ =	strace s3  }
0x97: {  	_ =	strace $0x8FFFFFFF  }
0x98: {  	s19 =	sld [smem:$0x3FDB];
	_ =	sdelay $0x1  }
0x99: {  	s4 =	simm.s32 $_scs_section_size  }
0x9a: {  	s5 =	simm.s32 $_size__tile_overlayer_lowered;
	s6 =	simm.s32 $_tile_overlayer_lowered  }
0x9b: {  	s22 =	simm.s32 $0x1BFF;
	s21 =	sshll.u32 s6, $0x1;
	s3 =	sadd.s32 s4, s19  }
0x9c: {  	s7 =	simm.s32 $0x0;
	s20 =	sshll.u32 s5, $0x1;
	s5 =	sadd.s32 s21, s3  }
0x9d: {  	[timem:s7], [sflag:s22] =	dma.local [hbm:s5], s20  }
0x9e: {  	_ =	swait.ge [sflag:s22], s20  }
0x9f: {  	s4 =	ssub.s32 $0x0, s20;
	[sflag:s22] =	ssyncset.done $0x0  }
0xa0: {  	[sflag:s22] =	ssyncadd.s32 s4;
	_ =	sdelay $0x1  }
0xa1: {  	s23 =	simm.s32 $0x1B8B  }
0xa2: {  	_ =	swait.ge [sflag:s23], $0x1  }
0xa3: {  	[sflag:s23] =	ssyncset.done $0x0  }
0xa4: {  	s25 =	simm.s32 $0x1B8E;
	s24 =	sld [smem:$0x3FFE];
	[sflag:s23] =	ssyncadd.s32 $0xFFFFFFFF  }
0xa5: {  	s26 =	simm.s32 $execute0_lowered;
	[smem:$0x3FD2] =	sst s25  }
0xa6: {  	s5 =	sshll.u32 s26, $0x1;
	_ =	strace $0x80000046;
	[dreg:$0x1] =	wrdreg $0xFFFFFFFF  }
0xa7: {  	s28 =	simm.s32 $_size_execute0_lowered;
	s3 =	sadd.s32 s3, s5;
	[dreg:$0x0] =	wrdreg $0x0  }
0xa8: {  	s5 =	sshll.u32 s28, $0x1;
	[dreg:$0x2] =	wrdreg s3  }
0xa9: {  	[dreg:$0x3] =	wrdreg s5  }
0xaa: {  	[dreg:$0x4] =	wrdreg $0xC0  }
0xab: {  	_ =	task [dreg:s7], $0x5FFFF  }
0xac: {  	[dreg:$0x1] =	wrdreg $0xFFFFFFFF  }
0xad: {  	[dreg:$0x0] =	wrdreg $0x60  }
0xae: {  	[dreg:$0x2] =	wrdreg s24  }
0xaf: {  	[dreg:$0x3] =	wrdreg s2  }
0xb0: {  	[dreg:$0x4] =	wrdreg $0x56400  }
0xb1: {  	[dreg:$0x5] =	wrdreg $0xF6400  }
0xb2: {  	[dreg:$0x6] =	wrdreg $0x196400  }
0xb3: {  	[dreg:$0x7] =	wrdreg $0x1BE400  }
0xb4: {  	[dreg:$0x8] =	wrdreg $0x9  }
0xb5: {  	_ =	task.clear_ibuf [dreg:s7], $0x9FFFF;
	_ =	strace $0x90000046  }
0xb6: {  	s29 =	simm.s32 $0x9;
	_ =	strace $0x80000048  }
0xb7: {  	_ =	swait.ge [sflag:s29], $0x1  }
0xb8: {  	[sflag:s29] =	ssyncadd.s32 $0xFFFFFFFF  }
0xb9: {  	_ =	strace $0x90000048  }
0xba: {  	_ =	sfence  }
0xbb: {  	s30 =	sld [smem:$0x0];
	_ =	sdelay $0x2  }
0xbc: {  	s31 =	sshll.u32 s1, $0xD;
	s1 =	sshrl.u32 s1, $0x2  }
0xbd: {  	s3 =	sand.u32 $0x4000, s31;
	s1 =	sadd.s32 s1, s30  }
0xbe: {  	s0 =	sor.u32 s3, s0;
	s1 =	sshll.u32 s1, $0x11  }
0xbf: {  	s0 =	sor.u32 s1, s0  }
0xc0: {  	s0 =	sadd.s32 $0x8F2B, s0  }
0xc1: {  	[sflag:s0] =	ssyncadd.remote.s32 $0x1  }
0xc2: {  	_ =	sfence.sel $0xFFFF  }
0xc3: {  	[dreg:$0x0] =	wrdreg $0xFFFFFFFF;
	(pc) =	sbr.abs _section_cstart, $3  }
0xc4: {  	[dreg:$0x1] =	wrdreg $0xFFFFFFFF  }
0xc5: {  	_ =	task.clear_ibuf [dreg:s7], $0x2FFFF;
	_ =	strace $0x9FFFFFFF  }
0xc6: {  	(tm) =	ssettm $0x7FFFFFFF  }
0xc7: {  	_ =	shalt  }
tec
execute0_lowered:
.L_overlay_start_1:
0x0: {  	(tag) =	ssettag $0x1  }
0x1: {  	s0 =	rddreg [dreg:$0x0]  }
0x2: {  	s1 =	rddreg [dreg:$0x1]  }
0x3: {  	s2 =	rddreg [dreg:$0x2]  }
0x4: {  	s3 =	rddreg [dreg:$0x3]  }
0x5: {  	s5 =	rddreg [dreg:$0x4]  }
0x6: {  	s6 =	rddreg [dreg:$0x5]  }
0x7: {  	s4 =	srdreg.scid;
	s17 =	stileid.u32;
	s7 =	simm.s32 $0x0  }
0x8: {  	s28 =	simm.s32 $0x5;
	s29 =	simm.s32 $0x5140;
	s30 =	simm.s32 $0x50  }
0x9: {  	s31 =	simm.s32 $0xA0;
	s4 =	sand.u32 $0x1, s4;
	s10 =	smul.u32 $0x280, s17  }
0xa: {  	[smem:$0x7FF] =	sst s7;
	s8 =	sadd.s32 $0xF200, s0;
	s9 =	sadd.s32 $0x5400, s0  }
0xb: {  	s12 =	sadd.s32 $0x41000, s0;
	s21 =	sadd.s32 $0x42400, s0;
	s22 =	sadd.s32 $0x42A00, s0  }
0xc: {  	s24 =	smul.u32 $0xA000, s17;
	_ =	strace $0x80000047;
	[dreg:$0x8] =	wrdreg s12  }
0xd: {  	s13 =	smul.u32 $0x4E20, s17;
	s15 =	sshll.u32 s17, $0x1;
	[dreg:$0x9] =	wrdreg s21  }
0xe: {  	s11 =	smul.u32 $0x2800, s4;
	[dreg:$0xa] =	wrdreg s22;
	s25 =	ssub.s32 $0x2, s4  }
0xf: {  	s16 =	smul.u32 $0x2710, s4;
	s4 =	sor.u32 s4, s15;
	s15 =	sshll.u32 s17, $0x6  }
0x10: {  	s17 =	smul.u32 $0x2800, s17;
	s14 =	sshrl.u32 s25, $0x1;
	s26 =	sadd.s32 s24, s2  }
0x11: {  	s4 =	smul.u32 $0x2710, s4;
	s12 =	sadd.s32 s24, s3;
	[dreg:$0xb] =	wrdreg s26  }
0x12: {  	s10 =	sadd.s32 s10, s11;
	s13 =	sadd.s32 s16, s13;
	[dreg:$0xc] =	wrdreg s12  }
0x13: {  	s18 =	sadd.s32 s17, s5;
	s12 =	simm.s32 $0x28F0;
	s23 =	sshll.u32 s10, $0x3  }
0x14: {  	s10 =	sshll.u32 s10, $0x1;
	s16 =	sadd.s32 $0x50, s13;
	[dreg:$0xd] =	wrdreg s18  }
0x15: {  	s4 =	sshrl.u32 s4, $0x3;
	s26 =	sadd.s32 $0xA0, s13;
	s13 =	simm.s32 $0x2940  }
0x16: {  	s11 =	sadd.s32 s23, s0;
	s0 =	sadd.s32 s10, s0;
	s10 =	ssub.s32 s25, s14  }
0x17: {  	s14 =	sor.u32 $0x1C05, s15;
	s15 =	sadd.s32 s17, s6;
	[dreg:$0x16] =	wrdreg s26  }
0x18: {  	s18 =	simm.s32 $0x3;
	s21 =	sadd.s32 s8, s4;
	[dreg:$0xe] =	wrdreg s15  }
0x19: {  	s19 =	sshrl.u32 s16, $0x3;
	s4 =	sadd.s32 s9, s4;
	[dreg:$0xf] =	wrdreg s21  }
0x1a: {  	s16 =	simm.s32 $0x1;
	s20 =	sadd.s32 s19, s9;
	[dreg:$0x10] =	wrdreg s4  }
0x1b: {  	s17 =	simm.s32 $0x2;
	s22 =	sadd.s32 $0x7EC00, s11;
	[dreg:$0x7] =	wrdreg s20  }
0x1c: {  	s23 =	sadd.s32 $0x56C00, s11;
	s24 =	sadd.s32 $0x4CC00, s0;
	[dreg:$0x11] =	wrdreg s22  }
0x1d: {  	s0 =	sadd.s32 $0x42C00, s0;
	s25 =	smax.u32 s10, $0x1;
	[dreg:$0x12] =	wrdreg s23  }
0x1e: {  	s26 =	sadd.s32 s19, s8;
	s4 =	simm.s32 $0x28A0;
	[dreg:$0x13] =	wrdreg s24  }
0x1f: {  	s15 =	simm.s32 $0x3D40;
	s19 =	simm.s32 $0x4;
	[dreg:$0x14] =	wrdreg s0  }
0x20: {  	[dreg:$0x15] =	wrdreg s25;
	s0 =	simm.s32 $0x14A0;
	s20 =	simm.s32 $0x0  }
.LBB2_1:
0x21: {  	s10 =	rddreg [dreg:$0xb]  }
0x22: {  	s23 =	rddreg [dreg:$0x8];
	s11 =	sshrl.u32 s10, $0x3  }
0x23: {  	[dreg:$0x17] =	wrdreg s11  }
0x24: {  	[spmem:s11], [sflag:s14] =	dma.local [hbm:s23], $0x1400  }
0x25: {  	_ =	swait.ge [sflag:s28], $0x1400  }
0x26: {  	s24 =	rddreg [dreg:$0xc]  }
0x27: {  	[sflag:s28] =	ssyncset.done $0x0;
	s11 =	sshrl.u32 s24, $0x3  }
0x28: {  	[sflag:s28] =	ssyncadd.s32 $0xFFFFEC00;
	[dreg:$0x18] =	wrdreg s11  }
0x29: {  	[spmem:s11], [sflag:s14] =	dma.local [hbm:s23], $0x1400  }
0x2a: {  	_ =	swait.ge [sflag:s28], $0x1400  }
0x2b: {  	s25 =	rddreg [dreg:$0xd]  }
0x2c: {  	[sflag:s28] =	ssyncset.done $0x0;
	s21 =	rddreg [dreg:$0x9];
	s10 =	sshrl.u32 s25, $0x3  }
0x2d: {  	[sflag:s28] =	ssyncadd.s32 $0xFFFFEC00;
	[dreg:$0x19] =	wrdreg s10  }
0x2e: {  	[spmem:s10], [sflag:s14] =	dma.local [hbm:s21], $0x500  }
0x2f: {  	_ =	swait.ge [sflag:s28], $0x500  }
0x30: {  	[sflag:s28] =	ssyncset.done $0x0;
	s22 =	rddreg [dreg:$0xe]  }
0x31: {  	[sflag:s28] =	ssyncadd.s32 $0xFFFFFB00;
	s24 =	sshrl.u32 s22, $0x3  }
0x32: {  	[spmem:s24], [sflag:s14] =	dma.local [hbm:s21], $0x500  }
0x33: {  	_ =	swait.ge [sflag:s28], $0x500  }
0x34: {  	[sflag:s28] =	ssyncset.done $0x0  }
0x35: {  	s23 =	rddreg [dreg:$0xa];
	[sflag:s28] =	ssyncadd.s32 $0xFFFFFB00  }
0x36: {  	[tilespmem:s29], [sflag:$0x5] =	stream.linear.gather [hbm4b:s23+s7], $0x500, $0x38;
	[tilespmem:$0x1E640] =	vst v63  }
0x37: {  	_ =	swait.ge [sflag:s28], $0x500  }
0x38: {  	[sflag:s28] =	ssyncset.done $0x0  }
0x39: {  	[sflag:s28] =	ssyncadd.s32 $0xFFFFFB00  }
0x3a: {  	[bflag:$0x0] =	sbarrier.arrive $0xFFFF  }
0x3b: {  	s25 =	rddreg [dreg:$0xf]  }
0x3c: {  	[tilespmem:s7], [sflag:$0x5] =	stream.linear.gather [hbm4b:s25+s7], $0x50, $0x38;
	[tilespmem:$0x1E640] =	vst v63  }
0x3d: {  	_ =	swait.ge [sflag:s28], $0x50  }
0x3e: {  	[sflag:s28] =	ssyncset.done $0x0  }
0x3f: {  	s11 =	rddreg [dreg:$0x10];
	[sflag:s28] =	ssyncadd.s32 $0xFFFFFFB0  }
0x40: {  	[tilespmem:s30], [sflag:$0x5] =	stream.linear.gather [hbm4b:s11+s7], $0x50, $0x38;
	[tilespmem:$0x1E640] =	vst v63  }
0x41: {  	_ =	swait.ge [sflag:s28], $0x50  }
0x42: {  	[sflag:s28] =	ssyncset.done $0x0  }
0x43: {  	[sflag:s28] =	ssyncadd.s32 $0xFFFFFFB0  }
0x44: {  	[tilespmem:s31], [sflag:$0x1] =	stream.indirect.gather [hbm4b:s1+s30], $0x40, s7, s30, $0xb8;
	[tilespmem:$0x1E640] =	vst v63  }
0x45: {  	_ = 	snop  }
0x46: {  	[tilespmem:s0], [sflag:$0x2] =	stream.indirect.gather [hbm4b:s1+s30], $0x40, s30, s30, $0xb8;
	[tilespmem:$0x1E640] =	vst v63  }
0x47: {  	s21 =	sadd.s32 $0x0, s26  }
0x48: {  	[tilespmem:s4], [sflag:$0x5] =	stream.linear.gather [hbm4b:s21+s7], $0x50, $0x38;
	[tilespmem:$0x1E640] =	vst v63  }
0x49: {  	_ =	swait.ge [sflag:s28], $0x50  }
0x4a: {  	s22 =	rddreg [dreg:$0x7];
	[sflag:s28] =	ssyncset.done $0x0  }
0x4b: {  	[sflag:s28] =	ssyncadd.s32 $0xFFFFFFB0;
	s10 =	sadd.s32 $0x0, s22  }
0x4c: {  	[tilespmem:s12], [sflag:$0x5] =	stream.linear.gather [hbm4b:s10+s7], $0x50, $0x38;
	[tilespmem:$0x1E640] =	vst v63  }
0x4d: {  	_ =	swait.ge [sflag:s28], $0x50  }
0x4e: {  	[sflag:s28] =	ssyncset.done $0x0  }
0x4f: {  	[sflag:s28] =	ssyncadd.s32 $0xFFFFFFB0  }
0x50: {  	[tilespmem:s13], [sflag:$0x3] =	stream.indirect.gather [hbm4b:s1+s30], $0x40, s4, s30, $0xb8;
	[tilespmem:$0x1E640] =	vst v63  }
0x51: {  	_ = 	snop  }
0x52: {  	[tilespmem:s15], [sflag:$0x4] =	stream.indirect.gather [hbm4b:s1+s30], $0x40, s12, s30, $0xb8;
	[tilespmem:$0x1E640] =	vst v63  }
0x53: {  	_ =	swait.ge [sflag:s16], $0x1400  }
0x54: {  	[sflag:s16] =	ssyncset.done $0x0  }
0x55: {  	[sflag:s16] =	ssyncadd.s32 $0xFFFFEC00  }
0x56: {  	[spmem:s2] =	stream.indirect.scatter.add.f32 [tilespmem:s31], [sflag:$0x5], $0x40, s30, s30, $0xb8;
	[tilespmem:$0x1E640] =	vst v63  }
0x57: {  	_ =	swait.ge [sflag:s28], $0x1400  }
0x58: {  	[sflag:s28] =	ssyncset.done $0x0  }
0x59: {  	[sflag:s28] =	ssyncadd.s32 $0xFFFFEC00  }
0x5a: {  	_ =	swait.ge [sflag:s17], $0x1400  }
0x5b: {  	[sflag:s17] =	ssyncset.done $0x0  }
0x5c: {  	[sflag:s17] =	ssyncadd.s32 $0xFFFFEC00  }
0x5d: {  	[spmem:s3] =	stream.indirect.scatter.add.f32 [tilespmem:s0], [sflag:$0x5], $0x40, s7, s30, $0xb8;
	[tilespmem:$0x1E640] =	vst v63  }
0x5e: {  	_ =	swait.ge [sflag:s28], $0x1400  }
0x5f: {  	[sflag:s28] =	ssyncset.done $0x0  }
0x60: {  	[sflag:s28] =	ssyncadd.s32 $0xFFFFEC00  }
0x61: {  	[spmem:s5] =	stream.indirect.scatter.add.f32 [tilespmem:s29], [sflag:$0x5], $0x10, s30, s30, $0xb8;
	[tilespmem:$0x1E640] =	vst v63  }
0x62: {  	_ =	swait.ge [sflag:s28], $0x500  }
0x63: {  	[sflag:s28] =	ssyncset.done $0x0  }
0x64: {  	[sflag:s28] =	ssyncadd.s32 $0xFFFFFB00  }
0x65: {  	[spmem:s6] =	stream.indirect.scatter.add.f32 [tilespmem:s29], [sflag:$0x5], $0x10, s7, s30, $0xb8;
	[tilespmem:$0x1E640] =	vst v63  }
0x66: {  	_ =	swait.ge [sflag:s28], $0x500  }
0x67: {  	s21 =	rddreg [dreg:$0x16]  }
0x68: {  	[sflag:s28] =	ssyncset.done $0x0;
	s23 =	sshrl.u32 s21, $0x3  }
0x69: {  	[sflag:s28] =	ssyncadd.s32 $0xFFFFFB00;
	s25 =	sadd.s32 s8, s23  }
0x6a: {  	[tilespmem:s7], [sflag:$0x5] =	stream.linear.gather [hbm4b:s25+s7], $0x50, $0x38;
	[tilespmem:$0x1E640] =	vst v63  }
0x6b: {  	_ =	swait.ge [sflag:s28], $0x50  }
0x6c: {  	[sflag:s28] =	ssyncset.done $0x0  }
0x6d: {  	s10 =	sadd.s32 s9, s23;
	[sflag:s28] =	ssyncadd.s32 $0xFFFFFFB0  }
0x6e: {  	[tilespmem:s30], [sflag:$0x5] =	stream.linear.gather [hbm4b:s10+s7], $0x50, $0x38;
	[tilespmem:$0x1E640] =	vst v63  }
0x6f: {  	_ =	swait.ge [sflag:s28], $0x50  }
0x70: {  	[sflag:s28] =	ssyncset.done $0x0  }
0x71: {  	[sflag:s28] =	ssyncadd.s32 $0xFFFFFFB0  }
0x72: {  	[tilespmem:s31], [sflag:$0x1] =	stream.indirect.gather [hbm4b:s1+s30], $0x40, s7, s30, $0xb8;
	[tilespmem:$0x1E640] =	vst v63  }
0x73: {  	_ = 	snop  }
0x74: {  	[tilespmem:s0], [sflag:$0x2] =	stream.indirect.gather [hbm4b:s1+s30], $0x40, s30, s30, $0xb8;
	[tilespmem:$0x1E640] =	vst v63  }
0x75: {  	_ =	swait.ge [sflag:s18], $0x1400  }
0x76: {  	[sflag:s18] =	ssyncset.done $0x0  }
0x77: {  	[sflag:s18] =	ssyncadd.s32 $0xFFFFEC00  }
0x78: {  	[spmem:s2] =	stream.indirect.scatter.add.f32 [tilespmem:s13], [sflag:$0x5], $0x40, s12, s30, $0xb8;
	[tilespmem:$0x1E640] =	vst v63  }
0x79: {  	_ =	swait.ge [sflag:s28], $0x1400  }
0x7a: {  	[sflag:s28] =	ssyncset.done $0x0  }
0x7b: {  	[sflag:s28] =	ssyncadd.s32 $0xFFFFEC00  }
0x7c: {  	_ =	swait.ge [sflag:s19], $0x1400  }
0x7d: {  	[sflag:s19] =	ssyncset.done $0x0  }
0x7e: {  	[sflag:s19] =	ssyncadd.s32 $0xFFFFEC00  }
0x7f: {  	[spmem:s3] =	stream.indirect.scatter.add.f32 [tilespmem:s15], [sflag:$0x5], $0x40, s4, s30, $0xb8;
	[tilespmem:$0x1E640] =	vst v63  }
0x80: {  	_ =	swait.ge [sflag:s28], $0x1400  }
0x81: {  	[sflag:s28] =	ssyncset.done $0x0  }
0x82: {  	[sflag:s28] =	ssyncadd.s32 $0xFFFFEC00  }
0x83: {  	[spmem:s5] =	stream.indirect.scatter.add.f32 [tilespmem:s29], [sflag:$0x5], $0x10, s12, s30, $0xb8;
	[tilespmem:$0x1E640] =	vst v63  }
0x84: {  	_ =	swait.ge [sflag:s28], $0x500  }
0x85: {  	[sflag:s28] =	ssyncset.done $0x0  }
0x86: {  	[sflag:s28] =	ssyncadd.s32 $0xFFFFFB00  }
0x87: {  	[spmem:s6] =	stream.indirect.scatter.add.f32 [tilespmem:s29], [sflag:$0x5], $0x10, s4, s30, $0xb8;
	[tilespmem:$0x1E640] =	vst v63  }
0x88: {  	s11 =	simm.s32 $0x14;
	_ =	swait.ge [sflag:s28], $0x500  }
0x89: {  	s25 =	simm.s32 $0x28;
	s10 =	sadd.s32 $0xA0, s21;
	[sflag:s28] =	ssyncset.done $0x0  }
.LBB2_2:
0x8a: {  	s22 =	sadd.s32 s11, s26;
	[sflag:s28] =	ssyncadd.s32 $0xFFFFFB00  }
0x8b: {  	[tilespmem:s4], [sflag:$0x5] =	stream.linear.gather [hbm4b:s22+s7], $0x50, $0x38;
	[tilespmem:$0x1E640] =	vst v63  }
0x8c: {  	s23 =	smov.u32 s25;
	s21 =	sadd.s32 $0x14, s25;
	_ =	swait.ge [sflag:s28], $0x50  }
0x8d: {  	p0 =	sne.s32 s25, $0x4C4;
	s25 =	rddreg [dreg:$0x7];
	[sflag:s28] =	ssyncset.done $0x0  }
0x8e: {  	[sflag:s28] =	ssyncadd.s32 $0xFFFFFFB0;
	s22 =	sadd.s32 s11, s25  }
0x8f: {  	[tilespmem:s12], [sflag:$0x5] =	stream.linear.gather [hbm4b:s22+s7], $0x50, $0x38;
	[tilespmem:$0x1E640] =	vst v63  }
0x90: {  	_ =	swait.ge [sflag:s28], $0x50  }
0x91: {  	[sflag:s28] =	ssyncset.done $0x0  }
0x92: {  	[sflag:s28] =	ssyncadd.s32 $0xFFFFFFB0  }
0x93: {  	[tilespmem:s13], [sflag:$0x3] =	stream.indirect.gather [hbm4b:s1+s30], $0x40, s4, s30, $0xb8;
	[tilespmem:$0x1E640] =	vst v63  }
0x94: {  	_ = 	snop  }
0x95: {  	[tilespmem:s15], [sflag:$0x4] =	stream.indirect.gather [hbm4b:s1+s30], $0x40, s12, s30, $0xb8;
	[tilespmem:$0x1E640] =	vst v63  }
0x96: {  	_ =	swait.ge [sflag:s16], $0x1400  }
0x97: {  	[sflag:s16] =	ssyncset.done $0x0  }
0x98: {  	[sflag:s16] =	ssyncadd.s32 $0xFFFFEC00  }
0x99: {  	[spmem:s2] =	stream.indirect.scatter.add.f32 [tilespmem:s31], [sflag:$0x5], $0x40, s30, s30, $0xb8;
	[tilespmem:$0x1E640] =	vst v63  }
0x9a: {  	_ =	swait.ge [sflag:s28], $0x1400  }
0x9b: {  	[sflag:s28] =	ssyncset.done $0x0  }
0x9c: {  	[sflag:s28] =	ssyncadd.s32 $0xFFFFEC00  }
0x9d: {  	_ =	swait.ge [sflag:s17], $0x1400  }
0x9e: {  	[sflag:s17] =	ssyncset.done $0x0  }
0x9f: {  	[sflag:s17] =	ssyncadd.s32 $0xFFFFEC00  }
0xa0: {  	[spmem:s3] =	stream.indirect.scatter.add.f32 [tilespmem:s0], [sflag:$0x5], $0x40, s7, s30, $0xb8;
	[tilespmem:$0x1E640] =	vst v63  }
0xa1: {  	_ =	swait.ge [sflag:s28], $0x1400  }
0xa2: {  	[sflag:s28] =	ssyncset.done $0x0  }
0xa3: {  	[sflag:s28] =	ssyncadd.s32 $0xFFFFEC00  }
0xa4: {  	[spmem:s5] =	stream.indirect.scatter.add.f32 [tilespmem:s29], [sflag:$0x5], $0x10, s30, s30, $0xb8;
	[tilespmem:$0x1E640] =	vst v63  }
0xa5: {  	_ =	swait.ge [sflag:s28], $0x500  }
0xa6: {  	[sflag:s28] =	ssyncset.done $0x0  }
0xa7: {  	[sflag:s28] =	ssyncadd.s32 $0xFFFFFB00  }
0xa8: {  	[spmem:s6] =	stream.indirect.scatter.add.f32 [tilespmem:s29], [sflag:$0x5], $0x10, s7, s30, $0xb8;
	[tilespmem:$0x1E640] =	vst v63  }
0xa9: {  	_ =	swait.ge [sflag:s28], $0x500  }
0xaa: {  	s22 =	sshrl.u32 s10, $0x3;
	[sflag:s28] =	ssyncset.done $0x0  }
0xab: {  	s25 =	sadd.s32 s8, s22;
	[sflag:s28] =	ssyncadd.s32 $0xFFFFFB00  }
0xac: {  	[tilespmem:s7], [sflag:$0x5] =	stream.linear.gather [hbm4b:s25+s7], $0x50, $0x38;
	[tilespmem:$0x1E640] =	vst v63  }
0xad: {  	_ =	swait.ge [sflag:s28], $0x50  }
0xae: {  	[sflag:s28] =	ssyncset.done $0x0  }
0xaf: {  	s22 =	sadd.s32 s9, s22;
	[sflag:s28] =	ssyncadd.s32 $0xFFFFFFB0  }
0xb0: {  	[tilespmem:s30], [sflag:$0x5] =	stream.linear.gather [hbm4b:s22+s7], $0x50, $0x38;
	[tilespmem:$0x1E640] =	vst v63  }
0xb1: {  	_ =	swait.ge [sflag:s28], $0x50  }
0xb2: {  	[sflag:s28] =	ssyncset.done $0x0  }
0xb3: {  	[sflag:s28] =	ssyncadd.s32 $0xFFFFFFB0  }
0xb4: {  	[tilespmem:s31], [sflag:$0x1] =	stream.indirect.gather [hbm4b:s1+s30], $0x40, s7, s30, $0xb8;
	[tilespmem:$0x1E640] =	vst v63  }
0xb5: {  	_ = 	snop  }
0xb6: {  	[tilespmem:s0], [sflag:$0x2] =	stream.indirect.gather [hbm4b:s1+s30], $0x40, s30, s30, $0xb8;
	[tilespmem:$0x1E640] =	vst v63  }
0xb7: {  	_ =	swait.ge [sflag:s18], $0x1400  }
0xb8: {  	[sflag:s18] =	ssyncset.done $0x0  }
0xb9: {  	[sflag:s18] =	ssyncadd.s32 $0xFFFFEC00  }
0xba: {  	[spmem:s2] =	stream.indirect.scatter.add.f32 [tilespmem:s13], [sflag:$0x5], $0x40, s12, s30, $0xb8;
	[tilespmem:$0x1E640] =	vst v63  }
0xbb: {  	_ =	swait.ge [sflag:s28], $0x1400  }
0xbc: {  	[sflag:s28] =	ssyncset.done $0x0  }
0xbd: {  	[sflag:s28] =	ssyncadd.s32 $0xFFFFEC00  }
0xbe: {  	_ =	swait.ge [sflag:s19], $0x1400  }
0xbf: {  	[sflag:s19] =	ssyncset.done $0x0  }
0xc0: {  	[sflag:s19] =	ssyncadd.s32 $0xFFFFEC00  }
0xc1: {  	[spmem:s3] =	stream.indirect.scatter.add.f32 [tilespmem:s15], [sflag:$0x5], $0x40, s4, s30, $0xb8;
	[tilespmem:$0x1E640] =	vst v63  }
0xc2: {  	_ =	swait.ge [sflag:s28], $0x1400  }
0xc3: {  	[sflag:s28] =	ssyncset.done $0x0  }
0xc4: {  	[sflag:s28] =	ssyncadd.s32 $0xFFFFEC00  }
0xc5: {  	[spmem:s5] =	stream.indirect.scatter.add.f32 [tilespmem:s29], [sflag:$0x5], $0x10, s12, s30, $0xb8;
	[tilespmem:$0x1E640] =	vst v63  }
0xc6: {  	_ =	swait.ge [sflag:s28], $0x500  }
.Ltmp0:
0xc7: {  	[sflag:s28] =	ssyncset.done $0x0;
	(pc) =	sbr.rel @p0 .LBB2_2-.Ltmp0, $4  }
0xc8: {  	[sflag:s28] =	ssyncadd.s32 $0xFFFFFB00  }
0xc9: {  	[spmem:s6] =	stream.indirect.scatter.add.f32 [tilespmem:s29], [sflag:$0x5], $0x10, s4, s30, $0xb8;
	[tilespmem:$0x1E640] =	vst v63  }
0xca: {  	s11 =	smov.u32 s23;
	_ =	swait.ge [sflag:s28], $0x500  }
0xcb: {  	s10 =	sadd.s32 $0xA0, s10;
	s25 =	smov.u32 s21;
	[sflag:s28] =	ssyncset.done $0x0  }
0xcc: {  	s21 =	sadd.s32 s11, s26;
	[sflag:s28] =	ssyncadd.s32 $0xFFFFFB00  }
0xcd: {  	[tilespmem:s4], [sflag:$0x5] =	stream.linear.gather [hbm4b:s21+s7], $0x50, $0x38;
	[tilespmem:$0x1E640] =	vst v63  }
0xce: {  	_ =	swait.ge [sflag:s28], $0x50  }
0xcf: {  	s22 =	rddreg [dreg:$0x7];
	[sflag:s28] =	ssyncset.done $0x0  }
0xd0: {  	s23 =	sadd.s32 s11, s22;
	[sflag:s28] =	ssyncadd.s32 $0xFFFFFFB0  }
0xd1: {  	[tilespmem:s12], [sflag:$0x5] =	stream.linear.gather [hbm4b:s23+s7], $0x50, $0x38;
	[tilespmem:$0x1E640] =	vst v63  }
0xd2: {  	_ =	swait.ge [sflag:s28], $0x50  }
0xd3: {  	[sflag:s28] =	ssyncset.done $0x0  }
0xd4: {  	[sflag:s28] =	ssyncadd.s32 $0xFFFFFFB0  }
0xd5: {  	[tilespmem:s13], [sflag:$0x3] =	stream.indirect.gather [hbm4b:s1+s30], $0x40, s4, s30, $0xb8;
	[tilespmem:$0x1E640] =	vst v63  }
0xd6: {  	_ = 	snop  }
0xd7: {  	[tilespmem:s15], [sflag:$0x4] =	stream.indirect.gather [hbm4b:s1+s30], $0x40, s12, s30, $0xb8;
	[tilespmem:$0x1E640] =	vst v63  }
0xd8: {  	_ =	swait.ge [sflag:s16], $0x1400  }
0xd9: {  	[sflag:s16] =	ssyncset.done $0x0  }
0xda: {  	[sflag:s16] =	ssyncadd.s32 $0xFFFFEC00  }
0xdb: {  	[spmem:s2] =	stream.indirect.scatter.add.f32 [tilespmem:s31], [sflag:$0x5], $0x40, s30, s30, $0xb8;
	[tilespmem:$0x1E640] =	vst v63  }
0xdc: {  	_ =	swait.ge [sflag:s28], $0x1400  }
0xdd: {  	[sflag:s28] =	ssyncset.done $0x0  }
0xde: {  	[sflag:s28] =	ssyncadd.s32 $0xFFFFEC00  }
0xdf: {  	_ =	swait.ge [sflag:s17], $0x1400  }
0xe0: {  	[sflag:s17] =	ssyncset.done $0x0  }
0xe1: {  	[sflag:s17] =	ssyncadd.s32 $0xFFFFEC00  }
0xe2: {  	[spmem:s3] =	stream.indirect.scatter.add.f32 [tilespmem:s0], [sflag:$0x5], $0x40, s7, s30, $0xb8;
	[tilespmem:$0x1E640] =	vst v63  }
0xe3: {  	_ =	swait.ge [sflag:s28], $0x1400  }
0xe4: {  	[sflag:s28] =	ssyncset.done $0x0  }
0xe5: {  	[sflag:s28] =	ssyncadd.s32 $0xFFFFEC00  }
0xe6: {  	[spmem:s5] =	stream.indirect.scatter.add.f32 [tilespmem:s29], [sflag:$0x5], $0x10, s30, s30, $0xb8;
	[tilespmem:$0x1E640] =	vst v63  }
0xe7: {  	_ =	swait.ge [sflag:s28], $0x500  }
0xe8: {  	[sflag:s28] =	ssyncset.done $0x0  }
0xe9: {  	[sflag:s28] =	ssyncadd.s32 $0xFFFFFB00  }
0xea: {  	[spmem:s6] =	stream.indirect.scatter.add.f32 [tilespmem:s29], [sflag:$0x5], $0x10, s7, s30, $0xb8;
	[tilespmem:$0x1E640] =	vst v63  }
0xeb: {  	_ =	swait.ge [sflag:s28], $0x500  }
0xec: {  	s10 =	sshrl.u32 s10, $0x3;
	[sflag:s28] =	ssyncset.done $0x0  }
0xed: {  	s25 =	sadd.s32 s8, s10;
	[sflag:s28] =	ssyncadd.s32 $0xFFFFFB00  }
0xee: {  	[tilespmem:s7], [sflag:$0x5] =	stream.linear.gather [hbm4b:s25+s7], $0x50, $0x38;
	[tilespmem:$0x1E640] =	vst v63  }
0xef: {  	_ =	swait.ge [sflag:s28], $0x50  }
0xf0: {  	[sflag:s28] =	ssyncset.done $0x0  }
0xf1: {  	s10 =	sadd.s32 s9, s10;
	[sflag:s28] =	ssyncadd.s32 $0xFFFFFFB0  }
0xf2: {  	[tilespmem:s30], [sflag:$0x5] =	stream.linear.gather [hbm4b:s10+s7], $0x50, $0x38;
	[tilespmem:$0x1E640] =	vst v63  }
0xf3: {  	_ =	swait.ge [sflag:s28], $0x50  }
0xf4: {  	[sflag:s28] =	ssyncset.done $0x0  }
0xf5: {  	[sflag:s28] =	ssyncadd.s32 $0xFFFFFFB0  }
0xf6: {  	[tilespmem:s31], [sflag:$0x1] =	stream.indirect.gather [hbm4b:s1+s30], $0x40, s7, s30, $0xb8;
	[tilespmem:$0x1E640] =	vst v63  }
0xf7: {  	_ = 	snop  }
0xf8: {  	[tilespmem:s0], [sflag:$0x2] =	stream.indirect.gather [hbm4b:s1+s30], $0x40, s30, s30, $0xb8;
	[tilespmem:$0x1E640] =	vst v63  }
0xf9: {  	_ =	swait.ge [sflag:s18], $0x1400  }
0xfa: {  	[sflag:s18] =	ssyncset.done $0x0  }
0xfb: {  	[sflag:s18] =	ssyncadd.s32 $0xFFFFEC00  }
0xfc: {  	[spmem:s2] =	stream.indirect.scatter.add.f32 [tilespmem:s13], [sflag:$0x5], $0x40, s12, s30, $0xb8;
	[tilespmem:$0x1E640] =	vst v63  }
0xfd: {  	_ =	swait.ge [sflag:s28], $0x1400  }
0xfe: {  	[sflag:s28] =	ssyncset.done $0x0  }
0xff: {  	[sflag:s28] =	ssyncadd.s32 $0xFFFFEC00  }
0x100: {  	_ =	swait.ge [sflag:s19], $0x1400  }
0x101: {  	[sflag:s19] =	ssyncset.done $0x0  }
0x102: {  	[sflag:s19] =	ssyncadd.s32 $0xFFFFEC00  }
0x103: {  	[spmem:s3] =	stream.indirect.scatter.add.f32 [tilespmem:s15], [sflag:$0x5], $0x40, s4, s30, $0xb8;
	[tilespmem:$0x1E640] =	vst v63  }
0x104: {  	_ =	swait.ge [sflag:s28], $0x1400  }
0x105: {  	[sflag:s28] =	ssyncset.done $0x0  }
0x106: {  	[sflag:s28] =	ssyncadd.s32 $0xFFFFEC00  }
0x107: {  	[spmem:s5] =	stream.indirect.scatter.add.f32 [tilespmem:s29], [sflag:$0x5], $0x10, s12, s30, $0xb8;
	[tilespmem:$0x1E640] =	vst v63  }
0x108: {  	_ =	swait.ge [sflag:s28], $0x500  }
0x109: {  	[sflag:s28] =	ssyncset.done $0x0  }
0x10a: {  	[sflag:s28] =	ssyncadd.s32 $0xFFFFFB00  }
0x10b: {  	[spmem:s6] =	stream.indirect.scatter.add.f32 [tilespmem:s29], [sflag:$0x5], $0x10, s4, s30, $0xb8;
	[tilespmem:$0x1E640] =	vst v63  }
0x10c: {  	_ =	swait.ge [sflag:s28], $0x500  }
0x10d: {  	[sflag:s28] =	ssyncset.done $0x0  }
0x10e: {  	[sflag:s28] =	ssyncadd.s32 $0xFFFFFB00  }
0x10f: {  	_ =	swait.ge [sflag:s16], $0x1400  }
0x110: {  	[sflag:s16] =	ssyncset.done $0x0  }
0x111: {  	[sflag:s16] =	ssyncadd.s32 $0xFFFFEC00  }
0x112: {  	[spmem:s2] =	stream.indirect.scatter.add.f32 [tilespmem:s31], [sflag:$0x5], $0x40, s30, s30, $0xb8;
	[tilespmem:$0x1E640] =	vst v63  }
0x113: {  	_ =	swait.ge [sflag:s28], $0x1400  }
0x114: {  	[sflag:s28] =	ssyncset.done $0x0  }
0x115: {  	[sflag:s28] =	ssyncadd.s32 $0xFFFFEC00  }
0x116: {  	_ =	swait.ge [sflag:s17], $0x1400  }
0x117: {  	[sflag:s17] =	ssyncset.done $0x0  }
0x118: {  	[sflag:s17] =	ssyncadd.s32 $0xFFFFEC00  }
0x119: {  	[spmem:s3] =	stream.indirect.scatter.add.f32 [tilespmem:s0], [sflag:$0x5], $0x40, s7, s30, $0xb8;
	[tilespmem:$0x1E640] =	vst v63  }
0x11a: {  	_ =	swait.ge [sflag:s28], $0x1400  }
0x11b: {  	[sflag:s28] =	ssyncset.done $0x0  }
0x11c: {  	[sflag:s28] =	ssyncadd.s32 $0xFFFFEC00  }
0x11d: {  	[spmem:s5] =	stream.indirect.scatter.add.f32 [tilespmem:s29], [sflag:$0x5], $0x10, s30, s30, $0xb8;
	[tilespmem:$0x1E640] =	vst v63  }
0x11e: {  	_ =	swait.ge [sflag:s28], $0x500  }
0x11f: {  	[sflag:s28] =	ssyncset.done $0x0  }
0x120: {  	[sflag:s28] =	ssyncadd.s32 $0xFFFFFB00  }
0x121: {  	[spmem:s6] =	stream.indirect.scatter.add.f32 [tilespmem:s29], [sflag:$0x5], $0x10, s7, s30, $0xb8;
	[tilespmem:$0x1E640] =	vst v63  }
0x122: {  	_ =	swait.ge [sflag:s28], $0x500  }
0x123: {  	[sflag:s28] =	ssyncset.done $0x0  }
0x124: {  	[sflag:s28] =	ssyncadd.s32 $0xFFFFFB00  }
0x125: {  	[bflag:$0x0] =	sbarrier.arrive $0xFFFF  }
0x126: {  	s21 =	rddreg [dreg:$0x11]  }
0x127: {  	s22 =	rddreg [dreg:$0x17]  }
0x128: {  	[hbm:s21], [sflag:s14] =	dma.local [spmem:s22], $0x1400  }
0x129: {  	_ =	swait.ge [sflag:s28], $0x1400  }
0x12a: {  	[sflag:s28] =	ssyncset.done $0x0;
	s23 =	rddreg [dreg:$0x12]  }
0x12b: {  	s25 =	rddreg [dreg:$0x18];
	[sflag:s28] =	ssyncadd.s32 $0xFFFFEC00  }
0x12c: {  	[hbm:s23], [sflag:s14] =	dma.local [spmem:s25], $0x1400  }
0x12d: {  	_ =	swait.ge [sflag:s28], $0x1400  }
0x12e: {  	[sflag:s28] =	ssyncset.done $0x0;
	s21 =	rddreg [dreg:$0x13]  }
0x12f: {  	s22 =	rddreg [dreg:$0x19];
	[sflag:s28] =	ssyncadd.s32 $0xFFFFEC00  }
0x130: {  	[hbm:s21], [sflag:s14] =	dma.local [spmem:s22], $0x500  }
0x131: {  	_ =	swait.ge [sflag:s28], $0x500  }
0x132: {  	[sflag:s28] =	ssyncset.done $0x0  }
0x133: {  	s23 =	rddreg [dreg:$0x14];
	[sflag:s28] =	ssyncadd.s32 $0xFFFFFB00  }
0x134: {  	[hbm:s23], [sflag:s14] =	dma.local [spmem:s24], $0x500  }
0x135: {  	_ =	swait.ge [sflag:s28], $0x500  }
0x136: {  	s20 =	sadd.s32 $0x1, s20;
	s25 =	rddreg [dreg:$0x15]  }
0x137: {  	p0 =	sne.s32 s20, s25  }
.Ltmp1:
0x138: {  	_ = 	snop;
	(pc) =	sbr.rel @p0 .LBB2_1-.Ltmp1, $3  }
0x139: {  	_ =	sdelay $0x1  }
0x13a: {  	[sflag:s28] =	ssyncset.done $0x0  }
0x13b: {  	[sflag:s28] =	ssyncadd.s32 $0xFFFFFB00  }
0x13c: {  	_ =	sfence.sel $0x180000  }
0x13d: {  	[bflag:$0x0] =	sbarrier.arrive $0xFFFF  }
0x13e: {  	_ =	strace $0x90000047  }
0x13f: {  	s0 =	stileid.u32;
	[bflag:$0x2] =	sbarrier.arrive $0xFFFF  }
0x140: {  	p0 =	sne.s32 s0, $0x0;
	s0 =	rddreg [dreg:$0x6]  }
0x141: {  	s0 =	sadd.s32 @!p0 $0x100000, s0  }
0x142: {  	[sflag:s0] =	ssyncadd.tile.s32 @!p0 $0x1;
	_ =	shalt  }
.Lfunc_end2:
_tile_overlayer_lowered:
.L_overlay_start_2:
0x143: {  	(tag) =	ssettag $0x2  }
0x144: {  	s0 =	rddreg [dreg:$0x0];
	s2 =	stileid.u32  }
0x145: {  	s1 =	rddreg [dreg:$0x1];
	p0 =	sne.s32 s2, $0x0  }
0x146: {  	s3 =	rddreg [dreg:$0x2];
	[bflag:$0x3] =	sbarrier.arrive $0xFFFF;
	s2 =	simm.s32 @!p0 $0x1C05  }
0x147: {  	[timem:s3], [sflag:s2] =	dma.local @!p0 [hbm:s0], s1  }
0x148: {  	s0 =	simm.s32 @!p0 $0x5  }
0x149: {  	_ =	swait.ge @!p0 [sflag:s0], s1  }
0x14a: {  	s1 =	ssub.s32 @!p0 $0x0, s1;
	[sflag:s0] =	ssyncset.done @!p0 $0x0  }
0x14b: {  	[sflag:s0] =	ssyncadd.s32 @!p0 s1  }
0x14c: {  	[bflag:$0x3] =	sbarrier.arrive $0xFFFF  }
0x14d: {  	_ =	shalt  }

</sc_bundles>
